<compile_context>
chip_gen: v7x
topology: tpu7x:2x2x1
jax: 0.10.2.dev20260603
libtpu: 0.0.44.dev20260713+nightly
codegen_flags: <defaults>
</compile_context>

<pallas_src>
import jax
import jax.numpy as jnp
from jax import lax
from jax.experimental import pallas as pl
from jax.experimental.pallas import tpu as pltpu
from jax.experimental.pallas import tpu_sc as plsc

B = 16
S = 4096
D = 512
T = 32768
NC = 2
NS = 16
NW = NC * NS
C = 32
NP = 4


def _sc_copy_body(flat_hbm, cu_hbm, out_hbm,
                  cu_v, idx0, idx1, idx2, idx3,
                  zbuf, buf0, buf1, buf2, buf3,
                  gsem0, gsem1, gsem2, gsem3,
                  ssem0, ssem1, ssem2, ssem3, zsem):
    w = lax.axis_index("s") * NC + lax.axis_index("c")
    pltpu.sync_copy(cu_hbm, cu_v.at[pl.ds(0, B + 1)])
    iota = lax.iota(jnp.int32, 16)
    zero16 = jnp.zeros((16,), jnp.float32)

    def _zb(rw, carry):
        for k in range(D // 16):
            zbuf[rw, pl.ds(k * 16, 16)] = zero16
        return carry

    lax.fori_loop(0, C, _zb, 0)

    bufs = (buf0, buf1, buf2, buf3)
    idxs = (idx0, idx1, idx2, idx3)
    gsems = (gsem0, gsem1, gsem2, gsem3)
    ssems = (ssem0, ssem1, ssem2, ssem3)

    def chunk_params(b, p):
        j = ((w + 2 * b) & 31) + 32 * p
        lo_b = cu_v[pl.ds(b, 16)][0]
        eff_b = jnp.minimum(cu_v[pl.ds(b + 1, 16)][0] - lo_b, S)
        dst = b * S + j * C
        src = lo_b + j * C
        v = jnp.clip(eff_b - j * C, 0, C)
        return src, dst, v

    def gather(p):
        return pltpu.make_async_copy(flat_hbm.at[idxs[p]], bufs[p], gsems[p])

    def scatter(dst, p):
        return pltpu.make_async_copy(
            bufs[p], out_hbm.at[pl.ds(dst, C)], ssems[p])

    def zscatter(dst):
        return pltpu.make_async_copy(zbuf, out_hbm.at[pl.ds(dst, C)], zsem)

    def _zs(b, nz):
        for p in range(NP):
            src, dst, v = chunk_params(b, p)

            @pl.when(v == 0)
            def _(dst=dst):
                zscatter(dst).start()
            nz = nz + (v == 0).astype(jnp.int32)
        return nz

    nzero = lax.fori_loop(0, B, _zs, jnp.int32(0))

    def _ring(b, pending):
        prms = [chunk_params(b, p) for p in range(NP)]
        for p in range(NP):
            src, dst, v = prms[p]

            @pl.when(v > 0)
            def _(src=src, p=p):
                @pl.when(pending[p])
                def _():
                    scatter(0, p).wait()
                for k in range(C // 16):
                    idxs[p][pl.ds(k * 16, 16)] = jnp.minimum(
                        src + k * 16 + iota, T - 1)
                gather(p).start()
        new_pending = []
        for p in range(NP):
            src, dst, v = prms[p]

            @pl.when(v > 0)
            def _(dst=dst, v=v, p=p):
                gather(p).wait()

                @pl.when(v < C)
                def _():
                    def _zr(rw, carry):
                        for k in range(D // 16):
                            bufs[p][rw, pl.ds(k * 16, 16)] = zero16
                        return carry

                    lax.fori_loop(v, C, _zr, 0)

                scatter(dst, p).start()
            new_pending.append(pending[p] | (v > 0))
        return tuple(new_pending)

    pending = lax.fori_loop(0, B, _ring, (jnp.bool_(False),) * NP)

    for p in range(NP):
        @pl.when(pending[p])
        def _(p=p):
            scatter(0, p).wait()

    def _zd(i, carry):
        zscatter(0).wait()
        return carry

    lax.fori_loop(0, nzero, _zd, 0)


_SCRATCH = (
    [pltpu.VMEM((2 * B + 1,), jnp.int32)]
    + [pltpu.VMEM((C,), jnp.int32) for _ in range(NP)]
    + [pltpu.VMEM((C, D), jnp.float32) for _ in range(NP + 1)]
    + [pltpu.SemaphoreType.DMA for _ in range(2 * NP + 1)]
)

_sc_copy = pl.kernel(
    _sc_copy_body,
    out_type=jax.ShapeDtypeStruct((B * S, D), jnp.float32),
    mesh=plsc.VectorSubcoreMesh(core_axis_name="c", subcore_axis_name="s"),
    scratch_types=_SCRATCH,
)


def _mask_body(cu_ref, mask_ref):
    iota = lax.broadcasted_iota(jnp.int32, (1, S), 1)
    for b in range(B):
        l = jnp.minimum(cu_ref[b + 1] - cu_ref[b], S)
        mask_ref[b:b + 1, :] = iota < l


def _mask_call(cu):
    return pl.pallas_call(
        _mask_body,
        in_specs=[pl.BlockSpec(memory_space=pltpu.SMEM)],
        out_shape=jax.ShapeDtypeStruct((B, S), jnp.bool_),
    )(cu)


def kernel(flat_encodings, cu_seqlens):
    cu = cu_seqlens.astype(jnp.int32)
    out = _sc_copy(flat_encodings, cu)
    mask = _mask_call(cu)
    return out.reshape(B, S, D), mask

# --- scband reference (transcript-rebuilt; emitter-appended) ---
"""Pipeline reference for scband-method-code-encodings-feeder-2705829396962 (READ-ONLY COPY).

The authoritative reference and input builder live on the scoring server;
editing this copy changes nothing except your own understanding.
"""

import jax, jax.numpy as jnp
import numpy as np

B = 16
S = 4096
D = 512
T = 32768


def setup_inputs(seed: int = 0) -> dict:
    key = jax.random.key(seed)
    k1, k2 = jax.random.split(key)
    flat_encodings = jax.random.normal(k1, (T, D), dtype=jnp.float32)
    cu = jnp.sort(jax.random.randint(k2, (B + 1,), 0, T, dtype=jnp.int32))
    cu = cu.at[0].set(0)
    cu = cu.at[-1].set(T)
    return {"flat_encodings": flat_encodings, "cu_seqlens": cu}


def reference(flat_encodings, cu_seqlens):
    # MethodCodeEncodingsFeeder: select the flat per-token encoder outputs,
    # unflatten them to example-major [B, S, D] (the decoder's expected layout),
    # and return the matching padding mask.
    cu = cu_seqlens.astype(jnp.int32)
    lengths = cu[1:] - cu[:-1]
    tok = jnp.arange(T, dtype=jnp.int32)
    # segment id of each flat token
    seg = jnp.searchsorted(cu, tok, side='right') - 1
    seg = jnp.clip(seg, 0, B - 1)
    # position of each token within its example (tokens beyond max_seqlen are truncated/dropped)
    pos = tok - cu[seg]
    encoder_outputs = jnp.zeros((B, S, D), dtype=flat_encodings.dtype).at[seg, pos].set(
        flat_encodings, mode='drop')
    eff_len = jnp.minimum(lengths, S)
    encoder_outputs_mask = jnp.arange(S, dtype=jnp.int32)[None, :] < eff_len[:, None]
    assert encoder_outputs.ndim == 3
    assert encoder_outputs.shape[:-1] == encoder_outputs_mask.shape
    return (encoder_outputs, encoder_outputs_mask)

if __name__ == "__main__":
    import jax
    _d = setup_inputs()
    print(jax.jit(kernel)(*tuple(_d.values())))

</pallas_src>

<mosaic_0001>
#map = affine_map<(d0, d1) -> (0, 0)>
#map1 = affine_map<(d0, d1) -> (0)>
module attributes {stable_mosaic.version = 14 : i64} {
  func.func @_sc_copy_body(%arg0: i32, %arg1: i32, %arg2: memref<32768x512xf32, #tpu.memory_space<hbm>>, %arg3: memref<17xi32, #tpu.memory_space<hbm>>, %arg4: memref<65536x512xf32, #tpu.memory_space<hbm>>, %arg5: memref<33xi32, #tpu.memory_space<vmem>>, %arg6: memref<32xi32, #tpu.memory_space<vmem>>, %arg7: memref<32xi32, #tpu.memory_space<vmem>>, %arg8: memref<32xi32, #tpu.memory_space<vmem>>, %arg9: memref<32xi32, #tpu.memory_space<vmem>>, %arg10: memref<32x512xf32, #tpu.memory_space<vmem>>, %arg11: memref<32x512xf32, #tpu.memory_space<vmem>>, %arg12: memref<32x512xf32, #tpu.memory_space<vmem>>, %arg13: memref<32x512xf32, #tpu.memory_space<vmem>>, %arg14: memref<32x512xf32, #tpu.memory_space<vmem>>, %arg15: memref<!tpu.dma_semaphore, #tpu.memory_space<semaphore_mem>>, %arg16: memref<!tpu.dma_semaphore, #tpu.memory_space<semaphore_mem>>, %arg17: memref<!tpu.dma_semaphore, #tpu.memory_space<semaphore_mem>>, %arg18: memref<!tpu.dma_semaphore, #tpu.memory_space<semaphore_mem>>, %arg19: memref<!tpu.dma_semaphore, #tpu.memory_space<semaphore_mem>>, %arg20: memref<!tpu.dma_semaphore, #tpu.memory_space<semaphore_mem>>, %arg21: memref<!tpu.dma_semaphore, #tpu.memory_space<semaphore_mem>>, %arg22: memref<!tpu.dma_semaphore, #tpu.memory_space<semaphore_mem>>, %arg23: memref<!tpu.dma_semaphore, #tpu.memory_space<semaphore_mem>>) attributes {dimension_semantics = [#tpu.dimension_semantics<core_parallel>, #tpu.dimension_semantics<subcore_parallel>], iteration_bounds = array<i64: 2, 16>, scalar_prefetch = 0 : i64, scratch_operands = 19 : i64, tpu.core_type = #tpu.core_type<sc_vector_subcore>, window_params = [{transform_indices = #map}, {transform_indices = #map1}, {transform_indices = #map}]} {
    %mul3A = arith.constant 2 : i32
    %mul3A_0 = arith.muli %arg1, %mul3A : i32
    %add3A = arith.addi %mul3A_0, %arg0 : i32
    "tpu.region"() ({
      %run_scoped3A = tpu.sem_alloc : memref<!tpu.dma_semaphore, #tpu.memory_space<semaphore_mem>>
      %dma_start3A = arith.constant 0 : i32
      %dma_start3A_43 = tpu.memref_slice %arg5[%dma_start3A] : memref<33xi32, #tpu.memory_space<vmem>> -> memref<17xi32, #tpu.memory_space<vmem>>
      %dma_start3A_44 = arith.constant 0 : i32
      %dma_start3A_45 = tpu.memref_slice %arg5[%dma_start3A_44] : memref<33xi32, #tpu.memory_space<vmem>> -> memref<17xi32, #tpu.memory_space<vmem>>
      tpu.enqueue_dma source(%arg3 : memref<17xi32, #tpu.memory_space<hbm>>) target(%dma_start3A_45 : memref<17xi32, #tpu.memory_space<vmem>>) target_semaphore(%run_scoped3A : memref<!tpu.dma_semaphore, #tpu.memory_space<semaphore_mem>>)
      %dma_wait3A = arith.constant 0 : i32
      %dma_wait3A_46 = tpu.memref_slice %arg5[%dma_wait3A] : memref<33xi32, #tpu.memory_space<vmem>> -> memref<17xi32, #tpu.memory_space<vmem>>
      %dma_wait3A_47 = arith.constant 0 : i32
      %dma_wait3A_48 = tpu.memref_slice %arg5[%dma_wait3A_47] : memref<33xi32, #tpu.memory_space<vmem>> -> memref<17xi32, #tpu.memory_space<vmem>>
      tpu.wait_dma2 semaphore(%run_scoped3A : memref<!tpu.dma_semaphore, #tpu.memory_space<semaphore_mem>>) src(%arg3 : memref<17xi32, #tpu.memory_space<hbm>>) dst(%dma_wait3A_48 : memref<17xi32, #tpu.memory_space<vmem>>)
      tpu.yield
    }) : () -> ()
    %iota3A = tpu.iota {dimensions = array<i32: 0>} : vector<16xi32>
    %broadcast_in_dim3A = arith.constant 0.000000e+00 : f32
    %broadcast_in_dim3A_1 = vector.broadcast %broadcast_in_dim3A : f32 to vector<16xf32>
    %scan3A = arith.constant 0 : i32
    %scan3A_2 = arith.constant 0 : i32
    %scan3A_3 = arith.constant 32 : i32
    %scan3A_4 = arith.addi %scan3A_2, %scan3A_3 : i32
    %scan3A_5 = arith.constant 1 : i32
    scf.for %scan3A_43 = %scan3A_2 to %scan3A_4 step %scan3A_5  : i32 {
      %swap3A = arith.index_cast %scan3A_43 : i32 to index
      %swap3A_44 = arith.constant 0 : index
      %swap3A_45 = tpu.vector_load %arg10[%swap3A, %swap3A_44] {strides = array<i32>} : memref<32x512xf32, #tpu.memory_space<vmem>>, vector<1x16xf32>,
      %swap3A_46 = vector.shape_cast %swap3A_45 : vector<1x16xf32> to vector<16xf32>
      %swap3A_47 = vector.shape_cast %broadcast_in_dim3A_1 : vector<16xf32> to vector<1x16xf32>
      tpu.vector_store %arg10[%swap3A, %swap3A_44], %swap3A_47 {strides = array<i32>} : memref<32x512xf32, #tpu.memory_space<vmem>>, vector<1x16xf32>,
      %swap3A_48 = arith.index_cast %scan3A_43 : i32 to index
      %swap3A_49 = arith.constant 16 : index
      %swap3A_50 = tpu.vector_load %arg10[%swap3A_48, %swap3A_49] {strides = array<i32>} : memref<32x512xf32, #tpu.memory_space<vmem>>, vector<1x16xf32>,
      %swap3A_51 = vector.shape_cast %swap3A_50 : vector<1x16xf32> to vector<16xf32>
      %swap3A_52 = vector.shape_cast %broadcast_in_dim3A_1 : vector<16xf32> to vector<1x16xf32>
      tpu.vector_store %arg10[%swap3A_48, %swap3A_49], %swap3A_52 {strides = array<i32>} : memref<32x512xf32, #tpu.memory_space<vmem>>, vector<1x16xf32>,
      %swap3A_53 = arith.index_cast %scan3A_43 : i32 to index
      %swap3A_54 = arith.constant 32 : index
      %swap3A_55 = tpu.vector_load %arg10[%swap3A_53, %swap3A_54] {strides = array<i32>} : memref<32x512xf32, #tpu.memory_space<vmem>>, vector<1x16xf32>,
      %swap3A_56 = vector.shape_cast %swap3A_55 : vector<1x16xf32> to vector<16xf32>
      %swap3A_57 = vector.shape_cast %broadcast_in_dim3A_1 : vector<16xf32> to vector<1x16xf32>
      tpu.vector_store %arg10[%swap3A_53, %swap3A_54], %swap3A_57 {strides = array<i32>} : memref<32x512xf32, #tpu.memory_space<vmem>>, vector<1x16xf32>,
      %swap3A_58 = arith.index_cast %scan3A_43 : i32 to index
      %swap3A_59 = arith.constant 48 : index
      %swap3A_60 = tpu.vector_load %arg10[%swap3A_58, %swap3A_59] {strides = array<i32>} : memref<32x512xf32, #tpu.memory_space<vmem>>, vector<1x16xf32>,
      %swap3A_61 = vector.shape_cast %swap3A_60 : vector<1x16xf32> to vector<16xf32>
      %swap3A_62 = vector.shape_cast %broadcast_in_dim3A_1 : vector<16xf32> to vector<1x16xf32>
      tpu.vector_store %arg10[%swap3A_58, %swap3A_59], %swap3A_62 {strides = array<i32>} : memref<32x512xf32, #tpu.memory_space<vmem>>, vector<1x16xf32>,
      %swap3A_63 = arith.index_cast %scan3A_43 : i32 to index
      %swap3A_64 = arith.constant 64 : index
      %swap3A_65 = tpu.vector_load %arg10[%swap3A_63, %swap3A_64] {strides = array<i32>} : memref<32x512xf32, #tpu.memory_space<vmem>>, vector<1x16xf32>,
      %swap3A_66 = vector.shape_cast %swap3A_65 : vector<1x16xf32> to vector<16xf32>
      %swap3A_67 = vector.shape_cast %broadcast_in_dim3A_1 : vector<16xf32> to vector<1x16xf32>
      tpu.vector_store %arg10[%swap3A_63, %swap3A_64], %swap3A_67 {strides = array<i32>} : memref<32x512xf32, #tpu.memory_space<vmem>>, vector<1x16xf32>,
      %swap3A_68 = arith.index_cast %scan3A_43 : i32 to index
      %swap3A_69 = arith.constant 80 : index
      %swap3A_70 = tpu.vector_load %arg10[%swap3A_68, %swap3A_69] {strides = array<i32>} : memref<32x512xf32, #tpu.memory_space<vmem>>, vector<1x16xf32>,
      %swap3A_71 = vector.shape_cast %swap3A_70 : vector<1x16xf32> to vector<16xf32>
      %swap3A_72 = vector.shape_cast %broadcast_in_dim3A_1 : vector<16xf32> to vector<1x16xf32>
      tpu.vector_store %arg10[%swap3A_68, %swap3A_69], %swap3A_72 {strides = array<i32>} : memref<32x512xf32, #tpu.memory_space<vmem>>, vector<1x16xf32>,
      %swap3A_73 = arith.index_cast %scan3A_43 : i32 to index
      %swap3A_74 = arith.constant 96 : index
      %swap3A_75 = tpu.vector_load %arg10[%swap3A_73, %swap3A_74] {strides = array<i32>} : memref<32x512xf32, #tpu.memory_space<vmem>>, vector<1x16xf32>,
      %swap3A_76 = vector.shape_cast %swap3A_75 : vector<1x16xf32> to vector<16xf32>
      %swap3A_77 = vector.shape_cast %broadcast_in_dim3A_1 : vector<16xf32> to vector<1x16xf32>
      tpu.vector_store %arg10[%swap3A_73, %swap3A_74], %swap3A_77 {strides = array<i32>} : memref<32x512xf32, #tpu.memory_space<vmem>>, vector<1x16xf32>,
      %swap3A_78 = arith.index_cast %scan3A_43 : i32 to index
      %swap3A_79 = arith.constant 112 : index
      %swap3A_80 = tpu.vector_load %arg10[%swap3A_78, %swap3A_79] {strides = array<i32>} : memref<32x512xf32, #tpu.memory_space<vmem>>, vector<1x16xf32>,
      %swap3A_81 = vector.shape_cast %swap3A_80 : vector<1x16xf32> to vector<16xf32>
      %swap3A_82 = vector.shape_cast %broadcast_in_dim3A_1 : vector<16xf32> to vector<1x16xf32>
      tpu.vector_store %arg10[%swap3A_78, %swap3A_79], %swap3A_82 {strides = array<i32>} : memref<32x512xf32, #tpu.memory_space<vmem>>, vector<1x16xf32>,
      %swap3A_83 = arith.index_cast %scan3A_43 : i32 to index
      %swap3A_84 = arith.constant 128 : index
      %swap3A_85 = tpu.vector_load %arg10[%swap3A_83, %swap3A_84] {strides = array<i32>} : memref<32x512xf32, #tpu.memory_space<vmem>>, vector<1x16xf32>,
      %swap3A_86 = vector.shape_cast %swap3A_85 : vector<1x16xf32> to vector<16xf32>
      %swap3A_87 = vector.shape_cast %broadcast_in_dim3A_1 : vector<16xf32> to vector<1x16xf32>
      tpu.vector_store %arg10[%swap3A_83, %swap3A_84], %swap3A_87 {strides = array<i32>} : memref<32x512xf32, #tpu.memory_space<vmem>>, vector<1x16xf32>,
      %swap3A_88 = arith.index_cast %scan3A_43 : i32 to index
      %swap3A_89 = arith.constant 144 : index
      %swap3A_90 = tpu.vector_load %arg10[%swap3A_88, %swap3A_89] {strides = array<i32>} : memref<32x512xf32, #tpu.memory_space<vmem>>, vector<1x16xf32>,
      %swap3A_91 = vector.shape_cast %swap3A_90 : vector<1x16xf32> to vector<16xf32>
      %swap3A_92 = vector.shape_cast %broadcast_in_dim3A_1 : vector<16xf32> to vector<1x16xf32>
      tpu.vector_store %arg10[%swap3A_88, %swap3A_89], %swap3A_92 {strides = array<i32>} : memref<32x512xf32, #tpu.memory_space<vmem>>, vector<1x16xf32>,
      %swap3A_93 = arith.index_cast %scan3A_43 : i32 to index
      %swap3A_94 = arith.constant 160 : index
      %swap3A_95 = tpu.vector_load %arg10[%swap3A_93, %swap3A_94] {strides = array<i32>} : memref<32x512xf32, #tpu.memory_space<vmem>>, vector<1x16xf32>,
      %swap3A_96 = vector.shape_cast %swap3A_95 : vector<1x16xf32> to vector<16xf32>
      %swap3A_97 = vector.shape_cast %broadcast_in_dim3A_1 : vector<16xf32> to vector<1x16xf32>
      tpu.vector_store %arg10[%swap3A_93, %swap3A_94], %swap3A_97 {strides = array<i32>} : memref<32x512xf32, #tpu.memory_space<vmem>>, vector<1x16xf32>,
      %swap3A_98 = arith.index_cast %scan3A_43 : i32 to index
      %swap3A_99 = arith.constant 176 : index
      %swap3A_100 = tpu.vector_load %arg10[%swap3A_98, %swap3A_99] {strides = array<i32>} : memref<32x512xf32, #tpu.memory_space<vmem>>, vector<1x16xf32>,
      %swap3A_101 = vector.shape_cast %swap3A_100 : vector<1x16xf32> to vector<16xf32>
      %swap3A_102 = vector.shape_cast %broadcast_in_dim3A_1 : vector<16xf32> to vector<1x16xf32>
      tpu.vector_store %arg10[%swap3A_98, %swap3A_99], %swap3A_102 {strides = array<i32>} : memref<32x512xf32, #tpu.memory_space<vmem>>, vector<1x16xf32>,
      %swap3A_103 = arith.index_cast %scan3A_43 : i32 to index
      %swap3A_104 = arith.constant 192 : index
      %swap3A_105 = tpu.vector_load %arg10[%swap3A_103, %swap3A_104] {strides = array<i32>} : memref<32x512xf32, #tpu.memory_space<vmem>>, vector<1x16xf32>,
      %swap3A_106 = vector.shape_cast %swap3A_105 : vector<1x16xf32> to vector<16xf32>
      %swap3A_107 = vector.shape_cast %broadcast_in_dim3A_1 : vector<16xf32> to vector<1x16xf32>
      tpu.vector_store %arg10[%swap3A_103, %swap3A_104], %swap3A_107 {strides = array<i32>} : memref<32x512xf32, #tpu.memory_space<vmem>>, vector<1x16xf32>,
      %swap3A_108 = arith.index_cast %scan3A_43 : i32 to index
      %swap3A_109 = arith.constant 208 : index
      %swap3A_110 = tpu.vector_load %arg10[%swap3A_108, %swap3A_109] {strides = array<i32>} : memref<32x512xf32, #tpu.memory_space<vmem>>, vector<1x16xf32>,
      %swap3A_111 = vector.shape_cast %swap3A_110 : vector<1x16xf32> to vector<16xf32>
      %swap3A_112 = vector.shape_cast %broadcast_in_dim3A_1 : vector<16xf32> to vector<1x16xf32>
      tpu.vector_store %arg10[%swap3A_108, %swap3A_109], %swap3A_112 {strides = array<i32>} : memref<32x512xf32, #tpu.memory_space<vmem>>, vector<1x16xf32>,
      %swap3A_113 = arith.index_cast %scan3A_43 : i32 to index
      %swap3A_114 = arith.constant 224 : index
      %swap3A_115 = tpu.vector_load %arg10[%swap3A_113, %swap3A_114] {strides = array<i32>} : memref<32x512xf32, #tpu.memory_space<vmem>>, vector<1x16xf32>,
      %swap3A_116 = vector.shape_cast %swap3A_115 : vector<1x16xf32> to vector<16xf32>
      %swap3A_117 = vector.shape_cast %broadcast_in_dim3A_1 : vector<16xf32> to vector<1x16xf32>
      tpu.vector_store %arg10[%swap3A_113, %swap3A_114], %swap3A_117 {strides = array<i32>} : memref<32x512xf32, #tpu.memory_space<vmem>>, vector<1x16xf32>,
      %swap3A_118 = arith.index_cast %scan3A_43 : i32 to index
      %swap3A_119 = arith.constant 240 : index
      %swap3A_120 = tpu.vector_load %arg10[%swap3A_118, %swap3A_119] {strides = array<i32>} : memref<32x512xf32, #tpu.memory_space<vmem>>, vector<1x16xf32>,
      %swap3A_121 = vector.shape_cast %swap3A_120 : vector<1x16xf32> to vector<16xf32>
      %swap3A_122 = vector.shape_cast %broadcast_in_dim3A_1 : vector<16xf32> to vector<1x16xf32>
      tpu.vector_store %arg10[%swap3A_118, %swap3A_119], %swap3A_122 {strides = array<i32>} : memref<32x512xf32, #tpu.memory_space<vmem>>, vector<1x16xf32>,
      %swap3A_123 = arith.index_cast %scan3A_43 : i32 to index
      %swap3A_124 = arith.constant 256 : index
      %swap3A_125 = tpu.vector_load %arg10[%swap3A_123, %swap3A_124] {strides = array<i32>} : memref<32x512xf32, #tpu.memory_space<vmem>>, vector<1x16xf32>,
      %swap3A_126 = vector.shape_cast %swap3A_125 : vector<1x16xf32> to vector<16xf32>
      %swap3A_127 = vector.shape_cast %broadcast_in_dim3A_1 : vector<16xf32> to vector<1x16xf32>
      tpu.vector_store %arg10[%swap3A_123, %swap3A_124], %swap3A_127 {strides = array<i32>} : memref<32x512xf32, #tpu.memory_space<vmem>>, vector<1x16xf32>,
      %swap3A_128 = arith.index_cast %scan3A_43 : i32 to index
      %swap3A_129 = arith.constant 272 : index
      %swap3A_130 = tpu.vector_load %arg10[%swap3A_128, %swap3A_129] {strides = array<i32>} : memref<32x512xf32, #tpu.memory_space<vmem>>, vector<1x16xf32>,
      %swap3A_131 = vector.shape_cast %swap3A_130 : vector<1x16xf32> to vector<16xf32>
      %swap3A_132 = vector.shape_cast %broadcast_in_dim3A_1 : vector<16xf32> to vector<1x16xf32>
      tpu.vector_store %arg10[%swap3A_128, %swap3A_129], %swap3A_132 {strides = array<i32>} : memref<32x512xf32, #tpu.memory_space<vmem>>, vector<1x16xf32>,
      %swap3A_133 = arith.index_cast %scan3A_43 : i32 to index
      %swap3A_134 = arith.constant 288 : index
      %swap3A_135 = tpu.vector_load %arg10[%swap3A_133, %swap3A_134] {strides = array<i32>} : memref<32x512xf32, #tpu.memory_space<vmem>>, vector<1x16xf32>,
      %swap3A_136 = vector.shape_cast %swap3A_135 : vector<1x16xf32> to vector<16xf32>
      %swap3A_137 = vector.shape_cast %broadcast_in_dim3A_1 : vector<16xf32> to vector<1x16xf32>
      tpu.vector_store %arg10[%swap3A_133, %swap3A_134], %swap3A_137 {strides = array<i32>} : memref<32x512xf32, #tpu.memory_space<vmem>>, vector<1x16xf32>,
      %swap3A_138 = arith.index_cast %scan3A_43 : i32 to index
      %swap3A_139 = arith.constant 304 : index
      %swap3A_140 = tpu.vector_load %arg10[%swap3A_138, %swap3A_139] {strides = array<i32>} : memref<32x512xf32, #tpu.memory_space<vmem>>, vector<1x16xf32>,
      %swap3A_141 = vector.shape_cast %swap3A_140 : vector<1x16xf32> to vector<16xf32>
      %swap3A_142 = vector.shape_cast %broadcast_in_dim3A_1 : vector<16xf32> to vector<1x16xf32>
      tpu.vector_store %arg10[%swap3A_138, %swap3A_139], %swap3A_142 {strides = array<i32>} : memref<32x512xf32, #tpu.memory_space<vmem>>, vector<1x16xf32>,
      %swap3A_143 = arith.index_cast %scan3A_43 : i32 to index
      %swap3A_144 = arith.constant 320 : index
      %swap3A_145 = tpu.vector_load %arg10[%swap3A_143, %swap3A_144] {strides = array<i32>} : memref<32x512xf32, #tpu.memory_space<vmem>>, vector<1x16xf32>,
      %swap3A_146 = vector.shape_cast %swap3A_145 : vector<1x16xf32> to vector<16xf32>
      %swap3A_147 = vector.shape_cast %broadcast_in_dim3A_1 : vector<16xf32> to vector<1x16xf32>
      tpu.vector_store %arg10[%swap3A_143, %swap3A_144], %swap3A_147 {strides = array<i32>} : memref<32x512xf32, #tpu.memory_space<vmem>>, vector<1x16xf32>,
      %swap3A_148 = arith.index_cast %scan3A_43 : i32 to index
      %swap3A_149 = arith.constant 336 : index
      %swap3A_150 = tpu.vector_load %arg10[%swap3A_148, %swap3A_149] {strides = array<i32>} : memref<32x512xf32, #tpu.memory_space<vmem>>, vector<1x16xf32>,
      %swap3A_151 = vector.shape_cast %swap3A_150 : vector<1x16xf32> to vector<16xf32>
      %swap3A_152 = vector.shape_cast %broadcast_in_dim3A_1 : vector<16xf32> to vector<1x16xf32>
      tpu.vector_store %arg10[%swap3A_148, %swap3A_149], %swap3A_152 {strides = array<i32>} : memref<32x512xf32, #tpu.memory_space<vmem>>, vector<1x16xf32>,
      %swap3A_153 = arith.index_cast %scan3A_43 : i32 to index
      %swap3A_154 = arith.constant 352 : index
      %swap3A_155 = tpu.vector_load %arg10[%swap3A_153, %swap3A_154] {strides = array<i32>} : memref<32x512xf32, #tpu.memory_space<vmem>>, vector<1x16xf32>,
      %swap3A_156 = vector.shape_cast %swap3A_155 : vector<1x16xf32> to vector<16xf32>
      %swap3A_157 = vector.shape_cast %broadcast_in_dim3A_1 : vector<16xf32> to vector<1x16xf32>
      tpu.vector_store %arg10[%swap3A_153, %swap3A_154], %swap3A_157 {strides = array<i32>} : memref<32x512xf32, #tpu.memory_space<vmem>>, vector<1x16xf32>,
      %swap3A_158 = arith.index_cast %scan3A_43 : i32 to index
      %swap3A_159 = arith.constant 368 : index
      %swap3A_160 = tpu.vector_load %arg10[%swap3A_158, %swap3A_159] {strides = array<i32>} : memref<32x512xf32, #tpu.memory_space<vmem>>, vector<1x16xf32>,
      %swap3A_161 = vector.shape_cast %swap3A_160 : vector<1x16xf32> to vector<16xf32>
      %swap3A_162 = vector.shape_cast %broadcast_in_dim3A_1 : vector<16xf32> to vector<1x16xf32>
      tpu.vector_store %arg10[%swap3A_158, %swap3A_159], %swap3A_162 {strides = array<i32>} : memref<32x512xf32, #tpu.memory_space<vmem>>, vector<1x16xf32>,
      %swap3A_163 = arith.index_cast %scan3A_43 : i32 to index
      %swap3A_164 = arith.constant 384 : index
      %swap3A_165 = tpu.vector_load %arg10[%swap3A_163, %swap3A_164] {strides = array<i32>} : memref<32x512xf32, #tpu.memory_space<vmem>>, vector<1x16xf32>,
      %swap3A_166 = vector.shape_cast %swap3A_165 : vector<1x16xf32> to vector<16xf32>
      %swap3A_167 = vector.shape_cast %broadcast_in_dim3A_1 : vector<16xf32> to vector<1x16xf32>
      tpu.vector_store %arg10[%swap3A_163, %swap3A_164], %swap3A_167 {strides = array<i32>} : memref<32x512xf32, #tpu.memory_space<vmem>>, vector<1x16xf32>,
      %swap3A_168 = arith.index_cast %scan3A_43 : i32 to index
      %swap3A_169 = arith.constant 400 : index
      %swap3A_170 = tpu.vector_load %arg10[%swap3A_168, %swap3A_169] {strides = array<i32>} : memref<32x512xf32, #tpu.memory_space<vmem>>, vector<1x16xf32>,
      %swap3A_171 = vector.shape_cast %swap3A_170 : vector<1x16xf32> to vector<16xf32>
      %swap3A_172 = vector.shape_cast %broadcast_in_dim3A_1 : vector<16xf32> to vector<1x16xf32>
      tpu.vector_store %arg10[%swap3A_168, %swap3A_169], %swap3A_172 {strides = array<i32>} : memref<32x512xf32, #tpu.memory_space<vmem>>, vector<1x16xf32>,
      %swap3A_173 = arith.index_cast %scan3A_43 : i32 to index
      %swap3A_174 = arith.constant 416 : index
      %swap3A_175 = tpu.vector_load %arg10[%swap3A_173, %swap3A_174] {strides = array<i32>} : memref<32x512xf32, #tpu.memory_space<vmem>>, vector<1x16xf32>,
      %swap3A_176 = vector.shape_cast %swap3A_175 : vector<1x16xf32> to vector<16xf32>
      %swap3A_177 = vector.shape_cast %broadcast_in_dim3A_1 : vector<16xf32> to vector<1x16xf32>
      tpu.vector_store %arg10[%swap3A_173, %swap3A_174], %swap3A_177 {strides = array<i32>} : memref<32x512xf32, #tpu.memory_space<vmem>>, vector<1x16xf32>,
      %swap3A_178 = arith.index_cast %scan3A_43 : i32 to index
      %swap3A_179 = arith.constant 432 : index
      %swap3A_180 = tpu.vector_load %arg10[%swap3A_178, %swap3A_179] {strides = array<i32>} : memref<32x512xf32, #tpu.memory_space<vmem>>, vector<1x16xf32>,
      %swap3A_181 = vector.shape_cast %swap3A_180 : vector<1x16xf32> to vector<16xf32>
      %swap3A_182 = vector.shape_cast %broadcast_in_dim3A_1 : vector<16xf32> to vector<1x16xf32>
      tpu.vector_store %arg10[%swap3A_178, %swap3A_179], %swap3A_182 {strides = array<i32>} : memref<32x512xf32, #tpu.memory_space<vmem>>, vector<1x16xf32>,
      %swap3A_183 = arith.index_cast %scan3A_43 : i32 to index
      %swap3A_184 = arith.constant 448 : index
      %swap3A_185 = tpu.vector_load %arg10[%swap3A_183, %swap3A_184] {strides = array<i32>} : memref<32x512xf32, #tpu.memory_space<vmem>>, vector<1x16xf32>,
      %swap3A_186 = vector.shape_cast %swap3A_185 : vector<1x16xf32> to vector<16xf32>
      %swap3A_187 = vector.shape_cast %broadcast_in_dim3A_1 : vector<16xf32> to vector<1x16xf32>
      tpu.vector_store %arg10[%swap3A_183, %swap3A_184], %swap3A_187 {strides = array<i32>} : memref<32x512xf32, #tpu.memory_space<vmem>>, vector<1x16xf32>,
      %swap3A_188 = arith.index_cast %scan3A_43 : i32 to index
      %swap3A_189 = arith.constant 464 : index
      %swap3A_190 = tpu.vector_load %arg10[%swap3A_188, %swap3A_189] {strides = array<i32>} : memref<32x512xf32, #tpu.memory_space<vmem>>, vector<1x16xf32>,
      %swap3A_191 = vector.shape_cast %swap3A_190 : vector<1x16xf32> to vector<16xf32>
      %swap3A_192 = vector.shape_cast %broadcast_in_dim3A_1 : vector<16xf32> to vector<1x16xf32>
      tpu.vector_store %arg10[%swap3A_188, %swap3A_189], %swap3A_192 {strides = array<i32>} : memref<32x512xf32, #tpu.memory_space<vmem>>, vector<1x16xf32>,
      %swap3A_193 = arith.index_cast %scan3A_43 : i32 to index
      %swap3A_194 = arith.constant 480 : index
      %swap3A_195 = tpu.vector_load %arg10[%swap3A_193, %swap3A_194] {strides = array<i32>} : memref<32x512xf32, #tpu.memory_space<vmem>>, vector<1x16xf32>,
      %swap3A_196 = vector.shape_cast %swap3A_195 : vector<1x16xf32> to vector<16xf32>
      %swap3A_197 = vector.shape_cast %broadcast_in_dim3A_1 : vector<16xf32> to vector<1x16xf32>
      tpu.vector_store %arg10[%swap3A_193, %swap3A_194], %swap3A_197 {strides = array<i32>} : memref<32x512xf32, #tpu.memory_space<vmem>>, vector<1x16xf32>,
      %swap3A_198 = arith.index_cast %scan3A_43 : i32 to index
      %swap3A_199 = arith.constant 496 : index
      %swap3A_200 = tpu.vector_load %arg10[%swap3A_198, %swap3A_199] {strides = array<i32>} : memref<32x512xf32, #tpu.memory_space<vmem>>, vector<1x16xf32>,
      %swap3A_201 = vector.shape_cast %swap3A_200 : vector<1x16xf32> to vector<16xf32>
      %swap3A_202 = vector.shape_cast %broadcast_in_dim3A_1 : vector<16xf32> to vector<1x16xf32>
      tpu.vector_store %arg10[%swap3A_198, %swap3A_199], %swap3A_202 {strides = array<i32>} : memref<32x512xf32, #tpu.memory_space<vmem>>, vector<1x16xf32>,
    }
    %scan3A_6 = arith.constant 32 : i32
    %scan3A_7 = arith.constant 0 : i32
    %scan3A_8 = arith.constant 0 : i32
    %scan3A_9 = arith.constant 16 : i32
    %scan3A_10 = arith.addi %scan3A_8, %scan3A_9 : i32
    %scan3A_11 = arith.constant 1 : i32
    %scan3A_12 = scf.for %scan3A_43 = %scan3A_8 to %scan3A_10 step %scan3A_11 iter_args(%scan3A_44 = %scan3A_7) -> (i32)  : i32 {
      %mul3A_45 = arith.constant 2 : i32
      %mul3A_46 = arith.muli %mul3A_45, %scan3A_43 : i32
      %add3A_47 = arith.addi %add3A, %mul3A_46 : i32
      %and3A = arith.constant 31 : i32
      %and3A_48 = arith.andi %add3A_47, %and3A : i32
      %add3A_49 = arith.constant 0 : i32
      %add3A_50 = arith.addi %and3A_48, %add3A_49 : i32
      %get3A = arith.index_cast %scan3A_43 : i32 to index
      %get3A_51 = tpu.vector_load %arg5[%get3A] {strides = array<i32>} : memref<33xi32, #tpu.memory_space<vmem>>, vector<16xi32>,
      %get3A_52 = vector.shape_cast %get3A_51 : vector<16xi32> to vector<16xi32>
      %slice3A = vector.extract_strided_slice %get3A_52 {offsets = [0], sizes = [1], strides = [1]} : vector<16xi32> to vector<1xi32>
      %squeeze3A = vector.extract %slice3A[0] : i32 from vector<1xi32>
      %add3A_53 = arith.constant 1 : i32
      %add3A_54 = arith.addi %scan3A_43, %add3A_53 : i32
      %get3A_55 = arith.index_cast %add3A_54 : i32 to index
      %get3A_56 = tpu.vector_load %arg5[%get3A_55] {strides = array<i32>} : memref<33xi32, #tpu.memory_space<vmem>>, vector<16xi32>,
      %get3A_57 = vector.shape_cast %get3A_56 : vector<16xi32> to vector<16xi32>
      %slice3A_58 = vector.extract_strided_slice %get3A_57 {offsets = [0], sizes = [1], strides = [1]} : vector<16xi32> to vector<1xi32>
      %squeeze3A_59 = vector.extract %slice3A_58[0] : i32 from vector<1xi32>
      %sub3A = arith.subi %squeeze3A_59, %squeeze3A : i32
      %min3A = arith.constant 4096 : i32
      %min3A_60 = arith.minsi %sub3A, %min3A : i32
      %mul3A_61 = arith.constant 4096 : i32
      %mul3A_62 = arith.muli %scan3A_43, %mul3A_61 : i32
      %mul3A_63 = arith.constant 32 : i32
      %mul3A_64 = arith.muli %add3A_50, %mul3A_63 : i32
      %add3A_65 = arith.addi %mul3A_62, %mul3A_64 : i32
      %mul3A_66 = arith.constant 32 : i32
      %mul3A_67 = arith.muli %add3A_50, %mul3A_66 : i32
      %add3A_68 = arith.addi %squeeze3A, %mul3A_67 : i32
      %mul3A_69 = arith.constant 32 : i32
      %mul3A_70 = arith.muli %add3A_50, %mul3A_69 : i32
      %sub3A_71 = arith.subi %min3A_60, %mul3A_70 : i32
      %jit3A = arith.constant 0 : i32
      %jit3A_72 = arith.constant 32 : i32
      %max3A = arith.maxsi %jit3A, %sub3A_71 : i32
      %min3A_73 = arith.minsi %jit3A_72, %max3A : i32
      %eq3A = arith.constant 0 : i32
      %eq3A_74 = arith.cmpi eq, %min3A_73, %eq3A : i32
      %convert_element_type3A_75 = arith.extui %eq3A_74 : i1 to i32
      %cond3A_76 = arith.constant 0 : i32
      %cond3A_77 = arith.cmpi ne, %convert_element_type3A_75, %cond3A_76 : i32
      scf.if %cond3A_77 {
        %dma_start3A = arith.constant 0 : i32
        %dma_start3A_220 = tpu.memref_slice %arg4[%add3A_65, %dma_start3A] : memref<65536x512xf32, #tpu.memory_space<hbm>> -> memref<32x512xf32, #tpu.memory_space<hbm>>
        %dma_start3A_221 = arith.constant 0 : i32
        %dma_start3A_222 = tpu.memref_slice %arg4[%add3A_65, %dma_start3A_221] : memref<65536x512xf32, #tpu.memory_space<hbm>> -> memref<32x512xf32, #tpu.memory_space<hbm>>
        tpu.enqueue_dma source(%arg10 : memref<32x512xf32, #tpu.memory_space<vmem>>) target(%dma_start3A_222 : memref<32x512xf32, #tpu.memory_space<hbm>>) target_semaphore(%arg23 : memref<!tpu.dma_semaphore, #tpu.memory_space<semaphore_mem>>)
      } else {
      }
      %eq3A_78 = arith.constant 0 : i32
      %eq3A_79 = arith.cmpi eq, %min3A_73, %eq3A_78 : i32
      %convert_element_type3A_80 = arith.extui %eq3A_79 : i1 to i32
      %add3A_81 = arith.addi %scan3A_44, %convert_element_type3A_80 : i32
      %mul3A_82 = arith.constant 2 : i32
      %mul3A_83 = arith.muli %mul3A_82, %scan3A_43 : i32
      %add3A_84 = arith.addi %add3A, %mul3A_83 : i32
      %and3A_85 = arith.constant 31 : i32
      %and3A_86 = arith.andi %add3A_84, %and3A_85 : i32
      %add3A_87 = arith.constant 32 : i32
      %add3A_88 = arith.addi %and3A_86, %add3A_87 : i32
      %get3A_89 = arith.index_cast %scan3A_43 : i32 to index
      %get3A_90 = tpu.vector_load %arg5[%get3A_89] {strides = array<i32>} : memref<33xi32, #tpu.memory_space<vmem>>, vector<16xi32>,
      %get3A_91 = vector.shape_cast %get3A_90 : vector<16xi32> to vector<16xi32>
      %slice3A_92 = vector.extract_strided_slice %get3A_91 {offsets = [0], sizes = [1], strides = [1]} : vector<16xi32> to vector<1xi32>
      %squeeze3A_93 = vector.extract %slice3A_92[0] : i32 from vector<1xi32>
      %add3A_94 = arith.constant 1 : i32
      %add3A_95 = arith.addi %scan3A_43, %add3A_94 : i32
      %get3A_96 = arith.index_cast %add3A_95 : i32 to index
      %get3A_97 = tpu.vector_load %arg5[%get3A_96] {strides = array<i32>} : memref<33xi32, #tpu.memory_space<vmem>>, vector<16xi32>,
      %get3A_98 = vector.shape_cast %get3A_97 : vector<16xi32> to vector<16xi32>
      %slice3A_99 = vector.extract_strided_slice %get3A_98 {offsets = [0], sizes = [1], strides = [1]} : vector<16xi32> to vector<1xi32>
      %squeeze3A_100 = vector.extract %slice3A_99[0] : i32 from vector<1xi32>
      %sub3A_101 = arith.subi %squeeze3A_100, %squeeze3A_93 : i32
      %min3A_102 = arith.constant 4096 : i32
      %min3A_103 = arith.minsi %sub3A_101, %min3A_102 : i32
      %mul3A_104 = arith.constant 4096 : i32
      %mul3A_105 = arith.muli %scan3A_43, %mul3A_104 : i32
      %mul3A_106 = arith.constant 32 : i32
      %mul3A_107 = arith.muli %add3A_88, %mul3A_106 : i32
      %add3A_108 = arith.addi %mul3A_105, %mul3A_107 : i32
      %mul3A_109 = arith.constant 32 : i32
      %mul3A_110 = arith.muli %add3A_88, %mul3A_109 : i32
      %add3A_111 = arith.addi %squeeze3A_93, %mul3A_110 : i32
      %mul3A_112 = arith.constant 32 : i32
      %mul3A_113 = arith.muli %add3A_88, %mul3A_112 : i32
      %sub3A_114 = arith.subi %min3A_103, %mul3A_113 : i32
      %jit3A_115 = arith.constant 0 : i32
      %jit3A_116 = arith.constant 32 : i32
      %max3A_117 = arith.maxsi %jit3A_115, %sub3A_114 : i32
      %min3A_118 = arith.minsi %jit3A_116, %max3A_117 : i32
      %eq3A_119 = arith.constant 0 : i32
      %eq3A_120 = arith.cmpi eq, %min3A_118, %eq3A_119 : i32
      %convert_element_type3A_121 = arith.extui %eq3A_120 : i1 to i32
      %cond3A_122 = arith.constant 0 : i32
      %cond3A_123 = arith.cmpi ne, %convert_element_type3A_121, %cond3A_122 : i32
      scf.if %cond3A_123 {
        %dma_start3A = arith.constant 0 : i32
        %dma_start3A_220 = tpu.memref_slice %arg4[%add3A_108, %dma_start3A] : memref<65536x512xf32, #tpu.memory_space<hbm>> -> memref<32x512xf32, #tpu.memory_space<hbm>>
        %dma_start3A_221 = arith.constant 0 : i32
        %dma_start3A_222 = tpu.memref_slice %arg4[%add3A_108, %dma_start3A_221] : memref<65536x512xf32, #tpu.memory_space<hbm>> -> memref<32x512xf32, #tpu.memory_space<hbm>>
        tpu.enqueue_dma source(%arg10 : memref<32x512xf32, #tpu.memory_space<vmem>>) target(%dma_start3A_222 : memref<32x512xf32, #tpu.memory_space<hbm>>) target_semaphore(%arg23 : memref<!tpu.dma_semaphore, #tpu.memory_space<semaphore_mem>>)
      } else {
      }
      %eq3A_124 = arith.constant 0 : i32
      %eq3A_125 = arith.cmpi eq, %min3A_118, %eq3A_124 : i32
      %convert_element_type3A_126 = arith.extui %eq3A_125 : i1 to i32
      %add3A_127 = arith.addi %add3A_81, %convert_element_type3A_126 : i32
      %mul3A_128 = arith.constant 2 : i32
      %mul3A_129 = arith.muli %mul3A_128, %scan3A_43 : i32
      %add3A_130 = arith.addi %add3A, %mul3A_129 : i32
      %and3A_131 = arith.constant 31 : i32
      %and3A_132 = arith.andi %add3A_130, %and3A_131 : i32
      %add3A_133 = arith.constant 64 : i32
      %add3A_134 = arith.addi %and3A_132, %add3A_133 : i32
      %get3A_135 = arith.index_cast %scan3A_43 : i32 to index
      %get3A_136 = tpu.vector_load %arg5[%get3A_135] {strides = array<i32>} : memref<33xi32, #tpu.memory_space<vmem>>, vector<16xi32>,
      %get3A_137 = vector.shape_cast %get3A_136 : vector<16xi32> to vector<16xi32>
      %slice3A_138 = vector.extract_strided_slice %get3A_137 {offsets = [0], sizes = [1], strides = [1]} : vector<16xi32> to vector<1xi32>
      %squeeze3A_139 = vector.extract %slice3A_138[0] : i32 from vector<1xi32>
      %add3A_140 = arith.constant 1 : i32
      %add3A_141 = arith.addi %scan3A_43, %add3A_140 : i32
      %get3A_142 = arith.index_cast %add3A_141 : i32 to index
      %get3A_143 = tpu.vector_load %arg5[%get3A_142] {strides = array<i32>} : memref<33xi32, #tpu.memory_space<vmem>>, vector<16xi32>,
      %get3A_144 = vector.shape_cast %get3A_143 : vector<16xi32> to vector<16xi32>
      %slice3A_145 = vector.extract_strided_slice %get3A_144 {offsets = [0], sizes = [1], strides = [1]} : vector<16xi32> to vector<1xi32>
      %squeeze3A_146 = vector.extract %slice3A_145[0] : i32 from vector<1xi32>
      %sub3A_147 = arith.subi %squeeze3A_146, %squeeze3A_139 : i32
      %min3A_148 = arith.constant 4096 : i32
      %min3A_149 = arith.minsi %sub3A_147, %min3A_148 : i32
      %mul3A_150 = arith.constant 4096 : i32
      %mul3A_151 = arith.muli %scan3A_43, %mul3A_150 : i32
      %mul3A_152 = arith.constant 32 : i32
      %mul3A_153 = arith.muli %add3A_134, %mul3A_152 : i32
      %add3A_154 = arith.addi %mul3A_151, %mul3A_153 : i32
      %mul3A_155 = arith.constant 32 : i32
      %mul3A_156 = arith.muli %add3A_134, %mul3A_155 : i32
      %add3A_157 = arith.addi %squeeze3A_139, %mul3A_156 : i32
      %mul3A_158 = arith.constant 32 : i32
      %mul3A_159 = arith.muli %add3A_134, %mul3A_158 : i32
      %sub3A_160 = arith.subi %min3A_149, %mul3A_159 : i32
      %jit3A_161 = arith.constant 0 : i32
      %jit3A_162 = arith.constant 32 : i32
      %max3A_163 = arith.maxsi %jit3A_161, %sub3A_160 : i32
      %min3A_164 = arith.minsi %jit3A_162, %max3A_163 : i32
      %eq3A_165 = arith.constant 0 : i32
      %eq3A_166 = arith.cmpi eq, %min3A_164, %eq3A_165 : i32
      %convert_element_type3A_167 = arith.extui %eq3A_166 : i1 to i32
      %cond3A_168 = arith.constant 0 : i32
      %cond3A_169 = arith.cmpi ne, %convert_element_type3A_167, %cond3A_168 : i32
      scf.if %cond3A_169 {
        %dma_start3A = arith.constant 0 : i32
        %dma_start3A_220 = tpu.memref_slice %arg4[%add3A_154, %dma_start3A] : memref<65536x512xf32, #tpu.memory_space<hbm>> -> memref<32x512xf32, #tpu.memory_space<hbm>>
        %dma_start3A_221 = arith.constant 0 : i32
        %dma_start3A_222 = tpu.memref_slice %arg4[%add3A_154, %dma_start3A_221] : memref<65536x512xf32, #tpu.memory_space<hbm>> -> memref<32x512xf32, #tpu.memory_space<hbm>>
        tpu.enqueue_dma source(%arg10 : memref<32x512xf32, #tpu.memory_space<vmem>>) target(%dma_start3A_222 : memref<32x512xf32, #tpu.memory_space<hbm>>) target_semaphore(%arg23 : memref<!tpu.dma_semaphore, #tpu.memory_space<semaphore_mem>>)
      } else {
      }
      %eq3A_170 = arith.constant 0 : i32
      %eq3A_171 = arith.cmpi eq, %min3A_164, %eq3A_170 : i32
      %convert_element_type3A_172 = arith.extui %eq3A_171 : i1 to i32
      %add3A_173 = arith.addi %add3A_127, %convert_element_type3A_172 : i32
      %mul3A_174 = arith.constant 2 : i32
      %mul3A_175 = arith.muli %mul3A_174, %scan3A_43 : i32
      %add3A_176 = arith.addi %add3A, %mul3A_175 : i32
      %and3A_177 = arith.constant 31 : i32
      %and3A_178 = arith.andi %add3A_176, %and3A_177 : i32
      %add3A_179 = arith.constant 96 : i32
      %add3A_180 = arith.addi %and3A_178, %add3A_179 : i32
      %get3A_181 = arith.index_cast %scan3A_43 : i32 to index
      %get3A_182 = tpu.vector_load %arg5[%get3A_181] {strides = array<i32>} : memref<33xi32, #tpu.memory_space<vmem>>, vector<16xi32>,
      %get3A_183 = vector.shape_cast %get3A_182 : vector<16xi32> to vector<16xi32>
      %slice3A_184 = vector.extract_strided_slice %get3A_183 {offsets = [0], sizes = [1], strides = [1]} : vector<16xi32> to vector<1xi32>
      %squeeze3A_185 = vector.extract %slice3A_184[0] : i32 from vector<1xi32>
      %add3A_186 = arith.constant 1 : i32
      %add3A_187 = arith.addi %scan3A_43, %add3A_186 : i32
      %get3A_188 = arith.index_cast %add3A_187 : i32 to index
      %get3A_189 = tpu.vector_load %arg5[%get3A_188] {strides = array<i32>} : memref<33xi32, #tpu.memory_space<vmem>>, vector<16xi32>,
      %get3A_190 = vector.shape_cast %get3A_189 : vector<16xi32> to vector<16xi32>
      %slice3A_191 = vector.extract_strided_slice %get3A_190 {offsets = [0], sizes = [1], strides = [1]} : vector<16xi32> to vector<1xi32>
      %squeeze3A_192 = vector.extract %slice3A_191[0] : i32 from vector<1xi32>
      %sub3A_193 = arith.subi %squeeze3A_192, %squeeze3A_185 : i32
      %min3A_194 = arith.constant 4096 : i32
      %min3A_195 = arith.minsi %sub3A_193, %min3A_194 : i32
      %mul3A_196 = arith.constant 4096 : i32
      %mul3A_197 = arith.muli %scan3A_43, %mul3A_196 : i32
      %mul3A_198 = arith.constant 32 : i32
      %mul3A_199 = arith.muli %add3A_180, %mul3A_198 : i32
      %add3A_200 = arith.addi %mul3A_197, %mul3A_199 : i32
      %mul3A_201 = arith.constant 32 : i32
      %mul3A_202 = arith.muli %add3A_180, %mul3A_201 : i32
      %add3A_203 = arith.addi %squeeze3A_185, %mul3A_202 : i32
      %mul3A_204 = arith.constant 32 : i32
      %mul3A_205 = arith.muli %add3A_180, %mul3A_204 : i32
      %sub3A_206 = arith.subi %min3A_195, %mul3A_205 : i32
      %jit3A_207 = arith.constant 0 : i32
      %jit3A_208 = arith.constant 32 : i32
      %max3A_209 = arith.maxsi %jit3A_207, %sub3A_206 : i32
      %min3A_210 = arith.minsi %jit3A_208, %max3A_209 : i32
      %eq3A_211 = arith.constant 0 : i32
      %eq3A_212 = arith.cmpi eq, %min3A_210, %eq3A_211 : i32
      %convert_element_type3A_213 = arith.extui %eq3A_212 : i1 to i32
      %cond3A_214 = arith.constant 0 : i32
      %cond3A_215 = arith.cmpi ne, %convert_element_type3A_213, %cond3A_214 : i32
      scf.if %cond3A_215 {
        %dma_start3A = arith.constant 0 : i32
        %dma_start3A_220 = tpu.memref_slice %arg4[%add3A_200, %dma_start3A] : memref<65536x512xf32, #tpu.memory_space<hbm>> -> memref<32x512xf32, #tpu.memory_space<hbm>>
        %dma_start3A_221 = arith.constant 0 : i32
        %dma_start3A_222 = tpu.memref_slice %arg4[%add3A_200, %dma_start3A_221] : memref<65536x512xf32, #tpu.memory_space<hbm>> -> memref<32x512xf32, #tpu.memory_space<hbm>>
        tpu.enqueue_dma source(%arg10 : memref<32x512xf32, #tpu.memory_space<vmem>>) target(%dma_start3A_222 : memref<32x512xf32, #tpu.memory_space<hbm>>) target_semaphore(%arg23 : memref<!tpu.dma_semaphore, #tpu.memory_space<semaphore_mem>>)
      } else {
      }
      %eq3A_216 = arith.constant 0 : i32
      %eq3A_217 = arith.cmpi eq, %min3A_210, %eq3A_216 : i32
      %convert_element_type3A_218 = arith.extui %eq3A_217 : i1 to i32
      %add3A_219 = arith.addi %add3A_173, %convert_element_type3A_218 : i32
      scf.yield %add3A_219 : i32
    }
    %scan3A_13 = arith.constant 16 : i32
    %scan3A_14 = arith.constant false
    %scan3A_15 = arith.constant false
    %scan3A_16 = arith.constant false
    %scan3A_17 = arith.constant false
    %scan3A_18 = arith.constant 0 : i32
    %scan3A_19 = arith.constant 16 : i32
    %scan3A_20 = arith.addi %scan3A_18, %scan3A_19 : i32
    %scan3A_21 = arith.constant 1 : i32
    %scan3A_22:4 = scf.for %scan3A_43 = %scan3A_18 to %scan3A_20 step %scan3A_21 iter_args(%scan3A_44 = %scan3A_14, %scan3A_45 = %scan3A_15, %scan3A_46 = %scan3A_16, %scan3A_47 = %scan3A_17) -> (i1, i1, i1, i1)  : i32 {
      %mul3A_48 = arith.constant 2 : i32
      %mul3A_49 = arith.muli %mul3A_48, %scan3A_43 : i32
      %add3A_50 = arith.addi %add3A, %mul3A_49 : i32
      %and3A = arith.constant 31 : i32
      %and3A_51 = arith.andi %add3A_50, %and3A : i32
      %add3A_52 = arith.constant 0 : i32
      %add3A_53 = arith.addi %and3A_51, %add3A_52 : i32
      %get3A = arith.index_cast %scan3A_43 : i32 to index
      %get3A_54 = tpu.vector_load %arg5[%get3A] {strides = array<i32>} : memref<33xi32, #tpu.memory_space<vmem>>, vector<16xi32>,
      %get3A_55 = vector.shape_cast %get3A_54 : vector<16xi32> to vector<16xi32>
      %slice3A = vector.extract_strided_slice %get3A_55 {offsets = [0], sizes = [1], strides = [1]} : vector<16xi32> to vector<1xi32>
      %squeeze3A = vector.extract %slice3A[0] : i32 from vector<1xi32>
      %add3A_56 = arith.constant 1 : i32
      %add3A_57 = arith.addi %scan3A_43, %add3A_56 : i32
      %get3A_58 = arith.index_cast %add3A_57 : i32 to index
      %get3A_59 = tpu.vector_load %arg5[%get3A_58] {strides = array<i32>} : memref<33xi32, #tpu.memory_space<vmem>>, vector<16xi32>,
      %get3A_60 = vector.shape_cast %get3A_59 : vector<16xi32> to vector<16xi32>
      %slice3A_61 = vector.extract_strided_slice %get3A_60 {offsets = [0], sizes = [1], strides = [1]} : vector<16xi32> to vector<1xi32>
      %squeeze3A_62 = vector.extract %slice3A_61[0] : i32 from vector<1xi32>
      %sub3A = arith.subi %squeeze3A_62, %squeeze3A : i32
      %min3A = arith.constant 4096 : i32
      %min3A_63 = arith.minsi %sub3A, %min3A : i32
      %mul3A_64 = arith.constant 4096 : i32
      %mul3A_65 = arith.muli %scan3A_43, %mul3A_64 : i32
      %mul3A_66 = arith.constant 32 : i32
      %mul3A_67 = arith.muli %add3A_53, %mul3A_66 : i32
      %add3A_68 = arith.addi %mul3A_65, %mul3A_67 : i32
      %mul3A_69 = arith.constant 32 : i32
      %mul3A_70 = arith.muli %add3A_53, %mul3A_69 : i32
      %add3A_71 = arith.addi %squeeze3A, %mul3A_70 : i32
      %mul3A_72 = arith.constant 32 : i32
      %mul3A_73 = arith.muli %add3A_53, %mul3A_72 : i32
      %sub3A_74 = arith.subi %min3A_63, %mul3A_73 : i32
      %jit3A = arith.constant 0 : i32
      %jit3A_75 = arith.constant 32 : i32
      %max3A = arith.maxsi %jit3A, %sub3A_74 : i32
      %min3A_76 = arith.minsi %jit3A_75, %max3A : i32
      %mul3A_77 = arith.constant 2 : i32
      %mul3A_78 = arith.muli %mul3A_77, %scan3A_43 : i32
      %add3A_79 = arith.addi %add3A, %mul3A_78 : i32
      %and3A_80 = arith.constant 31 : i32
      %and3A_81 = arith.andi %add3A_79, %and3A_80 : i32
      %add3A_82 = arith.constant 32 : i32
      %add3A_83 = arith.addi %and3A_81, %add3A_82 : i32
      %get3A_84 = arith.index_cast %scan3A_43 : i32 to index
      %get3A_85 = tpu.vector_load %arg5[%get3A_84] {strides = array<i32>} : memref<33xi32, #tpu.memory_space<vmem>>, vector<16xi32>,
      %get3A_86 = vector.shape_cast %get3A_85 : vector<16xi32> to vector<16xi32>
      %slice3A_87 = vector.extract_strided_slice %get3A_86 {offsets = [0], sizes = [1], strides = [1]} : vector<16xi32> to vector<1xi32>
      %squeeze3A_88 = vector.extract %slice3A_87[0] : i32 from vector<1xi32>
      %add3A_89 = arith.constant 1 : i32
      %add3A_90 = arith.addi %scan3A_43, %add3A_89 : i32
      %get3A_91 = arith.index_cast %add3A_90 : i32 to index
      %get3A_92 = tpu.vector_load %arg5[%get3A_91] {strides = array<i32>} : memref<33xi32, #tpu.memory_space<vmem>>, vector<16xi32>,
      %get3A_93 = vector.shape_cast %get3A_92 : vector<16xi32> to vector<16xi32>
      %slice3A_94 = vector.extract_strided_slice %get3A_93 {offsets = [0], sizes = [1], strides = [1]} : vector<16xi32> to vector<1xi32>
      %squeeze3A_95 = vector.extract %slice3A_94[0] : i32 from vector<1xi32>
      %sub3A_96 = arith.subi %squeeze3A_95, %squeeze3A_88 : i32
      %min3A_97 = arith.constant 4096 : i32
      %min3A_98 = arith.minsi %sub3A_96, %min3A_97 : i32
      %mul3A_99 = arith.constant 4096 : i32
      %mul3A_100 = arith.muli %scan3A_43, %mul3A_99 : i32
      %mul3A_101 = arith.constant 32 : i32
      %mul3A_102 = arith.muli %add3A_83, %mul3A_101 : i32
      %add3A_103 = arith.addi %mul3A_100, %mul3A_102 : i32
      %mul3A_104 = arith.constant 32 : i32
      %mul3A_105 = arith.muli %add3A_83, %mul3A_104 : i32
      %add3A_106 = arith.addi %squeeze3A_88, %mul3A_105 : i32
      %mul3A_107 = arith.constant 32 : i32
      %mul3A_108 = arith.muli %add3A_83, %mul3A_107 : i32
      %sub3A_109 = arith.subi %min3A_98, %mul3A_108 : i32
      %jit3A_110 = arith.constant 0 : i32
      %jit3A_111 = arith.constant 32 : i32
      %max3A_112 = arith.maxsi %jit3A_110, %sub3A_109 : i32
      %min3A_113 = arith.minsi %jit3A_111, %max3A_112 : i32
      %mul3A_114 = arith.constant 2 : i32
      %mul3A_115 = arith.muli %mul3A_114, %scan3A_43 : i32
      %add3A_116 = arith.addi %add3A, %mul3A_115 : i32
      %and3A_117 = arith.constant 31 : i32
      %and3A_118 = arith.andi %add3A_116, %and3A_117 : i32
      %add3A_119 = arith.constant 64 : i32
      %add3A_120 = arith.addi %and3A_118, %add3A_119 : i32
      %get3A_121 = arith.index_cast %scan3A_43 : i32 to index
      %get3A_122 = tpu.vector_load %arg5[%get3A_121] {strides = array<i32>} : memref<33xi32, #tpu.memory_space<vmem>>, vector<16xi32>,
      %get3A_123 = vector.shape_cast %get3A_122 : vector<16xi32> to vector<16xi32>
      %slice3A_124 = vector.extract_strided_slice %get3A_123 {offsets = [0], sizes = [1], strides = [1]} : vector<16xi32> to vector<1xi32>
      %squeeze3A_125 = vector.extract %slice3A_124[0] : i32 from vector<1xi32>
      %add3A_126 = arith.constant 1 : i32
      %add3A_127 = arith.addi %scan3A_43, %add3A_126 : i32
      %get3A_128 = arith.index_cast %add3A_127 : i32 to index
      %get3A_129 = tpu.vector_load %arg5[%get3A_128] {strides = array<i32>} : memref<33xi32, #tpu.memory_space<vmem>>, vector<16xi32>,
      %get3A_130 = vector.shape_cast %get3A_129 : vector<16xi32> to vector<16xi32>
      %slice3A_131 = vector.extract_strided_slice %get3A_130 {offsets = [0], sizes = [1], strides = [1]} : vector<16xi32> to vector<1xi32>
      %squeeze3A_132 = vector.extract %slice3A_131[0] : i32 from vector<1xi32>
      %sub3A_133 = arith.subi %squeeze3A_132, %squeeze3A_125 : i32
      %min3A_134 = arith.constant 4096 : i32
      %min3A_135 = arith.minsi %sub3A_133, %min3A_134 : i32
      %mul3A_136 = arith.constant 4096 : i32
      %mul3A_137 = arith.muli %scan3A_43, %mul3A_136 : i32
      %mul3A_138 = arith.constant 32 : i32
      %mul3A_139 = arith.muli %add3A_120, %mul3A_138 : i32
      %add3A_140 = arith.addi %mul3A_137, %mul3A_139 : i32
      %mul3A_141 = arith.constant 32 : i32
      %mul3A_142 = arith.muli %add3A_120, %mul3A_141 : i32
      %add3A_143 = arith.addi %squeeze3A_125, %mul3A_142 : i32
      %mul3A_144 = arith.constant 32 : i32
      %mul3A_145 = arith.muli %add3A_120, %mul3A_144 : i32
      %sub3A_146 = arith.subi %min3A_135, %mul3A_145 : i32
      %jit3A_147 = arith.constant 0 : i32
      %jit3A_148 = arith.constant 32 : i32
      %max3A_149 = arith.maxsi %jit3A_147, %sub3A_146 : i32
      %min3A_150 = arith.minsi %jit3A_148, %max3A_149 : i32
      %mul3A_151 = arith.constant 2 : i32
      %mul3A_152 = arith.muli %mul3A_151, %scan3A_43 : i32
      %add3A_153 = arith.addi %add3A, %mul3A_152 : i32
      %and3A_154 = arith.constant 31 : i32
      %and3A_155 = arith.andi %add3A_153, %and3A_154 : i32
      %add3A_156 = arith.constant 96 : i32
      %add3A_157 = arith.addi %and3A_155, %add3A_156 : i32
      %get3A_158 = arith.index_cast %scan3A_43 : i32 to index
      %get3A_159 = tpu.vector_load %arg5[%get3A_158] {strides = array<i32>} : memref<33xi32, #tpu.memory_space<vmem>>, vector<16xi32>,
      %get3A_160 = vector.shape_cast %get3A_159 : vector<16xi32> to vector<16xi32>
      %slice3A_161 = vector.extract_strided_slice %get3A_160 {offsets = [0], sizes = [1], strides = [1]} : vector<16xi32> to vector<1xi32>
      %squeeze3A_162 = vector.extract %slice3A_161[0] : i32 from vector<1xi32>
      %add3A_163 = arith.constant 1 : i32
      %add3A_164 = arith.addi %scan3A_43, %add3A_163 : i32
      %get3A_165 = arith.index_cast %add3A_164 : i32 to index
      %get3A_166 = tpu.vector_load %arg5[%get3A_165] {strides = array<i32>} : memref<33xi32, #tpu.memory_space<vmem>>, vector<16xi32>,
      %get3A_167 = vector.shape_cast %get3A_166 : vector<16xi32> to vector<16xi32>
      %slice3A_168 = vector.extract_strided_slice %get3A_167 {offsets = [0], sizes = [1], strides = [1]} : vector<16xi32> to vector<1xi32>
      %squeeze3A_169 = vector.extract %slice3A_168[0] : i32 from vector<1xi32>
      %sub3A_170 = arith.subi %squeeze3A_169, %squeeze3A_162 : i32
      %min3A_171 = arith.constant 4096 : i32
      %min3A_172 = arith.minsi %sub3A_170, %min3A_171 : i32
      %mul3A_173 = arith.constant 4096 : i32
      %mul3A_174 = arith.muli %scan3A_43, %mul3A_173 : i32
      %mul3A_175 = arith.constant 32 : i32
      %mul3A_176 = arith.muli %add3A_157, %mul3A_175 : i32
      %add3A_177 = arith.addi %mul3A_174, %mul3A_176 : i32
      %mul3A_178 = arith.constant 32 : i32
      %mul3A_179 = arith.muli %add3A_157, %mul3A_178 : i32
      %add3A_180 = arith.addi %squeeze3A_162, %mul3A_179 : i32
      %mul3A_181 = arith.constant 32 : i32
      %mul3A_182 = arith.muli %add3A_157, %mul3A_181 : i32
      %sub3A_183 = arith.subi %min3A_172, %mul3A_182 : i32
      %jit3A_184 = arith.constant 0 : i32
      %jit3A_185 = arith.constant 32 : i32
      %max3A_186 = arith.maxsi %jit3A_184, %sub3A_183 : i32
      %min3A_187 = arith.minsi %jit3A_185, %max3A_186 : i32
      %gt3A = arith.constant 0 : i32
      %gt3A_188 = arith.cmpi sgt, %min3A_76, %gt3A : i32
      %convert_element_type3A_189 = arith.extui %gt3A_188 : i1 to i32
      %cond3A_190 = arith.constant 0 : i32
      %cond3A_191 = arith.cmpi ne, %convert_element_type3A_189, %cond3A_190 : i32
      scf.if %cond3A_191 {
        %convert_element_type3A_238 = arith.extui %scan3A_44 : i1 to i32
        %cond3A_239 = arith.constant 0 : i32
        %cond3A_240 = arith.cmpi ne, %convert_element_type3A_238, %cond3A_239 : i32
        scf.if %cond3A_240 {
          %dma_wait3A = arith.constant 0 : i32
          %dma_wait3A_264 = arith.constant 0 : i32
          %dma_wait3A_265 = tpu.memref_slice %arg4[%dma_wait3A, %dma_wait3A_264] : memref<65536x512xf32, #tpu.memory_space<hbm>> -> memref<32x512xf32, #tpu.memory_space<hbm>>
          %dma_wait3A_266 = arith.constant 0 : i32
          %dma_wait3A_267 = arith.constant 0 : i32
          %dma_wait3A_268 = tpu.memref_slice %arg4[%dma_wait3A_266, %dma_wait3A_267] : memref<65536x512xf32, #tpu.memory_space<hbm>> -> memref<32x512xf32, #tpu.memory_space<hbm>>
          tpu.wait_dma2 semaphore(%arg19 : memref<!tpu.dma_semaphore, #tpu.memory_space<semaphore_mem>>) src(%arg11 : memref<32x512xf32, #tpu.memory_space<vmem>>) dst(%dma_wait3A_268 : memref<32x512xf32, #tpu.memory_space<hbm>>)
        } else {
        }
        %add3A_241 = arith.constant 0 : i32
        %add3A_242 = arith.addi %add3A_71, %add3A_241 : i32
        %add3A_243 = vector.broadcast %add3A_242 : i32 to vector<16xi32>
        %add3A_244 = arith.addi %add3A_243, %iota3A : vector<16xi32>
        %min3A_245 = arith.constant 32767 : i32
        %min3A_246 = vector.broadcast %min3A_245 : i32 to vector<16xi32>
        %min3A_247 = arith.minsi %add3A_244, %min3A_246 : vector<16xi32>
        %swap3A = arith.constant 0 : index
        %swap3A_248 = tpu.vector_load %arg6[%swap3A] {strides = array<i32>} : memref<32xi32, #tpu.memory_space<vmem>>, vector<16xi32>,
        %swap3A_249 = vector.shape_cast %swap3A_248 : vector<16xi32> to vector<16xi32>
        %swap3A_250 = vector.shape_cast %min3A_247 : vector<16xi32> to vector<16xi32>
        tpu.vector_store %arg6[%swap3A], %swap3A_250 {strides = array<i32>} : memref<32xi32, #tpu.memory_space<vmem>>, vector<16xi32>,
        %add3A_251 = arith.constant 16 : i32
        %add3A_252 = arith.addi %add3A_71, %add3A_251 : i32
        %add3A_253 = vector.broadcast %add3A_252 : i32 to vector<16xi32>
        %add3A_254 = arith.addi %add3A_253, %iota3A : vector<16xi32>
        %min3A_255 = arith.constant 32767 : i32
        %min3A_256 = vector.broadcast %min3A_255 : i32 to vector<16xi32>
        %min3A_257 = arith.minsi %add3A_254, %min3A_256 : vector<16xi32>
        %swap3A_258 = arith.constant 16 : index
        %swap3A_259 = tpu.vector_load %arg6[%swap3A_258] {strides = array<i32>} : memref<32xi32, #tpu.memory_space<vmem>>, vector<16xi32>,
        %swap3A_260 = vector.shape_cast %swap3A_259 : vector<16xi32> to vector<16xi32>
        %swap3A_261 = vector.shape_cast %min3A_257 : vector<16xi32> to vector<16xi32>
        tpu.vector_store %arg6[%swap3A_258], %swap3A_261 {strides = array<i32>} : memref<32xi32, #tpu.memory_space<vmem>>, vector<16xi32>,
        %dma_start3A = arith.constant 0 : i32
        %dma_start3A_262 = arith.constant 0 : i32
        %dma_start3A_263 = tpu.memref_slice %arg2[%dma_start3A, %dma_start3A_262] : memref<32768x512xf32, #tpu.memory_space<hbm>> -> memref<32768x512xf32, #tpu.memory_space<hbm>>
        tpu.enqueue_indirect_dma source(%dma_start3A_263 : memref<32768x512xf32, #tpu.memory_space<hbm>>) target(%arg11 : memref<32x512xf32, #tpu.memory_space<vmem>>) offsets(%arg6 : memref<32xi32, #tpu.memory_space<vmem>>) semaphore(%arg15 : memref<!tpu.dma_semaphore, #tpu.memory_space<semaphore_mem>>)
      } else {
      }
      %gt3A_192 = arith.constant 0 : i32
      %gt3A_193 = arith.cmpi sgt, %min3A_113, %gt3A_192 : i32
      %convert_element_type3A_194 = arith.extui %gt3A_193 : i1 to i32
      %cond3A_195 = arith.constant 0 : i32
      %cond3A_196 = arith.cmpi ne, %convert_element_type3A_194, %cond3A_195 : i32
      scf.if %cond3A_196 {
        %convert_element_type3A_238 = arith.extui %scan3A_45 : i1 to i32
        %cond3A_239 = arith.constant 0 : i32
        %cond3A_240 = arith.cmpi ne, %convert_element_type3A_238, %cond3A_239 : i32
        scf.if %cond3A_240 {
          %dma_wait3A = arith.constant 0 : i32
          %dma_wait3A_264 = arith.constant 0 : i32
          %dma_wait3A_265 = tpu.memref_slice %arg4[%dma_wait3A, %dma_wait3A_264] : memref<65536x512xf32, #tpu.memory_space<hbm>> -> memref<32x512xf32, #tpu.memory_space<hbm>>
          %dma_wait3A_266 = arith.constant 0 : i32
          %dma_wait3A_267 = arith.constant 0 : i32
          %dma_wait3A_268 = tpu.memref_slice %arg4[%dma_wait3A_266, %dma_wait3A_267] : memref<65536x512xf32, #tpu.memory_space<hbm>> -> memref<32x512xf32, #tpu.memory_space<hbm>>
          tpu.wait_dma2 semaphore(%arg20 : memref<!tpu.dma_semaphore, #tpu.memory_space<semaphore_mem>>) src(%arg12 : memref<32x512xf32, #tpu.memory_space<vmem>>) dst(%dma_wait3A_268 : memref<32x512xf32, #tpu.memory_space<hbm>>)
        } else {
        }
        %add3A_241 = arith.constant 0 : i32
        %add3A_242 = arith.addi %add3A_106, %add3A_241 : i32
        %add3A_243 = vector.broadcast %add3A_242 : i32 to vector<16xi32>
        %add3A_244 = arith.addi %add3A_243, %iota3A : vector<16xi32>
        %min3A_245 = arith.constant 32767 : i32
        %min3A_246 = vector.broadcast %min3A_245 : i32 to vector<16xi32>
        %min3A_247 = arith.minsi %add3A_244, %min3A_246 : vector<16xi32>
        %swap3A = arith.constant 0 : index
        %swap3A_248 = tpu.vector_load %arg7[%swap3A] {strides = array<i32>} : memref<32xi32, #tpu.memory_space<vmem>>, vector<16xi32>,
        %swap3A_249 = vector.shape_cast %swap3A_248 : vector<16xi32> to vector<16xi32>
        %swap3A_250 = vector.shape_cast %min3A_247 : vector<16xi32> to vector<16xi32>
        tpu.vector_store %arg7[%swap3A], %swap3A_250 {strides = array<i32>} : memref<32xi32, #tpu.memory_space<vmem>>, vector<16xi32>,
        %add3A_251 = arith.constant 16 : i32
        %add3A_252 = arith.addi %add3A_106, %add3A_251 : i32
        %add3A_253 = vector.broadcast %add3A_252 : i32 to vector<16xi32>
        %add3A_254 = arith.addi %add3A_253, %iota3A : vector<16xi32>
        %min3A_255 = arith.constant 32767 : i32
        %min3A_256 = vector.broadcast %min3A_255 : i32 to vector<16xi32>
        %min3A_257 = arith.minsi %add3A_254, %min3A_256 : vector<16xi32>
        %swap3A_258 = arith.constant 16 : index
        %swap3A_259 = tpu.vector_load %arg7[%swap3A_258] {strides = array<i32>} : memref<32xi32, #tpu.memory_space<vmem>>, vector<16xi32>,
        %swap3A_260 = vector.shape_cast %swap3A_259 : vector<16xi32> to vector<16xi32>
        %swap3A_261 = vector.shape_cast %min3A_257 : vector<16xi32> to vector<16xi32>
        tpu.vector_store %arg7[%swap3A_258], %swap3A_261 {strides = array<i32>} : memref<32xi32, #tpu.memory_space<vmem>>, vector<16xi32>,
        %dma_start3A = arith.constant 0 : i32
        %dma_start3A_262 = arith.constant 0 : i32
        %dma_start3A_263 = tpu.memref_slice %arg2[%dma_start3A, %dma_start3A_262] : memref<32768x512xf32, #tpu.memory_space<hbm>> -> memref<32768x512xf32, #tpu.memory_space<hbm>>
        tpu.enqueue_indirect_dma source(%dma_start3A_263 : memref<32768x512xf32, #tpu.memory_space<hbm>>) target(%arg12 : memref<32x512xf32, #tpu.memory_space<vmem>>) offsets(%arg7 : memref<32xi32, #tpu.memory_space<vmem>>) semaphore(%arg16 : memref<!tpu.dma_semaphore, #tpu.memory_space<semaphore_mem>>)
      } else {
      }
      %gt3A_197 = arith.constant 0 : i32
      %gt3A_198 = arith.cmpi sgt, %min3A_150, %gt3A_197 : i32
      %convert_element_type3A_199 = arith.extui %gt3A_198 : i1 to i32
      %cond3A_200 = arith.constant 0 : i32
      %cond3A_201 = arith.cmpi ne, %convert_element_type3A_199, %cond3A_200 : i32
      scf.if %cond3A_201 {
        %convert_element_type3A_238 = arith.extui %scan3A_46 : i1 to i32
        %cond3A_239 = arith.constant 0 : i32
        %cond3A_240 = arith.cmpi ne, %convert_element_type3A_238, %cond3A_239 : i32
        scf.if %cond3A_240 {
          %dma_wait3A = arith.constant 0 : i32
          %dma_wait3A_264 = arith.constant 0 : i32
          %dma_wait3A_265 = tpu.memref_slice %arg4[%dma_wait3A, %dma_wait3A_264] : memref<65536x512xf32, #tpu.memory_space<hbm>> -> memref<32x512xf32, #tpu.memory_space<hbm>>
          %dma_wait3A_266 = arith.constant 0 : i32
          %dma_wait3A_267 = arith.constant 0 : i32
          %dma_wait3A_268 = tpu.memref_slice %arg4[%dma_wait3A_266, %dma_wait3A_267] : memref<65536x512xf32, #tpu.memory_space<hbm>> -> memref<32x512xf32, #tpu.memory_space<hbm>>
          tpu.wait_dma2 semaphore(%arg21 : memref<!tpu.dma_semaphore, #tpu.memory_space<semaphore_mem>>) src(%arg13 : memref<32x512xf32, #tpu.memory_space<vmem>>) dst(%dma_wait3A_268 : memref<32x512xf32, #tpu.memory_space<hbm>>)
        } else {
        }
        %add3A_241 = arith.constant 0 : i32
        %add3A_242 = arith.addi %add3A_143, %add3A_241 : i32
        %add3A_243 = vector.broadcast %add3A_242 : i32 to vector<16xi32>
        %add3A_244 = arith.addi %add3A_243, %iota3A : vector<16xi32>
        %min3A_245 = arith.constant 32767 : i32
        %min3A_246 = vector.broadcast %min3A_245 : i32 to vector<16xi32>
        %min3A_247 = arith.minsi %add3A_244, %min3A_246 : vector<16xi32>
        %swap3A = arith.constant 0 : index
        %swap3A_248 = tpu.vector_load %arg8[%swap3A] {strides = array<i32>} : memref<32xi32, #tpu.memory_space<vmem>>, vector<16xi32>,
        %swap3A_249 = vector.shape_cast %swap3A_248 : vector<16xi32> to vector<16xi32>
        %swap3A_250 = vector.shape_cast %min3A_247 : vector<16xi32> to vector<16xi32>
        tpu.vector_store %arg8[%swap3A], %swap3A_250 {strides = array<i32>} : memref<32xi32, #tpu.memory_space<vmem>>, vector<16xi32>,
        %add3A_251 = arith.constant 16 : i32
        %add3A_252 = arith.addi %add3A_143, %add3A_251 : i32
        %add3A_253 = vector.broadcast %add3A_252 : i32 to vector<16xi32>
        %add3A_254 = arith.addi %add3A_253, %iota3A : vector<16xi32>
        %min3A_255 = arith.constant 32767 : i32
        %min3A_256 = vector.broadcast %min3A_255 : i32 to vector<16xi32>
        %min3A_257 = arith.minsi %add3A_254, %min3A_256 : vector<16xi32>
        %swap3A_258 = arith.constant 16 : index
        %swap3A_259 = tpu.vector_load %arg8[%swap3A_258] {strides = array<i32>} : memref<32xi32, #tpu.memory_space<vmem>>, vector<16xi32>,
        %swap3A_260 = vector.shape_cast %swap3A_259 : vector<16xi32> to vector<16xi32>
        %swap3A_261 = vector.shape_cast %min3A_257 : vector<16xi32> to vector<16xi32>
        tpu.vector_store %arg8[%swap3A_258], %swap3A_261 {strides = array<i32>} : memref<32xi32, #tpu.memory_space<vmem>>, vector<16xi32>,
        %dma_start3A = arith.constant 0 : i32
        %dma_start3A_262 = arith.constant 0 : i32
        %dma_start3A_263 = tpu.memref_slice %arg2[%dma_start3A, %dma_start3A_262] : memref<32768x512xf32, #tpu.memory_space<hbm>> -> memref<32768x512xf32, #tpu.memory_space<hbm>>
        tpu.enqueue_indirect_dma source(%dma_start3A_263 : memref<32768x512xf32, #tpu.memory_space<hbm>>) target(%arg13 : memref<32x512xf32, #tpu.memory_space<vmem>>) offsets(%arg8 : memref<32xi32, #tpu.memory_space<vmem>>) semaphore(%arg17 : memref<!tpu.dma_semaphore, #tpu.memory_space<semaphore_mem>>)
      } else {
      }
      %gt3A_202 = arith.constant 0 : i32
      %gt3A_203 = arith.cmpi sgt, %min3A_187, %gt3A_202 : i32
      %convert_element_type3A_204 = arith.extui %gt3A_203 : i1 to i32
      %cond3A_205 = arith.constant 0 : i32
      %cond3A_206 = arith.cmpi ne, %convert_element_type3A_204, %cond3A_205 : i32
      scf.if %cond3A_206 {
        %convert_element_type3A_238 = arith.extui %scan3A_47 : i1 to i32
        %cond3A_239 = arith.constant 0 : i32
        %cond3A_240 = arith.cmpi ne, %convert_element_type3A_238, %cond3A_239 : i32
        scf.if %cond3A_240 {
          %dma_wait3A = arith.constant 0 : i32
          %dma_wait3A_264 = arith.constant 0 : i32
          %dma_wait3A_265 = tpu.memref_slice %arg4[%dma_wait3A, %dma_wait3A_264] : memref<65536x512xf32, #tpu.memory_space<hbm>> -> memref<32x512xf32, #tpu.memory_space<hbm>>
          %dma_wait3A_266 = arith.constant 0 : i32
          %dma_wait3A_267 = arith.constant 0 : i32
          %dma_wait3A_268 = tpu.memref_slice %arg4[%dma_wait3A_266, %dma_wait3A_267] : memref<65536x512xf32, #tpu.memory_space<hbm>> -> memref<32x512xf32, #tpu.memory_space<hbm>>
          tpu.wait_dma2 semaphore(%arg22 : memref<!tpu.dma_semaphore, #tpu.memory_space<semaphore_mem>>) src(%arg14 : memref<32x512xf32, #tpu.memory_space<vmem>>) dst(%dma_wait3A_268 : memref<32x512xf32, #tpu.memory_space<hbm>>)
        } else {
        }
        %add3A_241 = arith.constant 0 : i32
        %add3A_242 = arith.addi %add3A_180, %add3A_241 : i32
        %add3A_243 = vector.broadcast %add3A_242 : i32 to vector<16xi32>
        %add3A_244 = arith.addi %add3A_243, %iota3A : vector<16xi32>
        %min3A_245 = arith.constant 32767 : i32
        %min3A_246 = vector.broadcast %min3A_245 : i32 to vector<16xi32>
        %min3A_247 = arith.minsi %add3A_244, %min3A_246 : vector<16xi32>
        %swap3A = arith.constant 0 : index
        %swap3A_248 = tpu.vector_load %arg9[%swap3A] {strides = array<i32>} : memref<32xi32, #tpu.memory_space<vmem>>, vector<16xi32>,
        %swap3A_249 = vector.shape_cast %swap3A_248 : vector<16xi32> to vector<16xi32>
        %swap3A_250 = vector.shape_cast %min3A_247 : vector<16xi32> to vector<16xi32>
        tpu.vector_store %arg9[%swap3A], %swap3A_250 {strides = array<i32>} : memref<32xi32, #tpu.memory_space<vmem>>, vector<16xi32>,
        %add3A_251 = arith.constant 16 : i32
        %add3A_252 = arith.addi %add3A_180, %add3A_251 : i32
        %add3A_253 = vector.broadcast %add3A_252 : i32 to vector<16xi32>
        %add3A_254 = arith.addi %add3A_253, %iota3A : vector<16xi32>
        %min3A_255 = arith.constant 32767 : i32
        %min3A_256 = vector.broadcast %min3A_255 : i32 to vector<16xi32>
        %min3A_257 = arith.minsi %add3A_254, %min3A_256 : vector<16xi32>
        %swap3A_258 = arith.constant 16 : index
        %swap3A_259 = tpu.vector_load %arg9[%swap3A_258] {strides = array<i32>} : memref<32xi32, #tpu.memory_space<vmem>>, vector<16xi32>,
        %swap3A_260 = vector.shape_cast %swap3A_259 : vector<16xi32> to vector<16xi32>
        %swap3A_261 = vector.shape_cast %min3A_257 : vector<16xi32> to vector<16xi32>
        tpu.vector_store %arg9[%swap3A_258], %swap3A_261 {strides = array<i32>} : memref<32xi32, #tpu.memory_space<vmem>>, vector<16xi32>,
        %dma_start3A = arith.constant 0 : i32
        %dma_start3A_262 = arith.constant 0 : i32
        %dma_start3A_263 = tpu.memref_slice %arg2[%dma_start3A, %dma_start3A_262] : memref<32768x512xf32, #tpu.memory_space<hbm>> -> memref<32768x512xf32, #tpu.memory_space<hbm>>
        tpu.enqueue_indirect_dma source(%dma_start3A_263 : memref<32768x512xf32, #tpu.memory_space<hbm>>) target(%arg14 : memref<32x512xf32, #tpu.memory_space<vmem>>) offsets(%arg9 : memref<32xi32, #tpu.memory_space<vmem>>) semaphore(%arg18 : memref<!tpu.dma_semaphore, #tpu.memory_space<semaphore_mem>>)
      } else {
      }
      %gt3A_207 = arith.constant 0 : i32
      %gt3A_208 = arith.cmpi sgt, %min3A_76, %gt3A_207 : i32
      %convert_element_type3A_209 = arith.extui %gt3A_208 : i1 to i32
      %cond3A_210 = arith.constant 0 : i32
      %cond3A_211 = arith.cmpi ne, %convert_element_type3A_209, %cond3A_210 : i32
      scf.if %cond3A_211 {
        %dma_wait3A = arith.constant 0 : i32
        %dma_wait3A_238 = arith.constant 0 : i32
        %dma_wait3A_239 = tpu.memref_slice %arg2[%dma_wait3A, %dma_wait3A_238] : memref<32768x512xf32, #tpu.memory_space<hbm>> -> memref<32768x512xf32, #tpu.memory_space<hbm>>
        tpu.wait_indirect_dma semaphore(%arg15 : memref<!tpu.dma_semaphore, #tpu.memory_space<semaphore_mem>>) src(%dma_wait3A_239 : memref<32768x512xf32, #tpu.memory_space<hbm>>) dst(%arg11 : memref<32x512xf32, #tpu.memory_space<vmem>>)
        %lt3A = arith.constant 32 : i32
        %lt3A_240 = arith.cmpi slt, %min3A_76, %lt3A : i32
        %convert_element_type3A_241 = arith.extui %lt3A_240 : i1 to i32
        %cond3A_242 = arith.constant 0 : i32
        %cond3A_243 = arith.cmpi ne, %convert_element_type3A_241, %cond3A_242 : i32
        scf.if %cond3A_243 {
          %while3A_247 = arith.constant 0 : i32
          %while3A_248 = arith.constant 32 : i32
          %while3A_249 = arith.subi %while3A_248, %min3A_76 : i32
          %while3A_250 = arith.addi %min3A_76, %while3A_249 : i32
          %while3A_251 = arith.constant 1 : i32
          %while3A_252 = arith.divsi %while3A_249, %while3A_251 : i32
          %while3A_253 = arith.muli %while3A_252, %while3A_251 : i32
          %while3A_254 = arith.addi %min3A_76, %while3A_253 : i32
          %while3A_255 = arith.constant 1 : i32
          scf.for %while3A_257 = %min3A_76 to %while3A_254 step %while3A_255  : i32 {
            %swap3A = arith.index_cast %while3A_257 : i32 to index
            %swap3A_258 = arith.constant 0 : index
            %swap3A_259 = tpu.vector_load %arg11[%swap3A, %swap3A_258] {strides = array<i32>} : memref<32x512xf32, #tpu.memory_space<vmem>>, vector<1x16xf32>,
            %swap3A_260 = vector.shape_cast %swap3A_259 : vector<1x16xf32> to vector<16xf32>
            %swap3A_261 = vector.shape_cast %broadcast_in_dim3A_1 : vector<16xf32> to vector<1x16xf32>
            tpu.vector_store %arg11[%swap3A, %swap3A_258], %swap3A_261 {strides = array<i32>} : memref<32x512xf32, #tpu.memory_space<vmem>>, vector<1x16xf32>,
            %swap3A_262 = arith.index_cast %while3A_257 : i32 to index
            %swap3A_263 = arith.constant 16 : index
            %swap3A_264 = tpu.vector_load %arg11[%swap3A_262, %swap3A_263] {strides = array<i32>} : memref<32x512xf32, #tpu.memory_space<vmem>>, vector<1x16xf32>,
            %swap3A_265 = vector.shape_cast %swap3A_264 : vector<1x16xf32> to vector<16xf32>
            %swap3A_266 = vector.shape_cast %broadcast_in_dim3A_1 : vector<16xf32> to vector<1x16xf32>
            tpu.vector_store %arg11[%swap3A_262, %swap3A_263], %swap3A_266 {strides = array<i32>} : memref<32x512xf32, #tpu.memory_space<vmem>>, vector<1x16xf32>,
            %swap3A_267 = arith.index_cast %while3A_257 : i32 to index
            %swap3A_268 = arith.constant 32 : index
            %swap3A_269 = tpu.vector_load %arg11[%swap3A_267, %swap3A_268] {strides = array<i32>} : memref<32x512xf32, #tpu.memory_space<vmem>>, vector<1x16xf32>,
            %swap3A_270 = vector.shape_cast %swap3A_269 : vector<1x16xf32> to vector<16xf32>
            %swap3A_271 = vector.shape_cast %broadcast_in_dim3A_1 : vector<16xf32> to vector<1x16xf32>
            tpu.vector_store %arg11[%swap3A_267, %swap3A_268], %swap3A_271 {strides = array<i32>} : memref<32x512xf32, #tpu.memory_space<vmem>>, vector<1x16xf32>,
            %swap3A_272 = arith.index_cast %while3A_257 : i32 to index
            %swap3A_273 = arith.constant 48 : index
            %swap3A_274 = tpu.vector_load %arg11[%swap3A_272, %swap3A_273] {strides = array<i32>} : memref<32x512xf32, #tpu.memory_space<vmem>>, vector<1x16xf32>,
            %swap3A_275 = vector.shape_cast %swap3A_274 : vector<1x16xf32> to vector<16xf32>
            %swap3A_276 = vector.shape_cast %broadcast_in_dim3A_1 : vector<16xf32> to vector<1x16xf32>
            tpu.vector_store %arg11[%swap3A_272, %swap3A_273], %swap3A_276 {strides = array<i32>} : memref<32x512xf32, #tpu.memory_space<vmem>>, vector<1x16xf32>,
            %swap3A_277 = arith.index_cast %while3A_257 : i32 to index
            %swap3A_278 = arith.constant 64 : index
            %swap3A_279 = tpu.vector_load %arg11[%swap3A_277, %swap3A_278] {strides = array<i32>} : memref<32x512xf32, #tpu.memory_space<vmem>>, vector<1x16xf32>,
            %swap3A_280 = vector.shape_cast %swap3A_279 : vector<1x16xf32> to vector<16xf32>
            %swap3A_281 = vector.shape_cast %broadcast_in_dim3A_1 : vector<16xf32> to vector<1x16xf32>
            tpu.vector_store %arg11[%swap3A_277, %swap3A_278], %swap3A_281 {strides = array<i32>} : memref<32x512xf32, #tpu.memory_space<vmem>>, vector<1x16xf32>,
            %swap3A_282 = arith.index_cast %while3A_257 : i32 to index
            %swap3A_283 = arith.constant 80 : index
            %swap3A_284 = tpu.vector_load %arg11[%swap3A_282, %swap3A_283] {strides = array<i32>} : memref<32x512xf32, #tpu.memory_space<vmem>>, vector<1x16xf32>,
            %swap3A_285 = vector.shape_cast %swap3A_284 : vector<1x16xf32> to vector<16xf32>
            %swap3A_286 = vector.shape_cast %broadcast_in_dim3A_1 : vector<16xf32> to vector<1x16xf32>
            tpu.vector_store %arg11[%swap3A_282, %swap3A_283], %swap3A_286 {strides = array<i32>} : memref<32x512xf32, #tpu.memory_space<vmem>>, vector<1x16xf32>,
            %swap3A_287 = arith.index_cast %while3A_257 : i32 to index
            %swap3A_288 = arith.constant 96 : index
            %swap3A_289 = tpu.vector_load %arg11[%swap3A_287, %swap3A_288] {strides = array<i32>} : memref<32x512xf32, #tpu.memory_space<vmem>>, vector<1x16xf32>,
            %swap3A_290 = vector.shape_cast %swap3A_289 : vector<1x16xf32> to vector<16xf32>
            %swap3A_291 = vector.shape_cast %broadcast_in_dim3A_1 : vector<16xf32> to vector<1x16xf32>
            tpu.vector_store %arg11[%swap3A_287, %swap3A_288], %swap3A_291 {strides = array<i32>} : memref<32x512xf32, #tpu.memory_space<vmem>>, vector<1x16xf32>,
            %swap3A_292 = arith.index_cast %while3A_257 : i32 to index
            %swap3A_293 = arith.constant 112 : index
            %swap3A_294 = tpu.vector_load %arg11[%swap3A_292, %swap3A_293] {strides = array<i32>} : memref<32x512xf32, #tpu.memory_space<vmem>>, vector<1x16xf32>,
            %swap3A_295 = vector.shape_cast %swap3A_294 : vector<1x16xf32> to vector<16xf32>
            %swap3A_296 = vector.shape_cast %broadcast_in_dim3A_1 : vector<16xf32> to vector<1x16xf32>
            tpu.vector_store %arg11[%swap3A_292, %swap3A_293], %swap3A_296 {strides = array<i32>} : memref<32x512xf32, #tpu.memory_space<vmem>>, vector<1x16xf32>,
            %swap3A_297 = arith.index_cast %while3A_257 : i32 to index
            %swap3A_298 = arith.constant 128 : index
            %swap3A_299 = tpu.vector_load %arg11[%swap3A_297, %swap3A_298] {strides = array<i32>} : memref<32x512xf32, #tpu.memory_space<vmem>>, vector<1x16xf32>,
            %swap3A_300 = vector.shape_cast %swap3A_299 : vector<1x16xf32> to vector<16xf32>
            %swap3A_301 = vector.shape_cast %broadcast_in_dim3A_1 : vector<16xf32> to vector<1x16xf32>
            tpu.vector_store %arg11[%swap3A_297, %swap3A_298], %swap3A_301 {strides = array<i32>} : memref<32x512xf32, #tpu.memory_space<vmem>>, vector<1x16xf32>,
            %swap3A_302 = arith.index_cast %while3A_257 : i32 to index
            %swap3A_303 = arith.constant 144 : index
            %swap3A_304 = tpu.vector_load %arg11[%swap3A_302, %swap3A_303] {strides = array<i32>} : memref<32x512xf32, #tpu.memory_space<vmem>>, vector<1x16xf32>,
            %swap3A_305 = vector.shape_cast %swap3A_304 : vector<1x16xf32> to vector<16xf32>
            %swap3A_306 = vector.shape_cast %broadcast_in_dim3A_1 : vector<16xf32> to vector<1x16xf32>
            tpu.vector_store %arg11[%swap3A_302, %swap3A_303], %swap3A_306 {strides = array<i32>} : memref<32x512xf32, #tpu.memory_space<vmem>>, vector<1x16xf32>,
            %swap3A_307 = arith.index_cast %while3A_257 : i32 to index
            %swap3A_308 = arith.constant 160 : index
            %swap3A_309 = tpu.vector_load %arg11[%swap3A_307, %swap3A_308] {strides = array<i32>} : memref<32x512xf32, #tpu.memory_space<vmem>>, vector<1x16xf32>,
            %swap3A_310 = vector.shape_cast %swap3A_309 : vector<1x16xf32> to vector<16xf32>
            %swap3A_311 = vector.shape_cast %broadcast_in_dim3A_1 : vector<16xf32> to vector<1x16xf32>
            tpu.vector_store %arg11[%swap3A_307, %swap3A_308], %swap3A_311 {strides = array<i32>} : memref<32x512xf32, #tpu.memory_space<vmem>>, vector<1x16xf32>,
            %swap3A_312 = arith.index_cast %while3A_257 : i32 to index
            %swap3A_313 = arith.constant 176 : index
            %swap3A_314 = tpu.vector_load %arg11[%swap3A_312, %swap3A_313] {strides = array<i32>} : memref<32x512xf32, #tpu.memory_space<vmem>>, vector<1x16xf32>,
            %swap3A_315 = vector.shape_cast %swap3A_314 : vector<1x16xf32> to vector<16xf32>
            %swap3A_316 = vector.shape_cast %broadcast_in_dim3A_1 : vector<16xf32> to vector<1x16xf32>
            tpu.vector_store %arg11[%swap3A_312, %swap3A_313], %swap3A_316 {strides = array<i32>} : memref<32x512xf32, #tpu.memory_space<vmem>>, vector<1x16xf32>,
            %swap3A_317 = arith.index_cast %while3A_257 : i32 to index
            %swap3A_318 = arith.constant 192 : index
            %swap3A_319 = tpu.vector_load %arg11[%swap3A_317, %swap3A_318] {strides = array<i32>} : memref<32x512xf32, #tpu.memory_space<vmem>>, vector<1x16xf32>,
            %swap3A_320 = vector.shape_cast %swap3A_319 : vector<1x16xf32> to vector<16xf32>
            %swap3A_321 = vector.shape_cast %broadcast_in_dim3A_1 : vector<16xf32> to vector<1x16xf32>
            tpu.vector_store %arg11[%swap3A_317, %swap3A_318], %swap3A_321 {strides = array<i32>} : memref<32x512xf32, #tpu.memory_space<vmem>>, vector<1x16xf32>,
            %swap3A_322 = arith.index_cast %while3A_257 : i32 to index
            %swap3A_323 = arith.constant 208 : index
            %swap3A_324 = tpu.vector_load %arg11[%swap3A_322, %swap3A_323] {strides = array<i32>} : memref<32x512xf32, #tpu.memory_space<vmem>>, vector<1x16xf32>,
            %swap3A_325 = vector.shape_cast %swap3A_324 : vector<1x16xf32> to vector<16xf32>
            %swap3A_326 = vector.shape_cast %broadcast_in_dim3A_1 : vector<16xf32> to vector<1x16xf32>
            tpu.vector_store %arg11[%swap3A_322, %swap3A_323], %swap3A_326 {strides = array<i32>} : memref<32x512xf32, #tpu.memory_space<vmem>>, vector<1x16xf32>,
            %swap3A_327 = arith.index_cast %while3A_257 : i32 to index
            %swap3A_328 = arith.constant 224 : index
            %swap3A_329 = tpu.vector_load %arg11[%swap3A_327, %swap3A_328] {strides = array<i32>} : memref<32x512xf32, #tpu.memory_space<vmem>>, vector<1x16xf32>,
            %swap3A_330 = vector.shape_cast %swap3A_329 : vector<1x16xf32> to vector<16xf32>
            %swap3A_331 = vector.shape_cast %broadcast_in_dim3A_1 : vector<16xf32> to vector<1x16xf32>
            tpu.vector_store %arg11[%swap3A_327, %swap3A_328], %swap3A_331 {strides = array<i32>} : memref<32x512xf32, #tpu.memory_space<vmem>>, vector<1x16xf32>,
            %swap3A_332 = arith.index_cast %while3A_257 : i32 to index
            %swap3A_333 = arith.constant 240 : index
            %swap3A_334 = tpu.vector_load %arg11[%swap3A_332, %swap3A_333] {strides = array<i32>} : memref<32x512xf32, #tpu.memory_space<vmem>>, vector<1x16xf32>,
            %swap3A_335 = vector.shape_cast %swap3A_334 : vector<1x16xf32> to vector<16xf32>
            %swap3A_336 = vector.shape_cast %broadcast_in_dim3A_1 : vector<16xf32> to vector<1x16xf32>
            tpu.vector_store %arg11[%swap3A_332, %swap3A_333], %swap3A_336 {strides = array<i32>} : memref<32x512xf32, #tpu.memory_space<vmem>>, vector<1x16xf32>,
            %swap3A_337 = arith.index_cast %while3A_257 : i32 to index
            %swap3A_338 = arith.constant 256 : index
            %swap3A_339 = tpu.vector_load %arg11[%swap3A_337, %swap3A_338] {strides = array<i32>} : memref<32x512xf32, #tpu.memory_space<vmem>>, vector<1x16xf32>,
            %swap3A_340 = vector.shape_cast %swap3A_339 : vector<1x16xf32> to vector<16xf32>
            %swap3A_341 = vector.shape_cast %broadcast_in_dim3A_1 : vector<16xf32> to vector<1x16xf32>
            tpu.vector_store %arg11[%swap3A_337, %swap3A_338], %swap3A_341 {strides = array<i32>} : memref<32x512xf32, #tpu.memory_space<vmem>>, vector<1x16xf32>,
            %swap3A_342 = arith.index_cast %while3A_257 : i32 to index
            %swap3A_343 = arith.constant 272 : index
            %swap3A_344 = tpu.vector_load %arg11[%swap3A_342, %swap3A_343] {strides = array<i32>} : memref<32x512xf32, #tpu.memory_space<vmem>>, vector<1x16xf32>,
            %swap3A_345 = vector.shape_cast %swap3A_344 : vector<1x16xf32> to vector<16xf32>
            %swap3A_346 = vector.shape_cast %broadcast_in_dim3A_1 : vector<16xf32> to vector<1x16xf32>
            tpu.vector_store %arg11[%swap3A_342, %swap3A_343], %swap3A_346 {strides = array<i32>} : memref<32x512xf32, #tpu.memory_space<vmem>>, vector<1x16xf32>,
            %swap3A_347 = arith.index_cast %while3A_257 : i32 to index
            %swap3A_348 = arith.constant 288 : index
            %swap3A_349 = tpu.vector_load %arg11[%swap3A_347, %swap3A_348] {strides = array<i32>} : memref<32x512xf32, #tpu.memory_space<vmem>>, vector<1x16xf32>,
            %swap3A_350 = vector.shape_cast %swap3A_349 : vector<1x16xf32> to vector<16xf32>
            %swap3A_351 = vector.shape_cast %broadcast_in_dim3A_1 : vector<16xf32> to vector<1x16xf32>
            tpu.vector_store %arg11[%swap3A_347, %swap3A_348], %swap3A_351 {strides = array<i32>} : memref<32x512xf32, #tpu.memory_space<vmem>>, vector<1x16xf32>,
            %swap3A_352 = arith.index_cast %while3A_257 : i32 to index
            %swap3A_353 = arith.constant 304 : index
            %swap3A_354 = tpu.vector_load %arg11[%swap3A_352, %swap3A_353] {strides = array<i32>} : memref<32x512xf32, #tpu.memory_space<vmem>>, vector<1x16xf32>,
            %swap3A_355 = vector.shape_cast %swap3A_354 : vector<1x16xf32> to vector<16xf32>
            %swap3A_356 = vector.shape_cast %broadcast_in_dim3A_1 : vector<16xf32> to vector<1x16xf32>
            tpu.vector_store %arg11[%swap3A_352, %swap3A_353], %swap3A_356 {strides = array<i32>} : memref<32x512xf32, #tpu.memory_space<vmem>>, vector<1x16xf32>,
            %swap3A_357 = arith.index_cast %while3A_257 : i32 to index
            %swap3A_358 = arith.constant 320 : index
            %swap3A_359 = tpu.vector_load %arg11[%swap3A_357, %swap3A_358] {strides = array<i32>} : memref<32x512xf32, #tpu.memory_space<vmem>>, vector<1x16xf32>,
            %swap3A_360 = vector.shape_cast %swap3A_359 : vector<1x16xf32> to vector<16xf32>
            %swap3A_361 = vector.shape_cast %broadcast_in_dim3A_1 : vector<16xf32> to vector<1x16xf32>
            tpu.vector_store %arg11[%swap3A_357, %swap3A_358], %swap3A_361 {strides = array<i32>} : memref<32x512xf32, #tpu.memory_space<vmem>>, vector<1x16xf32>,
            %swap3A_362 = arith.index_cast %while3A_257 : i32 to index
            %swap3A_363 = arith.constant 336 : index
            %swap3A_364 = tpu.vector_load %arg11[%swap3A_362, %swap3A_363] {strides = array<i32>} : memref<32x512xf32, #tpu.memory_space<vmem>>, vector<1x16xf32>,
            %swap3A_365 = vector.shape_cast %swap3A_364 : vector<1x16xf32> to vector<16xf32>
            %swap3A_366 = vector.shape_cast %broadcast_in_dim3A_1 : vector<16xf32> to vector<1x16xf32>
            tpu.vector_store %arg11[%swap3A_362, %swap3A_363], %swap3A_366 {strides = array<i32>} : memref<32x512xf32, #tpu.memory_space<vmem>>, vector<1x16xf32>,
            %swap3A_367 = arith.index_cast %while3A_257 : i32 to index
            %swap3A_368 = arith.constant 352 : index
            %swap3A_369 = tpu.vector_load %arg11[%swap3A_367, %swap3A_368] {strides = array<i32>} : memref<32x512xf32, #tpu.memory_space<vmem>>, vector<1x16xf32>,
            %swap3A_370 = vector.shape_cast %swap3A_369 : vector<1x16xf32> to vector<16xf32>
            %swap3A_371 = vector.shape_cast %broadcast_in_dim3A_1 : vector<16xf32> to vector<1x16xf32>
            tpu.vector_store %arg11[%swap3A_367, %swap3A_368], %swap3A_371 {strides = array<i32>} : memref<32x512xf32, #tpu.memory_space<vmem>>, vector<1x16xf32>,
            %swap3A_372 = arith.index_cast %while3A_257 : i32 to index
            %swap3A_373 = arith.constant 368 : index
            %swap3A_374 = tpu.vector_load %arg11[%swap3A_372, %swap3A_373] {strides = array<i32>} : memref<32x512xf32, #tpu.memory_space<vmem>>, vector<1x16xf32>,
            %swap3A_375 = vector.shape_cast %swap3A_374 : vector<1x16xf32> to vector<16xf32>
            %swap3A_376 = vector.shape_cast %broadcast_in_dim3A_1 : vector<16xf32> to vector<1x16xf32>
            tpu.vector_store %arg11[%swap3A_372, %swap3A_373], %swap3A_376 {strides = array<i32>} : memref<32x512xf32, #tpu.memory_space<vmem>>, vector<1x16xf32>,
            %swap3A_377 = arith.index_cast %while3A_257 : i32 to index
            %swap3A_378 = arith.constant 384 : index
            %swap3A_379 = tpu.vector_load %arg11[%swap3A_377, %swap3A_378] {strides = array<i32>} : memref<32x512xf32, #tpu.memory_space<vmem>>, vector<1x16xf32>,
            %swap3A_380 = vector.shape_cast %swap3A_379 : vector<1x16xf32> to vector<16xf32>
            %swap3A_381 = vector.shape_cast %broadcast_in_dim3A_1 : vector<16xf32> to vector<1x16xf32>
            tpu.vector_store %arg11[%swap3A_377, %swap3A_378], %swap3A_381 {strides = array<i32>} : memref<32x512xf32, #tpu.memory_space<vmem>>, vector<1x16xf32>,
            %swap3A_382 = arith.index_cast %while3A_257 : i32 to index
            %swap3A_383 = arith.constant 400 : index
            %swap3A_384 = tpu.vector_load %arg11[%swap3A_382, %swap3A_383] {strides = array<i32>} : memref<32x512xf32, #tpu.memory_space<vmem>>, vector<1x16xf32>,
            %swap3A_385 = vector.shape_cast %swap3A_384 : vector<1x16xf32> to vector<16xf32>
            %swap3A_386 = vector.shape_cast %broadcast_in_dim3A_1 : vector<16xf32> to vector<1x16xf32>
            tpu.vector_store %arg11[%swap3A_382, %swap3A_383], %swap3A_386 {strides = array<i32>} : memref<32x512xf32, #tpu.memory_space<vmem>>, vector<1x16xf32>,
            %swap3A_387 = arith.index_cast %while3A_257 : i32 to index
            %swap3A_388 = arith.constant 416 : index
            %swap3A_389 = tpu.vector_load %arg11[%swap3A_387, %swap3A_388] {strides = array<i32>} : memref<32x512xf32, #tpu.memory_space<vmem>>, vector<1x16xf32>,
            %swap3A_390 = vector.shape_cast %swap3A_389 : vector<1x16xf32> to vector<16xf32>
            %swap3A_391 = vector.shape_cast %broadcast_in_dim3A_1 : vector<16xf32> to vector<1x16xf32>
            tpu.vector_store %arg11[%swap3A_387, %swap3A_388], %swap3A_391 {strides = array<i32>} : memref<32x512xf32, #tpu.memory_space<vmem>>, vector<1x16xf32>,
            %swap3A_392 = arith.index_cast %while3A_257 : i32 to index
            %swap3A_393 = arith.constant 432 : index
            %swap3A_394 = tpu.vector_load %arg11[%swap3A_392, %swap3A_393] {strides = array<i32>} : memref<32x512xf32, #tpu.memory_space<vmem>>, vector<1x16xf32>,
            %swap3A_395 = vector.shape_cast %swap3A_394 : vector<1x16xf32> to vector<16xf32>
            %swap3A_396 = vector.shape_cast %broadcast_in_dim3A_1 : vector<16xf32> to vector<1x16xf32>
            tpu.vector_store %arg11[%swap3A_392, %swap3A_393], %swap3A_396 {strides = array<i32>} : memref<32x512xf32, #tpu.memory_space<vmem>>, vector<1x16xf32>,
            %swap3A_397 = arith.index_cast %while3A_257 : i32 to index
            %swap3A_398 = arith.constant 448 : index
            %swap3A_399 = tpu.vector_load %arg11[%swap3A_397, %swap3A_398] {strides = array<i32>} : memref<32x512xf32, #tpu.memory_space<vmem>>, vector<1x16xf32>,
            %swap3A_400 = vector.shape_cast %swap3A_399 : vector<1x16xf32> to vector<16xf32>
            %swap3A_401 = vector.shape_cast %broadcast_in_dim3A_1 : vector<16xf32> to vector<1x16xf32>
            tpu.vector_store %arg11[%swap3A_397, %swap3A_398], %swap3A_401 {strides = array<i32>} : memref<32x512xf32, #tpu.memory_space<vmem>>, vector<1x16xf32>,
            %swap3A_402 = arith.index_cast %while3A_257 : i32 to index
            %swap3A_403 = arith.constant 464 : index
            %swap3A_404 = tpu.vector_load %arg11[%swap3A_402, %swap3A_403] {strides = array<i32>} : memref<32x512xf32, #tpu.memory_space<vmem>>, vector<1x16xf32>,
            %swap3A_405 = vector.shape_cast %swap3A_404 : vector<1x16xf32> to vector<16xf32>
            %swap3A_406 = vector.shape_cast %broadcast_in_dim3A_1 : vector<16xf32> to vector<1x16xf32>
            tpu.vector_store %arg11[%swap3A_402, %swap3A_403], %swap3A_406 {strides = array<i32>} : memref<32x512xf32, #tpu.memory_space<vmem>>, vector<1x16xf32>,
            %swap3A_407 = arith.index_cast %while3A_257 : i32 to index
            %swap3A_408 = arith.constant 480 : index
            %swap3A_409 = tpu.vector_load %arg11[%swap3A_407, %swap3A_408] {strides = array<i32>} : memref<32x512xf32, #tpu.memory_space<vmem>>, vector<1x16xf32>,
            %swap3A_410 = vector.shape_cast %swap3A_409 : vector<1x16xf32> to vector<16xf32>
            %swap3A_411 = vector.shape_cast %broadcast_in_dim3A_1 : vector<16xf32> to vector<1x16xf32>
            tpu.vector_store %arg11[%swap3A_407, %swap3A_408], %swap3A_411 {strides = array<i32>} : memref<32x512xf32, #tpu.memory_space<vmem>>, vector<1x16xf32>,
            %swap3A_412 = arith.index_cast %while3A_257 : i32 to index
            %swap3A_413 = arith.constant 496 : index
            %swap3A_414 = tpu.vector_load %arg11[%swap3A_412, %swap3A_413] {strides = array<i32>} : memref<32x512xf32, #tpu.memory_space<vmem>>, vector<1x16xf32>,
            %swap3A_415 = vector.shape_cast %swap3A_414 : vector<1x16xf32> to vector<16xf32>
            %swap3A_416 = vector.shape_cast %broadcast_in_dim3A_1 : vector<16xf32> to vector<1x16xf32>
            tpu.vector_store %arg11[%swap3A_412, %swap3A_413], %swap3A_416 {strides = array<i32>} : memref<32x512xf32, #tpu.memory_space<vmem>>, vector<1x16xf32>,
          }
          %while3A_256 = arith.constant 1 : i32
          scf.for %while3A_257 = %while3A_254 to %while3A_250 step %while3A_256  : i32 {
            %swap3A = arith.index_cast %while3A_257 : i32 to index
            %swap3A_258 = arith.constant 0 : index
            %swap3A_259 = tpu.vector_load %arg11[%swap3A, %swap3A_258] {strides = array<i32>} : memref<32x512xf32, #tpu.memory_space<vmem>>, vector<1x16xf32>,
            %swap3A_260 = vector.shape_cast %swap3A_259 : vector<1x16xf32> to vector<16xf32>
            %swap3A_261 = vector.shape_cast %broadcast_in_dim3A_1 : vector<16xf32> to vector<1x16xf32>
            tpu.vector_store %arg11[%swap3A, %swap3A_258], %swap3A_261 {strides = array<i32>} : memref<32x512xf32, #tpu.memory_space<vmem>>, vector<1x16xf32>,
            %swap3A_262 = arith.index_cast %while3A_257 : i32 to index
            %swap3A_263 = arith.constant 16 : index
            %swap3A_264 = tpu.vector_load %arg11[%swap3A_262, %swap3A_263] {strides = array<i32>} : memref<32x512xf32, #tpu.memory_space<vmem>>, vector<1x16xf32>,
            %swap3A_265 = vector.shape_cast %swap3A_264 : vector<1x16xf32> to vector<16xf32>
            %swap3A_266 = vector.shape_cast %broadcast_in_dim3A_1 : vector<16xf32> to vector<1x16xf32>
            tpu.vector_store %arg11[%swap3A_262, %swap3A_263], %swap3A_266 {strides = array<i32>} : memref<32x512xf32, #tpu.memory_space<vmem>>, vector<1x16xf32>,
            %swap3A_267 = arith.index_cast %while3A_257 : i32 to index
            %swap3A_268 = arith.constant 32 : index
            %swap3A_269 = tpu.vector_load %arg11[%swap3A_267, %swap3A_268] {strides = array<i32>} : memref<32x512xf32, #tpu.memory_space<vmem>>, vector<1x16xf32>,
            %swap3A_270 = vector.shape_cast %swap3A_269 : vector<1x16xf32> to vector<16xf32>
            %swap3A_271 = vector.shape_cast %broadcast_in_dim3A_1 : vector<16xf32> to vector<1x16xf32>
            tpu.vector_store %arg11[%swap3A_267, %swap3A_268], %swap3A_271 {strides = array<i32>} : memref<32x512xf32, #tpu.memory_space<vmem>>, vector<1x16xf32>,
            %swap3A_272 = arith.index_cast %while3A_257 : i32 to index
            %swap3A_273 = arith.constant 48 : index
            %swap3A_274 = tpu.vector_load %arg11[%swap3A_272, %swap3A_273] {strides = array<i32>} : memref<32x512xf32, #tpu.memory_space<vmem>>, vector<1x16xf32>,
            %swap3A_275 = vector.shape_cast %swap3A_274 : vector<1x16xf32> to vector<16xf32>
            %swap3A_276 = vector.shape_cast %broadcast_in_dim3A_1 : vector<16xf32> to vector<1x16xf32>
            tpu.vector_store %arg11[%swap3A_272, %swap3A_273], %swap3A_276 {strides = array<i32>} : memref<32x512xf32, #tpu.memory_space<vmem>>, vector<1x16xf32>,
            %swap3A_277 = arith.index_cast %while3A_257 : i32 to index
            %swap3A_278 = arith.constant 64 : index
            %swap3A_279 = tpu.vector_load %arg11[%swap3A_277, %swap3A_278] {strides = array<i32>} : memref<32x512xf32, #tpu.memory_space<vmem>>, vector<1x16xf32>,
            %swap3A_280 = vector.shape_cast %swap3A_279 : vector<1x16xf32> to vector<16xf32>
            %swap3A_281 = vector.shape_cast %broadcast_in_dim3A_1 : vector<16xf32> to vector<1x16xf32>
            tpu.vector_store %arg11[%swap3A_277, %swap3A_278], %swap3A_281 {strides = array<i32>} : memref<32x512xf32, #tpu.memory_space<vmem>>, vector<1x16xf32>,
            %swap3A_282 = arith.index_cast %while3A_257 : i32 to index
            %swap3A_283 = arith.constant 80 : index
            %swap3A_284 = tpu.vector_load %arg11[%swap3A_282, %swap3A_283] {strides = array<i32>} : memref<32x512xf32, #tpu.memory_space<vmem>>, vector<1x16xf32>,
            %swap3A_285 = vector.shape_cast %swap3A_284 : vector<1x16xf32> to vector<16xf32>
            %swap3A_286 = vector.shape_cast %broadcast_in_dim3A_1 : vector<16xf32> to vector<1x16xf32>
            tpu.vector_store %arg11[%swap3A_282, %swap3A_283], %swap3A_286 {strides = array<i32>} : memref<32x512xf32, #tpu.memory_space<vmem>>, vector<1x16xf32>,
            %swap3A_287 = arith.index_cast %while3A_257 : i32 to index
            %swap3A_288 = arith.constant 96 : index
            %swap3A_289 = tpu.vector_load %arg11[%swap3A_287, %swap3A_288] {strides = array<i32>} : memref<32x512xf32, #tpu.memory_space<vmem>>, vector<1x16xf32>,
            %swap3A_290 = vector.shape_cast %swap3A_289 : vector<1x16xf32> to vector<16xf32>
            %swap3A_291 = vector.shape_cast %broadcast_in_dim3A_1 : vector<16xf32> to vector<1x16xf32>
            tpu.vector_store %arg11[%swap3A_287, %swap3A_288], %swap3A_291 {strides = array<i32>} : memref<32x512xf32, #tpu.memory_space<vmem>>, vector<1x16xf32>,
            %swap3A_292 = arith.index_cast %while3A_257 : i32 to index
            %swap3A_293 = arith.constant 112 : index
            %swap3A_294 = tpu.vector_load %arg11[%swap3A_292, %swap3A_293] {strides = array<i32>} : memref<32x512xf32, #tpu.memory_space<vmem>>, vector<1x16xf32>,
            %swap3A_295 = vector.shape_cast %swap3A_294 : vector<1x16xf32> to vector<16xf32>
            %swap3A_296 = vector.shape_cast %broadcast_in_dim3A_1 : vector<16xf32> to vector<1x16xf32>
            tpu.vector_store %arg11[%swap3A_292, %swap3A_293], %swap3A_296 {strides = array<i32>} : memref<32x512xf32, #tpu.memory_space<vmem>>, vector<1x16xf32>,
            %swap3A_297 = arith.index_cast %while3A_257 : i32 to index
            %swap3A_298 = arith.constant 128 : index
            %swap3A_299 = tpu.vector_load %arg11[%swap3A_297, %swap3A_298] {strides = array<i32>} : memref<32x512xf32, #tpu.memory_space<vmem>>, vector<1x16xf32>,
            %swap3A_300 = vector.shape_cast %swap3A_299 : vector<1x16xf32> to vector<16xf32>
            %swap3A_301 = vector.shape_cast %broadcast_in_dim3A_1 : vector<16xf32> to vector<1x16xf32>
            tpu.vector_store %arg11[%swap3A_297, %swap3A_298], %swap3A_301 {strides = array<i32>} : memref<32x512xf32, #tpu.memory_space<vmem>>, vector<1x16xf32>,
            %swap3A_302 = arith.index_cast %while3A_257 : i32 to index
            %swap3A_303 = arith.constant 144 : index
            %swap3A_304 = tpu.vector_load %arg11[%swap3A_302, %swap3A_303] {strides = array<i32>} : memref<32x512xf32, #tpu.memory_space<vmem>>, vector<1x16xf32>,
            %swap3A_305 = vector.shape_cast %swap3A_304 : vector<1x16xf32> to vector<16xf32>
            %swap3A_306 = vector.shape_cast %broadcast_in_dim3A_1 : vector<16xf32> to vector<1x16xf32>
            tpu.vector_store %arg11[%swap3A_302, %swap3A_303], %swap3A_306 {strides = array<i32>} : memref<32x512xf32, #tpu.memory_space<vmem>>, vector<1x16xf32>,
            %swap3A_307 = arith.index_cast %while3A_257 : i32 to index
            %swap3A_308 = arith.constant 160 : index
            %swap3A_309 = tpu.vector_load %arg11[%swap3A_307, %swap3A_308] {strides = array<i32>} : memref<32x512xf32, #tpu.memory_space<vmem>>, vector<1x16xf32>,
            %swap3A_310 = vector.shape_cast %swap3A_309 : vector<1x16xf32> to vector<16xf32>
            %swap3A_311 = vector.shape_cast %broadcast_in_dim3A_1 : vector<16xf32> to vector<1x16xf32>
            tpu.vector_store %arg11[%swap3A_307, %swap3A_308], %swap3A_311 {strides = array<i32>} : memref<32x512xf32, #tpu.memory_space<vmem>>, vector<1x16xf32>,
            %swap3A_312 = arith.index_cast %while3A_257 : i32 to index
            %swap3A_313 = arith.constant 176 : index
            %swap3A_314 = tpu.vector_load %arg11[%swap3A_312, %swap3A_313] {strides = array<i32>} : memref<32x512xf32, #tpu.memory_space<vmem>>, vector<1x16xf32>,
            %swap3A_315 = vector.shape_cast %swap3A_314 : vector<1x16xf32> to vector<16xf32>
            %swap3A_316 = vector.shape_cast %broadcast_in_dim3A_1 : vector<16xf32> to vector<1x16xf32>
            tpu.vector_store %arg11[%swap3A_312, %swap3A_313], %swap3A_316 {strides = array<i32>} : memref<32x512xf32, #tpu.memory_space<vmem>>, vector<1x16xf32>,
            %swap3A_317 = arith.index_cast %while3A_257 : i32 to index
            %swap3A_318 = arith.constant 192 : index
            %swap3A_319 = tpu.vector_load %arg11[%swap3A_317, %swap3A_318] {strides = array<i32>} : memref<32x512xf32, #tpu.memory_space<vmem>>, vector<1x16xf32>,
            %swap3A_320 = vector.shape_cast %swap3A_319 : vector<1x16xf32> to vector<16xf32>
            %swap3A_321 = vector.shape_cast %broadcast_in_dim3A_1 : vector<16xf32> to vector<1x16xf32>
            tpu.vector_store %arg11[%swap3A_317, %swap3A_318], %swap3A_321 {strides = array<i32>} : memref<32x512xf32, #tpu.memory_space<vmem>>, vector<1x16xf32>,
            %swap3A_322 = arith.index_cast %while3A_257 : i32 to index
            %swap3A_323 = arith.constant 208 : index
            %swap3A_324 = tpu.vector_load %arg11[%swap3A_322, %swap3A_323] {strides = array<i32>} : memref<32x512xf32, #tpu.memory_space<vmem>>, vector<1x16xf32>,
            %swap3A_325 = vector.shape_cast %swap3A_324 : vector<1x16xf32> to vector<16xf32>
            %swap3A_326 = vector.shape_cast %broadcast_in_dim3A_1 : vector<16xf32> to vector<1x16xf32>
            tpu.vector_store %arg11[%swap3A_322, %swap3A_323], %swap3A_326 {strides = array<i32>} : memref<32x512xf32, #tpu.memory_space<vmem>>, vector<1x16xf32>,
            %swap3A_327 = arith.index_cast %while3A_257 : i32 to index
            %swap3A_328 = arith.constant 224 : index
            %swap3A_329 = tpu.vector_load %arg11[%swap3A_327, %swap3A_328] {strides = array<i32>} : memref<32x512xf32, #tpu.memory_space<vmem>>, vector<1x16xf32>,
            %swap3A_330 = vector.shape_cast %swap3A_329 : vector<1x16xf32> to vector<16xf32>
            %swap3A_331 = vector.shape_cast %broadcast_in_dim3A_1 : vector<16xf32> to vector<1x16xf32>
            tpu.vector_store %arg11[%swap3A_327, %swap3A_328], %swap3A_331 {strides = array<i32>} : memref<32x512xf32, #tpu.memory_space<vmem>>, vector<1x16xf32>,
            %swap3A_332 = arith.index_cast %while3A_257 : i32 to index
            %swap3A_333 = arith.constant 240 : index
            %swap3A_334 = tpu.vector_load %arg11[%swap3A_332, %swap3A_333] {strides = array<i32>} : memref<32x512xf32, #tpu.memory_space<vmem>>, vector<1x16xf32>,
            %swap3A_335 = vector.shape_cast %swap3A_334 : vector<1x16xf32> to vector<16xf32>
            %swap3A_336 = vector.shape_cast %broadcast_in_dim3A_1 : vector<16xf32> to vector<1x16xf32>
            tpu.vector_store %arg11[%swap3A_332, %swap3A_333], %swap3A_336 {strides = array<i32>} : memref<32x512xf32, #tpu.memory_space<vmem>>, vector<1x16xf32>,
            %swap3A_337 = arith.index_cast %while3A_257 : i32 to index
            %swap3A_338 = arith.constant 256 : index
            %swap3A_339 = tpu.vector_load %arg11[%swap3A_337, %swap3A_338] {strides = array<i32>} : memref<32x512xf32, #tpu.memory_space<vmem>>, vector<1x16xf32>,
            %swap3A_340 = vector.shape_cast %swap3A_339 : vector<1x16xf32> to vector<16xf32>
            %swap3A_341 = vector.shape_cast %broadcast_in_dim3A_1 : vector<16xf32> to vector<1x16xf32>
            tpu.vector_store %arg11[%swap3A_337, %swap3A_338], %swap3A_341 {strides = array<i32>} : memref<32x512xf32, #tpu.memory_space<vmem>>, vector<1x16xf32>,
            %swap3A_342 = arith.index_cast %while3A_257 : i32 to index
            %swap3A_343 = arith.constant 272 : index
            %swap3A_344 = tpu.vector_load %arg11[%swap3A_342, %swap3A_343] {strides = array<i32>} : memref<32x512xf32, #tpu.memory_space<vmem>>, vector<1x16xf32>,
            %swap3A_345 = vector.shape_cast %swap3A_344 : vector<1x16xf32> to vector<16xf32>
            %swap3A_346 = vector.shape_cast %broadcast_in_dim3A_1 : vector<16xf32> to vector<1x16xf32>
            tpu.vector_store %arg11[%swap3A_342, %swap3A_343], %swap3A_346 {strides = array<i32>} : memref<32x512xf32, #tpu.memory_space<vmem>>, vector<1x16xf32>,
            %swap3A_347 = arith.index_cast %while3A_257 : i32 to index
            %swap3A_348 = arith.constant 288 : index
            %swap3A_349 = tpu.vector_load %arg11[%swap3A_347, %swap3A_348] {strides = array<i32>} : memref<32x512xf32, #tpu.memory_space<vmem>>, vector<1x16xf32>,
            %swap3A_350 = vector.shape_cast %swap3A_349 : vector<1x16xf32> to vector<16xf32>
            %swap3A_351 = vector.shape_cast %broadcast_in_dim3A_1 : vector<16xf32> to vector<1x16xf32>
            tpu.vector_store %arg11[%swap3A_347, %swap3A_348], %swap3A_351 {strides = array<i32>} : memref<32x512xf32, #tpu.memory_space<vmem>>, vector<1x16xf32>,
            %swap3A_352 = arith.index_cast %while3A_257 : i32 to index
            %swap3A_353 = arith.constant 304 : index
            %swap3A_354 = tpu.vector_load %arg11[%swap3A_352, %swap3A_353] {strides = array<i32>} : memref<32x512xf32, #tpu.memory_space<vmem>>, vector<1x16xf32>,
            %swap3A_355 = vector.shape_cast %swap3A_354 : vector<1x16xf32> to vector<16xf32>
            %swap3A_356 = vector.shape_cast %broadcast_in_dim3A_1 : vector<16xf32> to vector<1x16xf32>
            tpu.vector_store %arg11[%swap3A_352, %swap3A_353], %swap3A_356 {strides = array<i32>} : memref<32x512xf32, #tpu.memory_space<vmem>>, vector<1x16xf32>,
            %swap3A_357 = arith.index_cast %while3A_257 : i32 to index
            %swap3A_358 = arith.constant 320 : index
            %swap3A_359 = tpu.vector_load %arg11[%swap3A_357, %swap3A_358] {strides = array<i32>} : memref<32x512xf32, #tpu.memory_space<vmem>>, vector<1x16xf32>,
            %swap3A_360 = vector.shape_cast %swap3A_359 : vector<1x16xf32> to vector<16xf32>
            %swap3A_361 = vector.shape_cast %broadcast_in_dim3A_1 : vector<16xf32> to vector<1x16xf32>
            tpu.vector_store %arg11[%swap3A_357, %swap3A_358], %swap3A_361 {strides = array<i32>} : memref<32x512xf32, #tpu.memory_space<vmem>>, vector<1x16xf32>,
            %swap3A_362 = arith.index_cast %while3A_257 : i32 to index
            %swap3A_363 = arith.constant 336 : index
            %swap3A_364 = tpu.vector_load %arg11[%swap3A_362, %swap3A_363] {strides = array<i32>} : memref<32x512xf32, #tpu.memory_space<vmem>>, vector<1x16xf32>,
            %swap3A_365 = vector.shape_cast %swap3A_364 : vector<1x16xf32> to vector<16xf32>
            %swap3A_366 = vector.shape_cast %broadcast_in_dim3A_1 : vector<16xf32> to vector<1x16xf32>
            tpu.vector_store %arg11[%swap3A_362, %swap3A_363], %swap3A_366 {strides = array<i32>} : memref<32x512xf32, #tpu.memory_space<vmem>>, vector<1x16xf32>,
            %swap3A_367 = arith.index_cast %while3A_257 : i32 to index
            %swap3A_368 = arith.constant 352 : index
            %swap3A_369 = tpu.vector_load %arg11[%swap3A_367, %swap3A_368] {strides = array<i32>} : memref<32x512xf32, #tpu.memory_space<vmem>>, vector<1x16xf32>,
            %swap3A_370 = vector.shape_cast %swap3A_369 : vector<1x16xf32> to vector<16xf32>
            %swap3A_371 = vector.shape_cast %broadcast_in_dim3A_1 : vector<16xf32> to vector<1x16xf32>
            tpu.vector_store %arg11[%swap3A_367, %swap3A_368], %swap3A_371 {strides = array<i32>} : memref<32x512xf32, #tpu.memory_space<vmem>>, vector<1x16xf32>,
            %swap3A_372 = arith.index_cast %while3A_257 : i32 to index
            %swap3A_373 = arith.constant 368 : index
            %swap3A_374 = tpu.vector_load %arg11[%swap3A_372, %swap3A_373] {strides = array<i32>} : memref<32x512xf32, #tpu.memory_space<vmem>>, vector<1x16xf32>,
            %swap3A_375 = vector.shape_cast %swap3A_374 : vector<1x16xf32> to vector<16xf32>
            %swap3A_376 = vector.shape_cast %broadcast_in_dim3A_1 : vector<16xf32> to vector<1x16xf32>
            tpu.vector_store %arg11[%swap3A_372, %swap3A_373], %swap3A_376 {strides = array<i32>} : memref<32x512xf32, #tpu.memory_space<vmem>>, vector<1x16xf32>,
            %swap3A_377 = arith.index_cast %while3A_257 : i32 to index
            %swap3A_378 = arith.constant 384 : index
            %swap3A_379 = tpu.vector_load %arg11[%swap3A_377, %swap3A_378] {strides = array<i32>} : memref<32x512xf32, #tpu.memory_space<vmem>>, vector<1x16xf32>,
            %swap3A_380 = vector.shape_cast %swap3A_379 : vector<1x16xf32> to vector<16xf32>
            %swap3A_381 = vector.shape_cast %broadcast_in_dim3A_1 : vector<16xf32> to vector<1x16xf32>
            tpu.vector_store %arg11[%swap3A_377, %swap3A_378], %swap3A_381 {strides = array<i32>} : memref<32x512xf32, #tpu.memory_space<vmem>>, vector<1x16xf32>,
            %swap3A_382 = arith.index_cast %while3A_257 : i32 to index
            %swap3A_383 = arith.constant 400 : index
            %swap3A_384 = tpu.vector_load %arg11[%swap3A_382, %swap3A_383] {strides = array<i32>} : memref<32x512xf32, #tpu.memory_space<vmem>>, vector<1x16xf32>,
            %swap3A_385 = vector.shape_cast %swap3A_384 : vector<1x16xf32> to vector<16xf32>
            %swap3A_386 = vector.shape_cast %broadcast_in_dim3A_1 : vector<16xf32> to vector<1x16xf32>
            tpu.vector_store %arg11[%swap3A_382, %swap3A_383], %swap3A_386 {strides = array<i32>} : memref<32x512xf32, #tpu.memory_space<vmem>>, vector<1x16xf32>,
            %swap3A_387 = arith.index_cast %while3A_257 : i32 to index
            %swap3A_388 = arith.constant 416 : index
            %swap3A_389 = tpu.vector_load %arg11[%swap3A_387, %swap3A_388] {strides = array<i32>} : memref<32x512xf32, #tpu.memory_space<vmem>>, vector<1x16xf32>,
            %swap3A_390 = vector.shape_cast %swap3A_389 : vector<1x16xf32> to vector<16xf32>
            %swap3A_391 = vector.shape_cast %broadcast_in_dim3A_1 : vector<16xf32> to vector<1x16xf32>
            tpu.vector_store %arg11[%swap3A_387, %swap3A_388], %swap3A_391 {strides = array<i32>} : memref<32x512xf32, #tpu.memory_space<vmem>>, vector<1x16xf32>,
            %swap3A_392 = arith.index_cast %while3A_257 : i32 to index
            %swap3A_393 = arith.constant 432 : index
            %swap3A_394 = tpu.vector_load %arg11[%swap3A_392, %swap3A_393] {strides = array<i32>} : memref<32x512xf32, #tpu.memory_space<vmem>>, vector<1x16xf32>,
            %swap3A_395 = vector.shape_cast %swap3A_394 : vector<1x16xf32> to vector<16xf32>
            %swap3A_396 = vector.shape_cast %broadcast_in_dim3A_1 : vector<16xf32> to vector<1x16xf32>
            tpu.vector_store %arg11[%swap3A_392, %swap3A_393], %swap3A_396 {strides = array<i32>} : memref<32x512xf32, #tpu.memory_space<vmem>>, vector<1x16xf32>,
            %swap3A_397 = arith.index_cast %while3A_257 : i32 to index
            %swap3A_398 = arith.constant 448 : index
            %swap3A_399 = tpu.vector_load %arg11[%swap3A_397, %swap3A_398] {strides = array<i32>} : memref<32x512xf32, #tpu.memory_space<vmem>>, vector<1x16xf32>,
            %swap3A_400 = vector.shape_cast %swap3A_399 : vector<1x16xf32> to vector<16xf32>
            %swap3A_401 = vector.shape_cast %broadcast_in_dim3A_1 : vector<16xf32> to vector<1x16xf32>
            tpu.vector_store %arg11[%swap3A_397, %swap3A_398], %swap3A_401 {strides = array<i32>} : memref<32x512xf32, #tpu.memory_space<vmem>>, vector<1x16xf32>,
            %swap3A_402 = arith.index_cast %while3A_257 : i32 to index
            %swap3A_403 = arith.constant 464 : index
            %swap3A_404 = tpu.vector_load %arg11[%swap3A_402, %swap3A_403] {strides = array<i32>} : memref<32x512xf32, #tpu.memory_space<vmem>>, vector<1x16xf32>,
            %swap3A_405 = vector.shape_cast %swap3A_404 : vector<1x16xf32> to vector<16xf32>
            %swap3A_406 = vector.shape_cast %broadcast_in_dim3A_1 : vector<16xf32> to vector<1x16xf32>
            tpu.vector_store %arg11[%swap3A_402, %swap3A_403], %swap3A_406 {strides = array<i32>} : memref<32x512xf32, #tpu.memory_space<vmem>>, vector<1x16xf32>,
            %swap3A_407 = arith.index_cast %while3A_257 : i32 to index
            %swap3A_408 = arith.constant 480 : index
            %swap3A_409 = tpu.vector_load %arg11[%swap3A_407, %swap3A_408] {strides = array<i32>} : memref<32x512xf32, #tpu.memory_space<vmem>>, vector<1x16xf32>,
            %swap3A_410 = vector.shape_cast %swap3A_409 : vector<1x16xf32> to vector<16xf32>
            %swap3A_411 = vector.shape_cast %broadcast_in_dim3A_1 : vector<16xf32> to vector<1x16xf32>
            tpu.vector_store %arg11[%swap3A_407, %swap3A_408], %swap3A_411 {strides = array<i32>} : memref<32x512xf32, #tpu.memory_space<vmem>>, vector<1x16xf32>,
            %swap3A_412 = arith.index_cast %while3A_257 : i32 to index
            %swap3A_413 = arith.constant 496 : index
            %swap3A_414 = tpu.vector_load %arg11[%swap3A_412, %swap3A_413] {strides = array<i32>} : memref<32x512xf32, #tpu.memory_space<vmem>>, vector<1x16xf32>,
            %swap3A_415 = vector.shape_cast %swap3A_414 : vector<1x16xf32> to vector<16xf32>
            %swap3A_416 = vector.shape_cast %broadcast_in_dim3A_1 : vector<16xf32> to vector<1x16xf32>
            tpu.vector_store %arg11[%swap3A_412, %swap3A_413], %swap3A_416 {strides = array<i32>} : memref<32x512xf32, #tpu.memory_space<vmem>>, vector<1x16xf32>,
          }
        } else {
        }
        %dma_start3A = arith.constant 0 : i32
        %dma_start3A_244 = tpu.memref_slice %arg4[%add3A_68, %dma_start3A] : memref<65536x512xf32, #tpu.memory_space<hbm>> -> memref<32x512xf32, #tpu.memory_space<hbm>>
        %dma_start3A_245 = arith.constant 0 : i32
        %dma_start3A_246 = tpu.memref_slice %arg4[%add3A_68, %dma_start3A_245] : memref<65536x512xf32, #tpu.memory_space<hbm>> -> memref<32x512xf32, #tpu.memory_space<hbm>>
        tpu.enqueue_dma source(%arg11 : memref<32x512xf32, #tpu.memory_space<vmem>>) target(%dma_start3A_246 : memref<32x512xf32, #tpu.memory_space<hbm>>) target_semaphore(%arg19 : memref<!tpu.dma_semaphore, #tpu.memory_space<semaphore_mem>>)
      } else {
      }
      %gt3A_212 = arith.constant 0 : i32
      %gt3A_213 = arith.cmpi sgt, %min3A_76, %gt3A_212 : i32
      %or3A = arith.ori %scan3A_44, %gt3A_213 : i1
      %gt3A_214 = arith.constant 0 : i32
      %gt3A_215 = arith.cmpi sgt, %min3A_113, %gt3A_214 : i32
      %convert_element_type3A_216 = arith.extui %gt3A_215 : i1 to i32
      %cond3A_217 = arith.constant 0 : i32
      %cond3A_218 = arith.cmpi ne, %convert_element_type3A_216, %cond3A_217 : i32
      scf.if %cond3A_218 {
        %dma_wait3A = arith.constant 0 : i32
        %dma_wait3A_238 = arith.constant 0 : i32
        %dma_wait3A_239 = tpu.memref_slice %arg2[%dma_wait3A, %dma_wait3A_238] : memref<32768x512xf32, #tpu.memory_space<hbm>> -> memref<32768x512xf32, #tpu.memory_space<hbm>>
        tpu.wait_indirect_dma semaphore(%arg16 : memref<!tpu.dma_semaphore, #tpu.memory_space<semaphore_mem>>) src(%dma_wait3A_239 : memref<32768x512xf32, #tpu.memory_space<hbm>>) dst(%arg12 : memref<32x512xf32, #tpu.memory_space<vmem>>)
        %lt3A = arith.constant 32 : i32
        %lt3A_240 = arith.cmpi slt, %min3A_113, %lt3A : i32
        %convert_element_type3A_241 = arith.extui %lt3A_240 : i1 to i32
        %cond3A_242 = arith.constant 0 : i32
        %cond3A_243 = arith.cmpi ne, %convert_element_type3A_241, %cond3A_242 : i32
        scf.if %cond3A_243 {
          %while3A_247 = arith.constant 0 : i32
          %while3A_248 = arith.constant 32 : i32
          %while3A_249 = arith.subi %while3A_248, %min3A_113 : i32
          %while3A_250 = arith.addi %min3A_113, %while3A_249 : i32
          %while3A_251 = arith.constant 1 : i32
          %while3A_252 = arith.divsi %while3A_249, %while3A_251 : i32
          %while3A_253 = arith.muli %while3A_252, %while3A_251 : i32
          %while3A_254 = arith.addi %min3A_113, %while3A_253 : i32
          %while3A_255 = arith.constant 1 : i32
          scf.for %while3A_257 = %min3A_113 to %while3A_254 step %while3A_255  : i32 {
            %swap3A = arith.index_cast %while3A_257 : i32 to index
            %swap3A_258 = arith.constant 0 : index
            %swap3A_259 = tpu.vector_load %arg12[%swap3A, %swap3A_258] {strides = array<i32>} : memref<32x512xf32, #tpu.memory_space<vmem>>, vector<1x16xf32>,
            %swap3A_260 = vector.shape_cast %swap3A_259 : vector<1x16xf32> to vector<16xf32>
            %swap3A_261 = vector.shape_cast %broadcast_in_dim3A_1 : vector<16xf32> to vector<1x16xf32>
            tpu.vector_store %arg12[%swap3A, %swap3A_258], %swap3A_261 {strides = array<i32>} : memref<32x512xf32, #tpu.memory_space<vmem>>, vector<1x16xf32>,
            %swap3A_262 = arith.index_cast %while3A_257 : i32 to index
            %swap3A_263 = arith.constant 16 : index
            %swap3A_264 = tpu.vector_load %arg12[%swap3A_262, %swap3A_263] {strides = array<i32>} : memref<32x512xf32, #tpu.memory_space<vmem>>, vector<1x16xf32>,
            %swap3A_265 = vector.shape_cast %swap3A_264 : vector<1x16xf32> to vector<16xf32>
            %swap3A_266 = vector.shape_cast %broadcast_in_dim3A_1 : vector<16xf32> to vector<1x16xf32>
            tpu.vector_store %arg12[%swap3A_262, %swap3A_263], %swap3A_266 {strides = array<i32>} : memref<32x512xf32, #tpu.memory_space<vmem>>, vector<1x16xf32>,
            %swap3A_267 = arith.index_cast %while3A_257 : i32 to index
            %swap3A_268 = arith.constant 32 : index
            %swap3A_269 = tpu.vector_load %arg12[%swap3A_267, %swap3A_268] {strides = array<i32>} : memref<32x512xf32, #tpu.memory_space<vmem>>, vector<1x16xf32>,
            %swap3A_270 = vector.shape_cast %swap3A_269 : vector<1x16xf32> to vector<16xf32>
            %swap3A_271 = vector.shape_cast %broadcast_in_dim3A_1 : vector<16xf32> to vector<1x16xf32>
            tpu.vector_store %arg12[%swap3A_267, %swap3A_268], %swap3A_271 {strides = array<i32>} : memref<32x512xf32, #tpu.memory_space<vmem>>, vector<1x16xf32>,
            %swap3A_272 = arith.index_cast %while3A_257 : i32 to index
            %swap3A_273 = arith.constant 48 : index
            %swap3A_274 = tpu.vector_load %arg12[%swap3A_272, %swap3A_273] {strides = array<i32>} : memref<32x512xf32, #tpu.memory_space<vmem>>, vector<1x16xf32>,
            %swap3A_275 = vector.shape_cast %swap3A_274 : vector<1x16xf32> to vector<16xf32>
            %swap3A_276 = vector.shape_cast %broadcast_in_dim3A_1 : vector<16xf32> to vector<1x16xf32>
            tpu.vector_store %arg12[%swap3A_272, %swap3A_273], %swap3A_276 {strides = array<i32>} : memref<32x512xf32, #tpu.memory_space<vmem>>, vector<1x16xf32>,
            %swap3A_277 = arith.index_cast %while3A_257 : i32 to index
            %swap3A_278 = arith.constant 64 : index
            %swap3A_279 = tpu.vector_load %arg12[%swap3A_277, %swap3A_278] {strides = array<i32>} : memref<32x512xf32, #tpu.memory_space<vmem>>, vector<1x16xf32>,
            %swap3A_280 = vector.shape_cast %swap3A_279 : vector<1x16xf32> to vector<16xf32>
            %swap3A_281 = vector.shape_cast %broadcast_in_dim3A_1 : vector<16xf32> to vector<1x16xf32>
            tpu.vector_store %arg12[%swap3A_277, %swap3A_278], %swap3A_281 {strides = array<i32>} : memref<32x512xf32, #tpu.memory_space<vmem>>, vector<1x16xf32>,
            %swap3A_282 = arith.index_cast %while3A_257 : i32 to index
            %swap3A_283 = arith.constant 80 : index
            %swap3A_284 = tpu.vector_load %arg12[%swap3A_282, %swap3A_283] {strides = array<i32>} : memref<32x512xf32, #tpu.memory_space<vmem>>, vector<1x16xf32>,
            %swap3A_285 = vector.shape_cast %swap3A_284 : vector<1x16xf32> to vector<16xf32>
            %swap3A_286 = vector.shape_cast %broadcast_in_dim3A_1 : vector<16xf32> to vector<1x16xf32>
            tpu.vector_store %arg12[%swap3A_282, %swap3A_283], %swap3A_286 {strides = array<i32>} : memref<32x512xf32, #tpu.memory_space<vmem>>, vector<1x16xf32>,
            %swap3A_287 = arith.index_cast %while3A_257 : i32 to index
            %swap3A_288 = arith.constant 96 : index
            %swap3A_289 = tpu.vector_load %arg12[%swap3A_287, %swap3A_288] {strides = array<i32>} : memref<32x512xf32, #tpu.memory_space<vmem>>, vector<1x16xf32>,
            %swap3A_290 = vector.shape_cast %swap3A_289 : vector<1x16xf32> to vector<16xf32>
            %swap3A_291 = vector.shape_cast %broadcast_in_dim3A_1 : vector<16xf32> to vector<1x16xf32>
            tpu.vector_store %arg12[%swap3A_287, %swap3A_288], %swap3A_291 {strides = array<i32>} : memref<32x512xf32, #tpu.memory_space<vmem>>, vector<1x16xf32>,
            %swap3A_292 = arith.index_cast %while3A_257 : i32 to index
            %swap3A_293 = arith.constant 112 : index
            %swap3A_294 = tpu.vector_load %arg12[%swap3A_292, %swap3A_293] {strides = array<i32>} : memref<32x512xf32, #tpu.memory_space<vmem>>, vector<1x16xf32>,
            %swap3A_295 = vector.shape_cast %swap3A_294 : vector<1x16xf32> to vector<16xf32>
            %swap3A_296 = vector.shape_cast %broadcast_in_dim3A_1 : vector<16xf32> to vector<1x16xf32>
            tpu.vector_store %arg12[%swap3A_292, %swap3A_293], %swap3A_296 {strides = array<i32>} : memref<32x512xf32, #tpu.memory_space<vmem>>, vector<1x16xf32>,
            %swap3A_297 = arith.index_cast %while3A_257 : i32 to index
            %swap3A_298 = arith.constant 128 : index
            %swap3A_299 = tpu.vector_load %arg12[%swap3A_297, %swap3A_298] {strides = array<i32>} : memref<32x512xf32, #tpu.memory_space<vmem>>, vector<1x16xf32>,
            %swap3A_300 = vector.shape_cast %swap3A_299 : vector<1x16xf32> to vector<16xf32>
            %swap3A_301 = vector.shape_cast %broadcast_in_dim3A_1 : vector<16xf32> to vector<1x16xf32>
            tpu.vector_store %arg12[%swap3A_297, %swap3A_298], %swap3A_301 {strides = array<i32>} : memref<32x512xf32, #tpu.memory_space<vmem>>, vector<1x16xf32>,
            %swap3A_302 = arith.index_cast %while3A_257 : i32 to index
            %swap3A_303 = arith.constant 144 : index
            %swap3A_304 = tpu.vector_load %arg12[%swap3A_302, %swap3A_303] {strides = array<i32>} : memref<32x512xf32, #tpu.memory_space<vmem>>, vector<1x16xf32>,
            %swap3A_305 = vector.shape_cast %swap3A_304 : vector<1x16xf32> to vector<16xf32>
            %swap3A_306 = vector.shape_cast %broadcast_in_dim3A_1 : vector<16xf32> to vector<1x16xf32>
            tpu.vector_store %arg12[%swap3A_302, %swap3A_303], %swap3A_306 {strides = array<i32>} : memref<32x512xf32, #tpu.memory_space<vmem>>, vector<1x16xf32>,
            %swap3A_307 = arith.index_cast %while3A_257 : i32 to index
            %swap3A_308 = arith.constant 160 : index
            %swap3A_309 = tpu.vector_load %arg12[%swap3A_307, %swap3A_308] {strides = array<i32>} : memref<32x512xf32, #tpu.memory_space<vmem>>, vector<1x16xf32>,
            %swap3A_310 = vector.shape_cast %swap3A_309 : vector<1x16xf32> to vector<16xf32>
            %swap3A_311 = vector.shape_cast %broadcast_in_dim3A_1 : vector<16xf32> to vector<1x16xf32>
            tpu.vector_store %arg12[%swap3A_307, %swap3A_308], %swap3A_311 {strides = array<i32>} : memref<32x512xf32, #tpu.memory_space<vmem>>, vector<1x16xf32>,
            %swap3A_312 = arith.index_cast %while3A_257 : i32 to index
            %swap3A_313 = arith.constant 176 : index
            %swap3A_314 = tpu.vector_load %arg12[%swap3A_312, %swap3A_313] {strides = array<i32>} : memref<32x512xf32, #tpu.memory_space<vmem>>, vector<1x16xf32>,
            %swap3A_315 = vector.shape_cast %swap3A_314 : vector<1x16xf32> to vector<16xf32>
            %swap3A_316 = vector.shape_cast %broadcast_in_dim3A_1 : vector<16xf32> to vector<1x16xf32>
            tpu.vector_store %arg12[%swap3A_312, %swap3A_313], %swap3A_316 {strides = array<i32>} : memref<32x512xf32, #tpu.memory_space<vmem>>, vector<1x16xf32>,
            %swap3A_317 = arith.index_cast %while3A_257 : i32 to index
            %swap3A_318 = arith.constant 192 : index
            %swap3A_319 = tpu.vector_load %arg12[%swap3A_317, %swap3A_318] {strides = array<i32>} : memref<32x512xf32, #tpu.memory_space<vmem>>, vector<1x16xf32>,
            %swap3A_320 = vector.shape_cast %swap3A_319 : vector<1x16xf32> to vector<16xf32>
            %swap3A_321 = vector.shape_cast %broadcast_in_dim3A_1 : vector<16xf32> to vector<1x16xf32>
            tpu.vector_store %arg12[%swap3A_317, %swap3A_318], %swap3A_321 {strides = array<i32>} : memref<32x512xf32, #tpu.memory_space<vmem>>, vector<1x16xf32>,
            %swap3A_322 = arith.index_cast %while3A_257 : i32 to index
            %swap3A_323 = arith.constant 208 : index
            %swap3A_324 = tpu.vector_load %arg12[%swap3A_322, %swap3A_323] {strides = array<i32>} : memref<32x512xf32, #tpu.memory_space<vmem>>, vector<1x16xf32>,
            %swap3A_325 = vector.shape_cast %swap3A_324 : vector<1x16xf32> to vector<16xf32>
            %swap3A_326 = vector.shape_cast %broadcast_in_dim3A_1 : vector<16xf32> to vector<1x16xf32>
            tpu.vector_store %arg12[%swap3A_322, %swap3A_323], %swap3A_326 {strides = array<i32>} : memref<32x512xf32, #tpu.memory_space<vmem>>, vector<1x16xf32>,
            %swap3A_327 = arith.index_cast %while3A_257 : i32 to index
            %swap3A_328 = arith.constant 224 : index
            %swap3A_329 = tpu.vector_load %arg12[%swap3A_327, %swap3A_328] {strides = array<i32>} : memref<32x512xf32, #tpu.memory_space<vmem>>, vector<1x16xf32>,
            %swap3A_330 = vector.shape_cast %swap3A_329 : vector<1x16xf32> to vector<16xf32>
            %swap3A_331 = vector.shape_cast %broadcast_in_dim3A_1 : vector<16xf32> to vector<1x16xf32>
            tpu.vector_store %arg12[%swap3A_327, %swap3A_328], %swap3A_331 {strides = array<i32>} : memref<32x512xf32, #tpu.memory_space<vmem>>, vector<1x16xf32>,
            %swap3A_332 = arith.index_cast %while3A_257 : i32 to index
            %swap3A_333 = arith.constant 240 : index
            %swap3A_334 = tpu.vector_load %arg12[%swap3A_332, %swap3A_333] {strides = array<i32>} : memref<32x512xf32, #tpu.memory_space<vmem>>, vector<1x16xf32>,
            %swap3A_335 = vector.shape_cast %swap3A_334 : vector<1x16xf32> to vector<16xf32>
            %swap3A_336 = vector.shape_cast %broadcast_in_dim3A_1 : vector<16xf32> to vector<1x16xf32>
            tpu.vector_store %arg12[%swap3A_332, %swap3A_333], %swap3A_336 {strides = array<i32>} : memref<32x512xf32, #tpu.memory_space<vmem>>, vector<1x16xf32>,
            %swap3A_337 = arith.index_cast %while3A_257 : i32 to index
            %swap3A_338 = arith.constant 256 : index
            %swap3A_339 = tpu.vector_load %arg12[%swap3A_337, %swap3A_338] {strides = array<i32>} : memref<32x512xf32, #tpu.memory_space<vmem>>, vector<1x16xf32>,
            %swap3A_340 = vector.shape_cast %swap3A_339 : vector<1x16xf32> to vector<16xf32>
            %swap3A_341 = vector.shape_cast %broadcast_in_dim3A_1 : vector<16xf32> to vector<1x16xf32>
            tpu.vector_store %arg12[%swap3A_337, %swap3A_338], %swap3A_341 {strides = array<i32>} : memref<32x512xf32, #tpu.memory_space<vmem>>, vector<1x16xf32>,
            %swap3A_342 = arith.index_cast %while3A_257 : i32 to index
            %swap3A_343 = arith.constant 272 : index
            %swap3A_344 = tpu.vector_load %arg12[%swap3A_342, %swap3A_343] {strides = array<i32>} : memref<32x512xf32, #tpu.memory_space<vmem>>, vector<1x16xf32>,
            %swap3A_345 = vector.shape_cast %swap3A_344 : vector<1x16xf32> to vector<16xf32>
            %swap3A_346 = vector.shape_cast %broadcast_in_dim3A_1 : vector<16xf32> to vector<1x16xf32>
            tpu.vector_store %arg12[%swap3A_342, %swap3A_343], %swap3A_346 {strides = array<i32>} : memref<32x512xf32, #tpu.memory_space<vmem>>, vector<1x16xf32>,
            %swap3A_347 = arith.index_cast %while3A_257 : i32 to index
            %swap3A_348 = arith.constant 288 : index
            %swap3A_349 = tpu.vector_load %arg12[%swap3A_347, %swap3A_348] {strides = array<i32>} : memref<32x512xf32, #tpu.memory_space<vmem>>, vector<1x16xf32>,
            %swap3A_350 = vector.shape_cast %swap3A_349 : vector<1x16xf32> to vector<16xf32>
            %swap3A_351 = vector.shape_cast %broadcast_in_dim3A_1 : vector<16xf32> to vector<1x16xf32>
            tpu.vector_store %arg12[%swap3A_347, %swap3A_348], %swap3A_351 {strides = array<i32>} : memref<32x512xf32, #tpu.memory_space<vmem>>, vector<1x16xf32>,
            %swap3A_352 = arith.index_cast %while3A_257 : i32 to index
            %swap3A_353 = arith.constant 304 : index
            %swap3A_354 = tpu.vector_load %arg12[%swap3A_352, %swap3A_353] {strides = array<i32>} : memref<32x512xf32, #tpu.memory_space<vmem>>, vector<1x16xf32>,
            %swap3A_355 = vector.shape_cast %swap3A_354 : vector<1x16xf32> to vector<16xf32>
            %swap3A_356 = vector.shape_cast %broadcast_in_dim3A_1 : vector<16xf32> to vector<1x16xf32>
            tpu.vector_store %arg12[%swap3A_352, %swap3A_353], %swap3A_356 {strides = array<i32>} : memref<32x512xf32, #tpu.memory_space<vmem>>, vector<1x16xf32>,
            %swap3A_357 = arith.index_cast %while3A_257 : i32 to index
            %swap3A_358 = arith.constant 320 : index
            %swap3A_359 = tpu.vector_load %arg12[%swap3A_357, %swap3A_358] {strides = array<i32>} : memref<32x512xf32, #tpu.memory_space<vmem>>, vector<1x16xf32>,
            %swap3A_360 = vector.shape_cast %swap3A_359 : vector<1x16xf32> to vector<16xf32>
            %swap3A_361 = vector.shape_cast %broadcast_in_dim3A_1 : vector<16xf32> to vector<1x16xf32>
            tpu.vector_store %arg12[%swap3A_357, %swap3A_358], %swap3A_361 {strides = array<i32>} : memref<32x512xf32, #tpu.memory_space<vmem>>, vector<1x16xf32>,
            %swap3A_362 = arith.index_cast %while3A_257 : i32 to index
            %swap3A_363 = arith.constant 336 : index
            %swap3A_364 = tpu.vector_load %arg12[%swap3A_362, %swap3A_363] {strides = array<i32>} : memref<32x512xf32, #tpu.memory_space<vmem>>, vector<1x16xf32>,
            %swap3A_365 = vector.shape_cast %swap3A_364 : vector<1x16xf32> to vector<16xf32>
            %swap3A_366 = vector.shape_cast %broadcast_in_dim3A_1 : vector<16xf32> to vector<1x16xf32>
            tpu.vector_store %arg12[%swap3A_362, %swap3A_363], %swap3A_366 {strides = array<i32>} : memref<32x512xf32, #tpu.memory_space<vmem>>, vector<1x16xf32>,
            %swap3A_367 = arith.index_cast %while3A_257 : i32 to index
            %swap3A_368 = arith.constant 352 : index
            %swap3A_369 = tpu.vector_load %arg12[%swap3A_367, %swap3A_368] {strides = array<i32>} : memref<32x512xf32, #tpu.memory_space<vmem>>, vector<1x16xf32>,
            %swap3A_370 = vector.shape_cast %swap3A_369 : vector<1x16xf32> to vector<16xf32>
            %swap3A_371 = vector.shape_cast %broadcast_in_dim3A_1 : vector<16xf32> to vector<1x16xf32>
            tpu.vector_store %arg12[%swap3A_367, %swap3A_368], %swap3A_371 {strides = array<i32>} : memref<32x512xf32, #tpu.memory_space<vmem>>, vector<1x16xf32>,
            %swap3A_372 = arith.index_cast %while3A_257 : i32 to index
            %swap3A_373 = arith.constant 368 : index
            %swap3A_374 = tpu.vector_load %arg12[%swap3A_372, %swap3A_373] {strides = array<i32>} : memref<32x512xf32, #tpu.memory_space<vmem>>, vector<1x16xf32>,
            %swap3A_375 = vector.shape_cast %swap3A_374 : vector<1x16xf32> to vector<16xf32>
            %swap3A_376 = vector.shape_cast %broadcast_in_dim3A_1 : vector<16xf32> to vector<1x16xf32>
            tpu.vector_store %arg12[%swap3A_372, %swap3A_373], %swap3A_376 {strides = array<i32>} : memref<32x512xf32, #tpu.memory_space<vmem>>, vector<1x16xf32>,
            %swap3A_377 = arith.index_cast %while3A_257 : i32 to index
            %swap3A_378 = arith.constant 384 : index
            %swap3A_379 = tpu.vector_load %arg12[%swap3A_377, %swap3A_378] {strides = array<i32>} : memref<32x512xf32, #tpu.memory_space<vmem>>, vector<1x16xf32>,
            %swap3A_380 = vector.shape_cast %swap3A_379 : vector<1x16xf32> to vector<16xf32>
            %swap3A_381 = vector.shape_cast %broadcast_in_dim3A_1 : vector<16xf32> to vector<1x16xf32>
            tpu.vector_store %arg12[%swap3A_377, %swap3A_378], %swap3A_381 {strides = array<i32>} : memref<32x512xf32, #tpu.memory_space<vmem>>, vector<1x16xf32>,
            %swap3A_382 = arith.index_cast %while3A_257 : i32 to index
            %swap3A_383 = arith.constant 400 : index
            %swap3A_384 = tpu.vector_load %arg12[%swap3A_382, %swap3A_383] {strides = array<i32>} : memref<32x512xf32, #tpu.memory_space<vmem>>, vector<1x16xf32>,
            %swap3A_385 = vector.shape_cast %swap3A_384 : vector<1x16xf32> to vector<16xf32>
            %swap3A_386 = vector.shape_cast %broadcast_in_dim3A_1 : vector<16xf32> to vector<1x16xf32>
            tpu.vector_store %arg12[%swap3A_382, %swap3A_383], %swap3A_386 {strides = array<i32>} : memref<32x512xf32, #tpu.memory_space<vmem>>, vector<1x16xf32>,
            %swap3A_387 = arith.index_cast %while3A_257 : i32 to index
            %swap3A_388 = arith.constant 416 : index
            %swap3A_389 = tpu.vector_load %arg12[%swap3A_387, %swap3A_388] {strides = array<i32>} : memref<32x512xf32, #tpu.memory_space<vmem>>, vector<1x16xf32>,
            %swap3A_390 = vector.shape_cast %swap3A_389 : vector<1x16xf32> to vector<16xf32>
            %swap3A_391 = vector.shape_cast %broadcast_in_dim3A_1 : vector<16xf32> to vector<1x16xf32>
            tpu.vector_store %arg12[%swap3A_387, %swap3A_388], %swap3A_391 {strides = array<i32>} : memref<32x512xf32, #tpu.memory_space<vmem>>, vector<1x16xf32>,
            %swap3A_392 = arith.index_cast %while3A_257 : i32 to index
            %swap3A_393 = arith.constant 432 : index
            %swap3A_394 = tpu.vector_load %arg12[%swap3A_392, %swap3A_393] {strides = array<i32>} : memref<32x512xf32, #tpu.memory_space<vmem>>, vector<1x16xf32>,
            %swap3A_395 = vector.shape_cast %swap3A_394 : vector<1x16xf32> to vector<16xf32>
            %swap3A_396 = vector.shape_cast %broadcast_in_dim3A_1 : vector<16xf32> to vector<1x16xf32>
            tpu.vector_store %arg12[%swap3A_392, %swap3A_393], %swap3A_396 {strides = array<i32>} : memref<32x512xf32, #tpu.memory_space<vmem>>, vector<1x16xf32>,
            %swap3A_397 = arith.index_cast %while3A_257 : i32 to index
            %swap3A_398 = arith.constant 448 : index
            %swap3A_399 = tpu.vector_load %arg12[%swap3A_397, %swap3A_398] {strides = array<i32>} : memref<32x512xf32, #tpu.memory_space<vmem>>, vector<1x16xf32>,
            %swap3A_400 = vector.shape_cast %swap3A_399 : vector<1x16xf32> to vector<16xf32>
            %swap3A_401 = vector.shape_cast %broadcast_in_dim3A_1 : vector<16xf32> to vector<1x16xf32>
            tpu.vector_store %arg12[%swap3A_397, %swap3A_398], %swap3A_401 {strides = array<i32>} : memref<32x512xf32, #tpu.memory_space<vmem>>, vector<1x16xf32>,
            %swap3A_402 = arith.index_cast %while3A_257 : i32 to index
            %swap3A_403 = arith.constant 464 : index
            %swap3A_404 = tpu.vector_load %arg12[%swap3A_402, %swap3A_403] {strides = array<i32>} : memref<32x512xf32, #tpu.memory_space<vmem>>, vector<1x16xf32>,
            %swap3A_405 = vector.shape_cast %swap3A_404 : vector<1x16xf32> to vector<16xf32>
            %swap3A_406 = vector.shape_cast %broadcast_in_dim3A_1 : vector<16xf32> to vector<1x16xf32>
            tpu.vector_store %arg12[%swap3A_402, %swap3A_403], %swap3A_406 {strides = array<i32>} : memref<32x512xf32, #tpu.memory_space<vmem>>, vector<1x16xf32>,
            %swap3A_407 = arith.index_cast %while3A_257 : i32 to index
            %swap3A_408 = arith.constant 480 : index
            %swap3A_409 = tpu.vector_load %arg12[%swap3A_407, %swap3A_408] {strides = array<i32>} : memref<32x512xf32, #tpu.memory_space<vmem>>, vector<1x16xf32>,
            %swap3A_410 = vector.shape_cast %swap3A_409 : vector<1x16xf32> to vector<16xf32>
            %swap3A_411 = vector.shape_cast %broadcast_in_dim3A_1 : vector<16xf32> to vector<1x16xf32>
            tpu.vector_store %arg12[%swap3A_407, %swap3A_408], %swap3A_411 {strides = array<i32>} : memref<32x512xf32, #tpu.memory_space<vmem>>, vector<1x16xf32>,
            %swap3A_412 = arith.index_cast %while3A_257 : i32 to index
            %swap3A_413 = arith.constant 496 : index
            %swap3A_414 = tpu.vector_load %arg12[%swap3A_412, %swap3A_413] {strides = array<i32>} : memref<32x512xf32, #tpu.memory_space<vmem>>, vector<1x16xf32>,
            %swap3A_415 = vector.shape_cast %swap3A_414 : vector<1x16xf32> to vector<16xf32>
            %swap3A_416 = vector.shape_cast %broadcast_in_dim3A_1 : vector<16xf32> to vector<1x16xf32>
            tpu.vector_store %arg12[%swap3A_412, %swap3A_413], %swap3A_416 {strides = array<i32>} : memref<32x512xf32, #tpu.memory_space<vmem>>, vector<1x16xf32>,
          }
          %while3A_256 = arith.constant 1 : i32
          scf.for %while3A_257 = %while3A_254 to %while3A_250 step %while3A_256  : i32 {
            %swap3A = arith.index_cast %while3A_257 : i32 to index
            %swap3A_258 = arith.constant 0 : index
            %swap3A_259 = tpu.vector_load %arg12[%swap3A, %swap3A_258] {strides = array<i32>} : memref<32x512xf32, #tpu.memory_space<vmem>>, vector<1x16xf32>,
            %swap3A_260 = vector.shape_cast %swap3A_259 : vector<1x16xf32> to vector<16xf32>
            %swap3A_261 = vector.shape_cast %broadcast_in_dim3A_1 : vector<16xf32> to vector<1x16xf32>
            tpu.vector_store %arg12[%swap3A, %swap3A_258], %swap3A_261 {strides = array<i32>} : memref<32x512xf32, #tpu.memory_space<vmem>>, vector<1x16xf32>,
            %swap3A_262 = arith.index_cast %while3A_257 : i32 to index
            %swap3A_263 = arith.constant 16 : index
            %swap3A_264 = tpu.vector_load %arg12[%swap3A_262, %swap3A_263] {strides = array<i32>} : memref<32x512xf32, #tpu.memory_space<vmem>>, vector<1x16xf32>,
            %swap3A_265 = vector.shape_cast %swap3A_264 : vector<1x16xf32> to vector<16xf32>
            %swap3A_266 = vector.shape_cast %broadcast_in_dim3A_1 : vector<16xf32> to vector<1x16xf32>
            tpu.vector_store %arg12[%swap3A_262, %swap3A_263], %swap3A_266 {strides = array<i32>} : memref<32x512xf32, #tpu.memory_space<vmem>>, vector<1x16xf32>,
            %swap3A_267 = arith.index_cast %while3A_257 : i32 to index
            %swap3A_268 = arith.constant 32 : index
            %swap3A_269 = tpu.vector_load %arg12[%swap3A_267, %swap3A_268] {strides = array<i32>} : memref<32x512xf32, #tpu.memory_space<vmem>>, vector<1x16xf32>,
            %swap3A_270 = vector.shape_cast %swap3A_269 : vector<1x16xf32> to vector<16xf32>
            %swap3A_271 = vector.shape_cast %broadcast_in_dim3A_1 : vector<16xf32> to vector<1x16xf32>
            tpu.vector_store %arg12[%swap3A_267, %swap3A_268], %swap3A_271 {strides = array<i32>} : memref<32x512xf32, #tpu.memory_space<vmem>>, vector<1x16xf32>,
            %swap3A_272 = arith.index_cast %while3A_257 : i32 to index
            %swap3A_273 = arith.constant 48 : index
            %swap3A_274 = tpu.vector_load %arg12[%swap3A_272, %swap3A_273] {strides = array<i32>} : memref<32x512xf32, #tpu.memory_space<vmem>>, vector<1x16xf32>,
            %swap3A_275 = vector.shape_cast %swap3A_274 : vector<1x16xf32> to vector<16xf32>
            %swap3A_276 = vector.shape_cast %broadcast_in_dim3A_1 : vector<16xf32> to vector<1x16xf32>
            tpu.vector_store %arg12[%swap3A_272, %swap3A_273], %swap3A_276 {strides = array<i32>} : memref<32x512xf32, #tpu.memory_space<vmem>>, vector<1x16xf32>,
            %swap3A_277 = arith.index_cast %while3A_257 : i32 to index
            %swap3A_278 = arith.constant 64 : index
            %swap3A_279 = tpu.vector_load %arg12[%swap3A_277, %swap3A_278] {strides = array<i32>} : memref<32x512xf32, #tpu.memory_space<vmem>>, vector<1x16xf32>,
            %swap3A_280 = vector.shape_cast %swap3A_279 : vector<1x16xf32> to vector<16xf32>
            %swap3A_281 = vector.shape_cast %broadcast_in_dim3A_1 : vector<16xf32> to vector<1x16xf32>
            tpu.vector_store %arg12[%swap3A_277, %swap3A_278], %swap3A_281 {strides = array<i32>} : memref<32x512xf32, #tpu.memory_space<vmem>>, vector<1x16xf32>,
            %swap3A_282 = arith.index_cast %while3A_257 : i32 to index
            %swap3A_283 = arith.constant 80 : index
            %swap3A_284 = tpu.vector_load %arg12[%swap3A_282, %swap3A_283] {strides = array<i32>} : memref<32x512xf32, #tpu.memory_space<vmem>>, vector<1x16xf32>,
            %swap3A_285 = vector.shape_cast %swap3A_284 : vector<1x16xf32> to vector<16xf32>
            %swap3A_286 = vector.shape_cast %broadcast_in_dim3A_1 : vector<16xf32> to vector<1x16xf32>
            tpu.vector_store %arg12[%swap3A_282, %swap3A_283], %swap3A_286 {strides = array<i32>} : memref<32x512xf32, #tpu.memory_space<vmem>>, vector<1x16xf32>,
            %swap3A_287 = arith.index_cast %while3A_257 : i32 to index
            %swap3A_288 = arith.constant 96 : index
            %swap3A_289 = tpu.vector_load %arg12[%swap3A_287, %swap3A_288] {strides = array<i32>} : memref<32x512xf32, #tpu.memory_space<vmem>>, vector<1x16xf32>,
            %swap3A_290 = vector.shape_cast %swap3A_289 : vector<1x16xf32> to vector<16xf32>
            %swap3A_291 = vector.shape_cast %broadcast_in_dim3A_1 : vector<16xf32> to vector<1x16xf32>
            tpu.vector_store %arg12[%swap3A_287, %swap3A_288], %swap3A_291 {strides = array<i32>} : memref<32x512xf32, #tpu.memory_space<vmem>>, vector<1x16xf32>,
            %swap3A_292 = arith.index_cast %while3A_257 : i32 to index
            %swap3A_293 = arith.constant 112 : index
            %swap3A_294 = tpu.vector_load %arg12[%swap3A_292, %swap3A_293] {strides = array<i32>} : memref<32x512xf32, #tpu.memory_space<vmem>>, vector<1x16xf32>,
            %swap3A_295 = vector.shape_cast %swap3A_294 : vector<1x16xf32> to vector<16xf32>
            %swap3A_296 = vector.shape_cast %broadcast_in_dim3A_1 : vector<16xf32> to vector<1x16xf32>
            tpu.vector_store %arg12[%swap3A_292, %swap3A_293], %swap3A_296 {strides = array<i32>} : memref<32x512xf32, #tpu.memory_space<vmem>>, vector<1x16xf32>,
            %swap3A_297 = arith.index_cast %while3A_257 : i32 to index
            %swap3A_298 = arith.constant 128 : index
            %swap3A_299 = tpu.vector_load %arg12[%swap3A_297, %swap3A_298] {strides = array<i32>} : memref<32x512xf32, #tpu.memory_space<vmem>>, vector<1x16xf32>,
            %swap3A_300 = vector.shape_cast %swap3A_299 : vector<1x16xf32> to vector<16xf32>
            %swap3A_301 = vector.shape_cast %broadcast_in_dim3A_1 : vector<16xf32> to vector<1x16xf32>
            tpu.vector_store %arg12[%swap3A_297, %swap3A_298], %swap3A_301 {strides = array<i32>} : memref<32x512xf32, #tpu.memory_space<vmem>>, vector<1x16xf32>,
            %swap3A_302 = arith.index_cast %while3A_257 : i32 to index
            %swap3A_303 = arith.constant 144 : index
            %swap3A_304 = tpu.vector_load %arg12[%swap3A_302, %swap3A_303] {strides = array<i32>} : memref<32x512xf32, #tpu.memory_space<vmem>>, vector<1x16xf32>,
            %swap3A_305 = vector.shape_cast %swap3A_304 : vector<1x16xf32> to vector<16xf32>
            %swap3A_306 = vector.shape_cast %broadcast_in_dim3A_1 : vector<16xf32> to vector<1x16xf32>
            tpu.vector_store %arg12[%swap3A_302, %swap3A_303], %swap3A_306 {strides = array<i32>} : memref<32x512xf32, #tpu.memory_space<vmem>>, vector<1x16xf32>,
            %swap3A_307 = arith.index_cast %while3A_257 : i32 to index
            %swap3A_308 = arith.constant 160 : index
            %swap3A_309 = tpu.vector_load %arg12[%swap3A_307, %swap3A_308] {strides = array<i32>} : memref<32x512xf32, #tpu.memory_space<vmem>>, vector<1x16xf32>,
            %swap3A_310 = vector.shape_cast %swap3A_309 : vector<1x16xf32> to vector<16xf32>
            %swap3A_311 = vector.shape_cast %broadcast_in_dim3A_1 : vector<16xf32> to vector<1x16xf32>
            tpu.vector_store %arg12[%swap3A_307, %swap3A_308], %swap3A_311 {strides = array<i32>} : memref<32x512xf32, #tpu.memory_space<vmem>>, vector<1x16xf32>,
            %swap3A_312 = arith.index_cast %while3A_257 : i32 to index
            %swap3A_313 = arith.constant 176 : index
            %swap3A_314 = tpu.vector_load %arg12[%swap3A_312, %swap3A_313] {strides = array<i32>} : memref<32x512xf32, #tpu.memory_space<vmem>>, vector<1x16xf32>,
            %swap3A_315 = vector.shape_cast %swap3A_314 : vector<1x16xf32> to vector<16xf32>
            %swap3A_316 = vector.shape_cast %broadcast_in_dim3A_1 : vector<16xf32> to vector<1x16xf32>
            tpu.vector_store %arg12[%swap3A_312, %swap3A_313], %swap3A_316 {strides = array<i32>} : memref<32x512xf32, #tpu.memory_space<vmem>>, vector<1x16xf32>,
            %swap3A_317 = arith.index_cast %while3A_257 : i32 to index
            %swap3A_318 = arith.constant 192 : index
            %swap3A_319 = tpu.vector_load %arg12[%swap3A_317, %swap3A_318] {strides = array<i32>} : memref<32x512xf32, #tpu.memory_space<vmem>>, vector<1x16xf32>,
            %swap3A_320 = vector.shape_cast %swap3A_319 : vector<1x16xf32> to vector<16xf32>
            %swap3A_321 = vector.shape_cast %broadcast_in_dim3A_1 : vector<16xf32> to vector<1x16xf32>
            tpu.vector_store %arg12[%swap3A_317, %swap3A_318], %swap3A_321 {strides = array<i32>} : memref<32x512xf32, #tpu.memory_space<vmem>>, vector<1x16xf32>,
            %swap3A_322 = arith.index_cast %while3A_257 : i32 to index
            %swap3A_323 = arith.constant 208 : index
            %swap3A_324 = tpu.vector_load %arg12[%swap3A_322, %swap3A_323] {strides = array<i32>} : memref<32x512xf32, #tpu.memory_space<vmem>>, vector<1x16xf32>,
            %swap3A_325 = vector.shape_cast %swap3A_324 : vector<1x16xf32> to vector<16xf32>
            %swap3A_326 = vector.shape_cast %broadcast_in_dim3A_1 : vector<16xf32> to vector<1x16xf32>
            tpu.vector_store %arg12[%swap3A_322, %swap3A_323], %swap3A_326 {strides = array<i32>} : memref<32x512xf32, #tpu.memory_space<vmem>>, vector<1x16xf32>,
            %swap3A_327 = arith.index_cast %while3A_257 : i32 to index
            %swap3A_328 = arith.constant 224 : index
            %swap3A_329 = tpu.vector_load %arg12[%swap3A_327, %swap3A_328] {strides = array<i32>} : memref<32x512xf32, #tpu.memory_space<vmem>>, vector<1x16xf32>,
            %swap3A_330 = vector.shape_cast %swap3A_329 : vector<1x16xf32> to vector<16xf32>
            %swap3A_331 = vector.shape_cast %broadcast_in_dim3A_1 : vector<16xf32> to vector<1x16xf32>
            tpu.vector_store %arg12[%swap3A_327, %swap3A_328], %swap3A_331 {strides = array<i32>} : memref<32x512xf32, #tpu.memory_space<vmem>>, vector<1x16xf32>,
            %swap3A_332 = arith.index_cast %while3A_257 : i32 to index
            %swap3A_333 = arith.constant 240 : index
            %swap3A_334 = tpu.vector_load %arg12[%swap3A_332, %swap3A_333] {strides = array<i32>} : memref<32x512xf32, #tpu.memory_space<vmem>>, vector<1x16xf32>,
            %swap3A_335 = vector.shape_cast %swap3A_334 : vector<1x16xf32> to vector<16xf32>
            %swap3A_336 = vector.shape_cast %broadcast_in_dim3A_1 : vector<16xf32> to vector<1x16xf32>
            tpu.vector_store %arg12[%swap3A_332, %swap3A_333], %swap3A_336 {strides = array<i32>} : memref<32x512xf32, #tpu.memory_space<vmem>>, vector<1x16xf32>,
            %swap3A_337 = arith.index_cast %while3A_257 : i32 to index
            %swap3A_338 = arith.constant 256 : index
            %swap3A_339 = tpu.vector_load %arg12[%swap3A_337, %swap3A_338] {strides = array<i32>} : memref<32x512xf32, #tpu.memory_space<vmem>>, vector<1x16xf32>,
            %swap3A_340 = vector.shape_cast %swap3A_339 : vector<1x16xf32> to vector<16xf32>
            %swap3A_341 = vector.shape_cast %broadcast_in_dim3A_1 : vector<16xf32> to vector<1x16xf32>
            tpu.vector_store %arg12[%swap3A_337, %swap3A_338], %swap3A_341 {strides = array<i32>} : memref<32x512xf32, #tpu.memory_space<vmem>>, vector<1x16xf32>,
            %swap3A_342 = arith.index_cast %while3A_257 : i32 to index
            %swap3A_343 = arith.constant 272 : index
            %swap3A_344 = tpu.vector_load %arg12[%swap3A_342, %swap3A_343] {strides = array<i32>} : memref<32x512xf32, #tpu.memory_space<vmem>>, vector<1x16xf32>,
            %swap3A_345 = vector.shape_cast %swap3A_344 : vector<1x16xf32> to vector<16xf32>
            %swap3A_346 = vector.shape_cast %broadcast_in_dim3A_1 : vector<16xf32> to vector<1x16xf32>
            tpu.vector_store %arg12[%swap3A_342, %swap3A_343], %swap3A_346 {strides = array<i32>} : memref<32x512xf32, #tpu.memory_space<vmem>>, vector<1x16xf32>,
            %swap3A_347 = arith.index_cast %while3A_257 : i32 to index
            %swap3A_348 = arith.constant 288 : index
            %swap3A_349 = tpu.vector_load %arg12[%swap3A_347, %swap3A_348] {strides = array<i32>} : memref<32x512xf32, #tpu.memory_space<vmem>>, vector<1x16xf32>,
            %swap3A_350 = vector.shape_cast %swap3A_349 : vector<1x16xf32> to vector<16xf32>
            %swap3A_351 = vector.shape_cast %broadcast_in_dim3A_1 : vector<16xf32> to vector<1x16xf32>
            tpu.vector_store %arg12[%swap3A_347, %swap3A_348], %swap3A_351 {strides = array<i32>} : memref<32x512xf32, #tpu.memory_space<vmem>>, vector<1x16xf32>,
            %swap3A_352 = arith.index_cast %while3A_257 : i32 to index
            %swap3A_353 = arith.constant 304 : index
            %swap3A_354 = tpu.vector_load %arg12[%swap3A_352, %swap3A_353] {strides = array<i32>} : memref<32x512xf32, #tpu.memory_space<vmem>>, vector<1x16xf32>,
            %swap3A_355 = vector.shape_cast %swap3A_354 : vector<1x16xf32> to vector<16xf32>
            %swap3A_356 = vector.shape_cast %broadcast_in_dim3A_1 : vector<16xf32> to vector<1x16xf32>
            tpu.vector_store %arg12[%swap3A_352, %swap3A_353], %swap3A_356 {strides = array<i32>} : memref<32x512xf32, #tpu.memory_space<vmem>>, vector<1x16xf32>,
            %swap3A_357 = arith.index_cast %while3A_257 : i32 to index
            %swap3A_358 = arith.constant 320 : index
            %swap3A_359 = tpu.vector_load %arg12[%swap3A_357, %swap3A_358] {strides = array<i32>} : memref<32x512xf32, #tpu.memory_space<vmem>>, vector<1x16xf32>,
            %swap3A_360 = vector.shape_cast %swap3A_359 : vector<1x16xf32> to vector<16xf32>
            %swap3A_361 = vector.shape_cast %broadcast_in_dim3A_1 : vector<16xf32> to vector<1x16xf32>
            tpu.vector_store %arg12[%swap3A_357, %swap3A_358], %swap3A_361 {strides = array<i32>} : memref<32x512xf32, #tpu.memory_space<vmem>>, vector<1x16xf32>,
            %swap3A_362 = arith.index_cast %while3A_257 : i32 to index
            %swap3A_363 = arith.constant 336 : index
            %swap3A_364 = tpu.vector_load %arg12[%swap3A_362, %swap3A_363] {strides = array<i32>} : memref<32x512xf32, #tpu.memory_space<vmem>>, vector<1x16xf32>,
            %swap3A_365 = vector.shape_cast %swap3A_364 : vector<1x16xf32> to vector<16xf32>
            %swap3A_366 = vector.shape_cast %broadcast_in_dim3A_1 : vector<16xf32> to vector<1x16xf32>
            tpu.vector_store %arg12[%swap3A_362, %swap3A_363], %swap3A_366 {strides = array<i32>} : memref<32x512xf32, #tpu.memory_space<vmem>>, vector<1x16xf32>,
            %swap3A_367 = arith.index_cast %while3A_257 : i32 to index
            %swap3A_368 = arith.constant 352 : index
            %swap3A_369 = tpu.vector_load %arg12[%swap3A_367, %swap3A_368] {strides = array<i32>} : memref<32x512xf32, #tpu.memory_space<vmem>>, vector<1x16xf32>,
            %swap3A_370 = vector.shape_cast %swap3A_369 : vector<1x16xf32> to vector<16xf32>
            %swap3A_371 = vector.shape_cast %broadcast_in_dim3A_1 : vector<16xf32> to vector<1x16xf32>
            tpu.vector_store %arg12[%swap3A_367, %swap3A_368], %swap3A_371 {strides = array<i32>} : memref<32x512xf32, #tpu.memory_space<vmem>>, vector<1x16xf32>,
            %swap3A_372 = arith.index_cast %while3A_257 : i32 to index
            %swap3A_373 = arith.constant 368 : index
            %swap3A_374 = tpu.vector_load %arg12[%swap3A_372, %swap3A_373] {strides = array<i32>} : memref<32x512xf32, #tpu.memory_space<vmem>>, vector<1x16xf32>,
            %swap3A_375 = vector.shape_cast %swap3A_374 : vector<1x16xf32> to vector<16xf32>
            %swap3A_376 = vector.shape_cast %broadcast_in_dim3A_1 : vector<16xf32> to vector<1x16xf32>
            tpu.vector_store %arg12[%swap3A_372, %swap3A_373], %swap3A_376 {strides = array<i32>} : memref<32x512xf32, #tpu.memory_space<vmem>>, vector<1x16xf32>,
            %swap3A_377 = arith.index_cast %while3A_257 : i32 to index
            %swap3A_378 = arith.constant 384 : index
            %swap3A_379 = tpu.vector_load %arg12[%swap3A_377, %swap3A_378] {strides = array<i32>} : memref<32x512xf32, #tpu.memory_space<vmem>>, vector<1x16xf32>,
            %swap3A_380 = vector.shape_cast %swap3A_379 : vector<1x16xf32> to vector<16xf32>
            %swap3A_381 = vector.shape_cast %broadcast_in_dim3A_1 : vector<16xf32> to vector<1x16xf32>
            tpu.vector_store %arg12[%swap3A_377, %swap3A_378], %swap3A_381 {strides = array<i32>} : memref<32x512xf32, #tpu.memory_space<vmem>>, vector<1x16xf32>,
            %swap3A_382 = arith.index_cast %while3A_257 : i32 to index
            %swap3A_383 = arith.constant 400 : index
            %swap3A_384 = tpu.vector_load %arg12[%swap3A_382, %swap3A_383] {strides = array<i32>} : memref<32x512xf32, #tpu.memory_space<vmem>>, vector<1x16xf32>,
            %swap3A_385 = vector.shape_cast %swap3A_384 : vector<1x16xf32> to vector<16xf32>
            %swap3A_386 = vector.shape_cast %broadcast_in_dim3A_1 : vector<16xf32> to vector<1x16xf32>
            tpu.vector_store %arg12[%swap3A_382, %swap3A_383], %swap3A_386 {strides = array<i32>} : memref<32x512xf32, #tpu.memory_space<vmem>>, vector<1x16xf32>,
            %swap3A_387 = arith.index_cast %while3A_257 : i32 to index
            %swap3A_388 = arith.constant 416 : index
            %swap3A_389 = tpu.vector_load %arg12[%swap3A_387, %swap3A_388] {strides = array<i32>} : memref<32x512xf32, #tpu.memory_space<vmem>>, vector<1x16xf32>,
            %swap3A_390 = vector.shape_cast %swap3A_389 : vector<1x16xf32> to vector<16xf32>
            %swap3A_391 = vector.shape_cast %broadcast_in_dim3A_1 : vector<16xf32> to vector<1x16xf32>
            tpu.vector_store %arg12[%swap3A_387, %swap3A_388], %swap3A_391 {strides = array<i32>} : memref<32x512xf32, #tpu.memory_space<vmem>>, vector<1x16xf32>,
            %swap3A_392 = arith.index_cast %while3A_257 : i32 to index
            %swap3A_393 = arith.constant 432 : index
            %swap3A_394 = tpu.vector_load %arg12[%swap3A_392, %swap3A_393] {strides = array<i32>} : memref<32x512xf32, #tpu.memory_space<vmem>>, vector<1x16xf32>,
            %swap3A_395 = vector.shape_cast %swap3A_394 : vector<1x16xf32> to vector<16xf32>
            %swap3A_396 = vector.shape_cast %broadcast_in_dim3A_1 : vector<16xf32> to vector<1x16xf32>
            tpu.vector_store %arg12[%swap3A_392, %swap3A_393], %swap3A_396 {strides = array<i32>} : memref<32x512xf32, #tpu.memory_space<vmem>>, vector<1x16xf32>,
            %swap3A_397 = arith.index_cast %while3A_257 : i32 to index
            %swap3A_398 = arith.constant 448 : index
            %swap3A_399 = tpu.vector_load %arg12[%swap3A_397, %swap3A_398] {strides = array<i32>} : memref<32x512xf32, #tpu.memory_space<vmem>>, vector<1x16xf32>,
            %swap3A_400 = vector.shape_cast %swap3A_399 : vector<1x16xf32> to vector<16xf32>
            %swap3A_401 = vector.shape_cast %broadcast_in_dim3A_1 : vector<16xf32> to vector<1x16xf32>
            tpu.vector_store %arg12[%swap3A_397, %swap3A_398], %swap3A_401 {strides = array<i32>} : memref<32x512xf32, #tpu.memory_space<vmem>>, vector<1x16xf32>,
            %swap3A_402 = arith.index_cast %while3A_257 : i32 to index
            %swap3A_403 = arith.constant 464 : index
            %swap3A_404 = tpu.vector_load %arg12[%swap3A_402, %swap3A_403] {strides = array<i32>} : memref<32x512xf32, #tpu.memory_space<vmem>>, vector<1x16xf32>,
            %swap3A_405 = vector.shape_cast %swap3A_404 : vector<1x16xf32> to vector<16xf32>
            %swap3A_406 = vector.shape_cast %broadcast_in_dim3A_1 : vector<16xf32> to vector<1x16xf32>
            tpu.vector_store %arg12[%swap3A_402, %swap3A_403], %swap3A_406 {strides = array<i32>} : memref<32x512xf32, #tpu.memory_space<vmem>>, vector<1x16xf32>,
            %swap3A_407 = arith.index_cast %while3A_257 : i32 to index
            %swap3A_408 = arith.constant 480 : index
            %swap3A_409 = tpu.vector_load %arg12[%swap3A_407, %swap3A_408] {strides = array<i32>} : memref<32x512xf32, #tpu.memory_space<vmem>>, vector<1x16xf32>,
            %swap3A_410 = vector.shape_cast %swap3A_409 : vector<1x16xf32> to vector<16xf32>
            %swap3A_411 = vector.shape_cast %broadcast_in_dim3A_1 : vector<16xf32> to vector<1x16xf32>
            tpu.vector_store %arg12[%swap3A_407, %swap3A_408], %swap3A_411 {strides = array<i32>} : memref<32x512xf32, #tpu.memory_space<vmem>>, vector<1x16xf32>,
            %swap3A_412 = arith.index_cast %while3A_257 : i32 to index
            %swap3A_413 = arith.constant 496 : index
            %swap3A_414 = tpu.vector_load %arg12[%swap3A_412, %swap3A_413] {strides = array<i32>} : memref<32x512xf32, #tpu.memory_space<vmem>>, vector<1x16xf32>,
            %swap3A_415 = vector.shape_cast %swap3A_414 : vector<1x16xf32> to vector<16xf32>
            %swap3A_416 = vector.shape_cast %broadcast_in_dim3A_1 : vector<16xf32> to vector<1x16xf32>
            tpu.vector_store %arg12[%swap3A_412, %swap3A_413], %swap3A_416 {strides = array<i32>} : memref<32x512xf32, #tpu.memory_space<vmem>>, vector<1x16xf32>,
          }
        } else {
        }
        %dma_start3A = arith.constant 0 : i32
        %dma_start3A_244 = tpu.memref_slice %arg4[%add3A_103, %dma_start3A] : memref<65536x512xf32, #tpu.memory_space<hbm>> -> memref<32x512xf32, #tpu.memory_space<hbm>>
        %dma_start3A_245 = arith.constant 0 : i32
        %dma_start3A_246 = tpu.memref_slice %arg4[%add3A_103, %dma_start3A_245] : memref<65536x512xf32, #tpu.memory_space<hbm>> -> memref<32x512xf32, #tpu.memory_space<hbm>>
        tpu.enqueue_dma source(%arg12 : memref<32x512xf32, #tpu.memory_space<vmem>>) target(%dma_start3A_246 : memref<32x512xf32, #tpu.memory_space<hbm>>) target_semaphore(%arg20 : memref<!tpu.dma_semaphore, #tpu.memory_space<semaphore_mem>>)
      } else {
      }
      %gt3A_219 = arith.constant 0 : i32
      %gt3A_220 = arith.cmpi sgt, %min3A_113, %gt3A_219 : i32
      %or3A_221 = arith.ori %scan3A_45, %gt3A_220 : i1
      %gt3A_222 = arith.constant 0 : i32
      %gt3A_223 = arith.cmpi sgt, %min3A_150, %gt3A_222 : i32
      %convert_element_type3A_224 = arith.extui %gt3A_223 : i1 to i32
      %cond3A_225 = arith.constant 0 : i32
      %cond3A_226 = arith.cmpi ne, %convert_element_type3A_224, %cond3A_225 : i32
      scf.if %cond3A_226 {
        %dma_wait3A = arith.constant 0 : i32
        %dma_wait3A_238 = arith.constant 0 : i32
        %dma_wait3A_239 = tpu.memref_slice %arg2[%dma_wait3A, %dma_wait3A_238] : memref<32768x512xf32, #tpu.memory_space<hbm>> -> memref<32768x512xf32, #tpu.memory_space<hbm>>
        tpu.wait_indirect_dma semaphore(%arg17 : memref<!tpu.dma_semaphore, #tpu.memory_space<semaphore_mem>>) src(%dma_wait3A_239 : memref<32768x512xf32, #tpu.memory_space<hbm>>) dst(%arg13 : memref<32x512xf32, #tpu.memory_space<vmem>>)
        %lt3A = arith.constant 32 : i32
        %lt3A_240 = arith.cmpi slt, %min3A_150, %lt3A : i32
        %convert_element_type3A_241 = arith.extui %lt3A_240 : i1 to i32
        %cond3A_242 = arith.constant 0 : i32
        %cond3A_243 = arith.cmpi ne, %convert_element_type3A_241, %cond3A_242 : i32
        scf.if %cond3A_243 {
          %while3A_247 = arith.constant 0 : i32
          %while3A_248 = arith.constant 32 : i32
          %while3A_249 = arith.subi %while3A_248, %min3A_150 : i32
          %while3A_250 = arith.addi %min3A_150, %while3A_249 : i32
          %while3A_251 = arith.constant 1 : i32
          %while3A_252 = arith.divsi %while3A_249, %while3A_251 : i32
          %while3A_253 = arith.muli %while3A_252, %while3A_251 : i32
          %while3A_254 = arith.addi %min3A_150, %while3A_253 : i32
          %while3A_255 = arith.constant 1 : i32
          scf.for %while3A_257 = %min3A_150 to %while3A_254 step %while3A_255  : i32 {
            %swap3A = arith.index_cast %while3A_257 : i32 to index
            %swap3A_258 = arith.constant 0 : index
            %swap3A_259 = tpu.vector_load %arg13[%swap3A, %swap3A_258] {strides = array<i32>} : memref<32x512xf32, #tpu.memory_space<vmem>>, vector<1x16xf32>,
            %swap3A_260 = vector.shape_cast %swap3A_259 : vector<1x16xf32> to vector<16xf32>
            %swap3A_261 = vector.shape_cast %broadcast_in_dim3A_1 : vector<16xf32> to vector<1x16xf32>
            tpu.vector_store %arg13[%swap3A, %swap3A_258], %swap3A_261 {strides = array<i32>} : memref<32x512xf32, #tpu.memory_space<vmem>>, vector<1x16xf32>,
            %swap3A_262 = arith.index_cast %while3A_257 : i32 to index
            %swap3A_263 = arith.constant 16 : index
            %swap3A_264 = tpu.vector_load %arg13[%swap3A_262, %swap3A_263] {strides = array<i32>} : memref<32x512xf32, #tpu.memory_space<vmem>>, vector<1x16xf32>,
            %swap3A_265 = vector.shape_cast %swap3A_264 : vector<1x16xf32> to vector<16xf32>
            %swap3A_266 = vector.shape_cast %broadcast_in_dim3A_1 : vector<16xf32> to vector<1x16xf32>
            tpu.vector_store %arg13[%swap3A_262, %swap3A_263], %swap3A_266 {strides = array<i32>} : memref<32x512xf32, #tpu.memory_space<vmem>>, vector<1x16xf32>,
            %swap3A_267 = arith.index_cast %while3A_257 : i32 to index
            %swap3A_268 = arith.constant 32 : index
            %swap3A_269 = tpu.vector_load %arg13[%swap3A_267, %swap3A_268] {strides = array<i32>} : memref<32x512xf32, #tpu.memory_space<vmem>>, vector<1x16xf32>,
            %swap3A_270 = vector.shape_cast %swap3A_269 : vector<1x16xf32> to vector<16xf32>
            %swap3A_271 = vector.shape_cast %broadcast_in_dim3A_1 : vector<16xf32> to vector<1x16xf32>
            tpu.vector_store %arg13[%swap3A_267, %swap3A_268], %swap3A_271 {strides = array<i32>} : memref<32x512xf32, #tpu.memory_space<vmem>>, vector<1x16xf32>,
            %swap3A_272 = arith.index_cast %while3A_257 : i32 to index
            %swap3A_273 = arith.constant 48 : index
            %swap3A_274 = tpu.vector_load %arg13[%swap3A_272, %swap3A_273] {strides = array<i32>} : memref<32x512xf32, #tpu.memory_space<vmem>>, vector<1x16xf32>,
            %swap3A_275 = vector.shape_cast %swap3A_274 : vector<1x16xf32> to vector<16xf32>
            %swap3A_276 = vector.shape_cast %broadcast_in_dim3A_1 : vector<16xf32> to vector<1x16xf32>
            tpu.vector_store %arg13[%swap3A_272, %swap3A_273], %swap3A_276 {strides = array<i32>} : memref<32x512xf32, #tpu.memory_space<vmem>>, vector<1x16xf32>,
            %swap3A_277 = arith.index_cast %while3A_257 : i32 to index
            %swap3A_278 = arith.constant 64 : index
            %swap3A_279 = tpu.vector_load %arg13[%swap3A_277, %swap3A_278] {strides = array<i32>} : memref<32x512xf32, #tpu.memory_space<vmem>>, vector<1x16xf32>,
            %swap3A_280 = vector.shape_cast %swap3A_279 : vector<1x16xf32> to vector<16xf32>
            %swap3A_281 = vector.shape_cast %broadcast_in_dim3A_1 : vector<16xf32> to vector<1x16xf32>
            tpu.vector_store %arg13[%swap3A_277, %swap3A_278], %swap3A_281 {strides = array<i32>} : memref<32x512xf32, #tpu.memory_space<vmem>>, vector<1x16xf32>,
            %swap3A_282 = arith.index_cast %while3A_257 : i32 to index
            %swap3A_283 = arith.constant 80 : index
            %swap3A_284 = tpu.vector_load %arg13[%swap3A_282, %swap3A_283] {strides = array<i32>} : memref<32x512xf32, #tpu.memory_space<vmem>>, vector<1x16xf32>,
            %swap3A_285 = vector.shape_cast %swap3A_284 : vector<1x16xf32> to vector<16xf32>
            %swap3A_286 = vector.shape_cast %broadcast_in_dim3A_1 : vector<16xf32> to vector<1x16xf32>
            tpu.vector_store %arg13[%swap3A_282, %swap3A_283], %swap3A_286 {strides = array<i32>} : memref<32x512xf32, #tpu.memory_space<vmem>>, vector<1x16xf32>,
            %swap3A_287 = arith.index_cast %while3A_257 : i32 to index
            %swap3A_288 = arith.constant 96 : index
            %swap3A_289 = tpu.vector_load %arg13[%swap3A_287, %swap3A_288] {strides = array<i32>} : memref<32x512xf32, #tpu.memory_space<vmem>>, vector<1x16xf32>,
            %swap3A_290 = vector.shape_cast %swap3A_289 : vector<1x16xf32> to vector<16xf32>
            %swap3A_291 = vector.shape_cast %broadcast_in_dim3A_1 : vector<16xf32> to vector<1x16xf32>
            tpu.vector_store %arg13[%swap3A_287, %swap3A_288], %swap3A_291 {strides = array<i32>} : memref<32x512xf32, #tpu.memory_space<vmem>>, vector<1x16xf32>,
            %swap3A_292 = arith.index_cast %while3A_257 : i32 to index
            %swap3A_293 = arith.constant 112 : index
            %swap3A_294 = tpu.vector_load %arg13[%swap3A_292, %swap3A_293] {strides = array<i32>} : memref<32x512xf32, #tpu.memory_space<vmem>>, vector<1x16xf32>,
            %swap3A_295 = vector.shape_cast %swap3A_294 : vector<1x16xf32> to vector<16xf32>
            %swap3A_296 = vector.shape_cast %broadcast_in_dim3A_1 : vector<16xf32> to vector<1x16xf32>
            tpu.vector_store %arg13[%swap3A_292, %swap3A_293], %swap3A_296 {strides = array<i32>} : memref<32x512xf32, #tpu.memory_space<vmem>>, vector<1x16xf32>,
            %swap3A_297 = arith.index_cast %while3A_257 : i32 to index
            %swap3A_298 = arith.constant 128 : index
            %swap3A_299 = tpu.vector_load %arg13[%swap3A_297, %swap3A_298] {strides = array<i32>} : memref<32x512xf32, #tpu.memory_space<vmem>>, vector<1x16xf32>,
            %swap3A_300 = vector.shape_cast %swap3A_299 : vector<1x16xf32> to vector<16xf32>
            %swap3A_301 = vector.shape_cast %broadcast_in_dim3A_1 : vector<16xf32> to vector<1x16xf32>
            tpu.vector_store %arg13[%swap3A_297, %swap3A_298], %swap3A_301 {strides = array<i32>} : memref<32x512xf32, #tpu.memory_space<vmem>>, vector<1x16xf32>,
            %swap3A_302 = arith.index_cast %while3A_257 : i32 to index
            %swap3A_303 = arith.constant 144 : index
            %swap3A_304 = tpu.vector_load %arg13[%swap3A_302, %swap3A_303] {strides = array<i32>} : memref<32x512xf32, #tpu.memory_space<vmem>>, vector<1x16xf32>,
            %swap3A_305 = vector.shape_cast %swap3A_304 : vector<1x16xf32> to vector<16xf32>
            %swap3A_306 = vector.shape_cast %broadcast_in_dim3A_1 : vector<16xf32> to vector<1x16xf32>
            tpu.vector_store %arg13[%swap3A_302, %swap3A_303], %swap3A_306 {strides = array<i32>} : memref<32x512xf32, #tpu.memory_space<vmem>>, vector<1x16xf32>,
            %swap3A_307 = arith.index_cast %while3A_257 : i32 to index
            %swap3A_308 = arith.constant 160 : index
            %swap3A_309 = tpu.vector_load %arg13[%swap3A_307, %swap3A_308] {strides = array<i32>} : memref<32x512xf32, #tpu.memory_space<vmem>>, vector<1x16xf32>,
            %swap3A_310 = vector.shape_cast %swap3A_309 : vector<1x16xf32> to vector<16xf32>
            %swap3A_311 = vector.shape_cast %broadcast_in_dim3A_1 : vector<16xf32> to vector<1x16xf32>
            tpu.vector_store %arg13[%swap3A_307, %swap3A_308], %swap3A_311 {strides = array<i32>} : memref<32x512xf32, #tpu.memory_space<vmem>>, vector<1x16xf32>,
            %swap3A_312 = arith.index_cast %while3A_257 : i32 to index
            %swap3A_313 = arith.constant 176 : index
            %swap3A_314 = tpu.vector_load %arg13[%swap3A_312, %swap3A_313] {strides = array<i32>} : memref<32x512xf32, #tpu.memory_space<vmem>>, vector<1x16xf32>,
            %swap3A_315 = vector.shape_cast %swap3A_314 : vector<1x16xf32> to vector<16xf32>
            %swap3A_316 = vector.shape_cast %broadcast_in_dim3A_1 : vector<16xf32> to vector<1x16xf32>
            tpu.vector_store %arg13[%swap3A_312, %swap3A_313], %swap3A_316 {strides = array<i32>} : memref<32x512xf32, #tpu.memory_space<vmem>>, vector<1x16xf32>,
            %swap3A_317 = arith.index_cast %while3A_257 : i32 to index
            %swap3A_318 = arith.constant 192 : index
            %swap3A_319 = tpu.vector_load %arg13[%swap3A_317, %swap3A_318] {strides = array<i32>} : memref<32x512xf32, #tpu.memory_space<vmem>>, vector<1x16xf32>,
            %swap3A_320 = vector.shape_cast %swap3A_319 : vector<1x16xf32> to vector<16xf32>
            %swap3A_321 = vector.shape_cast %broadcast_in_dim3A_1 : vector<16xf32> to vector<1x16xf32>
            tpu.vector_store %arg13[%swap3A_317, %swap3A_318], %swap3A_321 {strides = array<i32>} : memref<32x512xf32, #tpu.memory_space<vmem>>, vector<1x16xf32>,
            %swap3A_322 = arith.index_cast %while3A_257 : i32 to index
            %swap3A_323 = arith.constant 208 : index
            %swap3A_324 = tpu.vector_load %arg13[%swap3A_322, %swap3A_323] {strides = array<i32>} : memref<32x512xf32, #tpu.memory_space<vmem>>, vector<1x16xf32>,
            %swap3A_325 = vector.shape_cast %swap3A_324 : vector<1x16xf32> to vector<16xf32>
            %swap3A_326 = vector.shape_cast %broadcast_in_dim3A_1 : vector<16xf32> to vector<1x16xf32>
            tpu.vector_store %arg13[%swap3A_322, %swap3A_323], %swap3A_326 {strides = array<i32>} : memref<32x512xf32, #tpu.memory_space<vmem>>, vector<1x16xf32>,
            %swap3A_327 = arith.index_cast %while3A_257 : i32 to index
            %swap3A_328 = arith.constant 224 : index
            %swap3A_329 = tpu.vector_load %arg13[%swap3A_327, %swap3A_328] {strides = array<i32>} : memref<32x512xf32, #tpu.memory_space<vmem>>, vector<1x16xf32>,
            %swap3A_330 = vector.shape_cast %swap3A_329 : vector<1x16xf32> to vector<16xf32>
            %swap3A_331 = vector.shape_cast %broadcast_in_dim3A_1 : vector<16xf32> to vector<1x16xf32>
            tpu.vector_store %arg13[%swap3A_327, %swap3A_328], %swap3A_331 {strides = array<i32>} : memref<32x512xf32, #tpu.memory_space<vmem>>, vector<1x16xf32>,
            %swap3A_332 = arith.index_cast %while3A_257 : i32 to index
            %swap3A_333 = arith.constant 240 : index
            %swap3A_334 = tpu.vector_load %arg13[%swap3A_332, %swap3A_333] {strides = array<i32>} : memref<32x512xf32, #tpu.memory_space<vmem>>, vector<1x16xf32>,
            %swap3A_335 = vector.shape_cast %swap3A_334 : vector<1x16xf32> to vector<16xf32>
            %swap3A_336 = vector.shape_cast %broadcast_in_dim3A_1 : vector<16xf32> to vector<1x16xf32>
            tpu.vector_store %arg13[%swap3A_332, %swap3A_333], %swap3A_336 {strides = array<i32>} : memref<32x512xf32, #tpu.memory_space<vmem>>, vector<1x16xf32>,
            %swap3A_337 = arith.index_cast %while3A_257 : i32 to index
            %swap3A_338 = arith.constant 256 : index
            %swap3A_339 = tpu.vector_load %arg13[%swap3A_337, %swap3A_338] {strides = array<i32>} : memref<32x512xf32, #tpu.memory_space<vmem>>, vector<1x16xf32>,
            %swap3A_340 = vector.shape_cast %swap3A_339 : vector<1x16xf32> to vector<16xf32>
            %swap3A_341 = vector.shape_cast %broadcast_in_dim3A_1 : vector<16xf32> to vector<1x16xf32>
            tpu.vector_store %arg13[%swap3A_337, %swap3A_338], %swap3A_341 {strides = array<i32>} : memref<32x512xf32, #tpu.memory_space<vmem>>, vector<1x16xf32>,
            %swap3A_342 = arith.index_cast %while3A_257 : i32 to index
            %swap3A_343 = arith.constant 272 : index
            %swap3A_344 = tpu.vector_load %arg13[%swap3A_342, %swap3A_343] {strides = array<i32>} : memref<32x512xf32, #tpu.memory_space<vmem>>, vector<1x16xf32>,
            %swap3A_345 = vector.shape_cast %swap3A_344 : vector<1x16xf32> to vector<16xf32>
            %swap3A_346 = vector.shape_cast %broadcast_in_dim3A_1 : vector<16xf32> to vector<1x16xf32>
            tpu.vector_store %arg13[%swap3A_342, %swap3A_343], %swap3A_346 {strides = array<i32>} : memref<32x512xf32, #tpu.memory_space<vmem>>, vector<1x16xf32>,
            %swap3A_347 = arith.index_cast %while3A_257 : i32 to index
            %swap3A_348 = arith.constant 288 : index
            %swap3A_349 = tpu.vector_load %arg13[%swap3A_347, %swap3A_348] {strides = array<i32>} : memref<32x512xf32, #tpu.memory_space<vmem>>, vector<1x16xf32>,
            %swap3A_350 = vector.shape_cast %swap3A_349 : vector<1x16xf32> to vector<16xf32>
            %swap3A_351 = vector.shape_cast %broadcast_in_dim3A_1 : vector<16xf32> to vector<1x16xf32>
            tpu.vector_store %arg13[%swap3A_347, %swap3A_348], %swap3A_351 {strides = array<i32>} : memref<32x512xf32, #tpu.memory_space<vmem>>, vector<1x16xf32>,
            %swap3A_352 = arith.index_cast %while3A_257 : i32 to index
            %swap3A_353 = arith.constant 304 : index
            %swap3A_354 = tpu.vector_load %arg13[%swap3A_352, %swap3A_353] {strides = array<i32>} : memref<32x512xf32, #tpu.memory_space<vmem>>, vector<1x16xf32>,
            %swap3A_355 = vector.shape_cast %swap3A_354 : vector<1x16xf32> to vector<16xf32>
            %swap3A_356 = vector.shape_cast %broadcast_in_dim3A_1 : vector<16xf32> to vector<1x16xf32>
            tpu.vector_store %arg13[%swap3A_352, %swap3A_353], %swap3A_356 {strides = array<i32>} : memref<32x512xf32, #tpu.memory_space<vmem>>, vector<1x16xf32>,
            %swap3A_357 = arith.index_cast %while3A_257 : i32 to index
            %swap3A_358 = arith.constant 320 : index
            %swap3A_359 = tpu.vector_load %arg13[%swap3A_357, %swap3A_358] {strides = array<i32>} : memref<32x512xf32, #tpu.memory_space<vmem>>, vector<1x16xf32>,
            %swap3A_360 = vector.shape_cast %swap3A_359 : vector<1x16xf32> to vector<16xf32>
            %swap3A_361 = vector.shape_cast %broadcast_in_dim3A_1 : vector<16xf32> to vector<1x16xf32>
            tpu.vector_store %arg13[%swap3A_357, %swap3A_358], %swap3A_361 {strides = array<i32>} : memref<32x512xf32, #tpu.memory_space<vmem>>, vector<1x16xf32>,
            %swap3A_362 = arith.index_cast %while3A_257 : i32 to index
            %swap3A_363 = arith.constant 336 : index
            %swap3A_364 = tpu.vector_load %arg13[%swap3A_362, %swap3A_363] {strides = array<i32>} : memref<32x512xf32, #tpu.memory_space<vmem>>, vector<1x16xf32>,
            %swap3A_365 = vector.shape_cast %swap3A_364 : vector<1x16xf32> to vector<16xf32>
            %swap3A_366 = vector.shape_cast %broadcast_in_dim3A_1 : vector<16xf32> to vector<1x16xf32>
            tpu.vector_store %arg13[%swap3A_362, %swap3A_363], %swap3A_366 {strides = array<i32>} : memref<32x512xf32, #tpu.memory_space<vmem>>, vector<1x16xf32>,
            %swap3A_367 = arith.index_cast %while3A_257 : i32 to index
            %swap3A_368 = arith.constant 352 : index
            %swap3A_369 = tpu.vector_load %arg13[%swap3A_367, %swap3A_368] {strides = array<i32>} : memref<32x512xf32, #tpu.memory_space<vmem>>, vector<1x16xf32>,
            %swap3A_370 = vector.shape_cast %swap3A_369 : vector<1x16xf32> to vector<16xf32>
            %swap3A_371 = vector.shape_cast %broadcast_in_dim3A_1 : vector<16xf32> to vector<1x16xf32>
            tpu.vector_store %arg13[%swap3A_367, %swap3A_368], %swap3A_371 {strides = array<i32>} : memref<32x512xf32, #tpu.memory_space<vmem>>, vector<1x16xf32>,
            %swap3A_372 = arith.index_cast %while3A_257 : i32 to index
            %swap3A_373 = arith.constant 368 : index
            %swap3A_374 = tpu.vector_load %arg13[%swap3A_372, %swap3A_373] {strides = array<i32>} : memref<32x512xf32, #tpu.memory_space<vmem>>, vector<1x16xf32>,
            %swap3A_375 = vector.shape_cast %swap3A_374 : vector<1x16xf32> to vector<16xf32>
            %swap3A_376 = vector.shape_cast %broadcast_in_dim3A_1 : vector<16xf32> to vector<1x16xf32>
            tpu.vector_store %arg13[%swap3A_372, %swap3A_373], %swap3A_376 {strides = array<i32>} : memref<32x512xf32, #tpu.memory_space<vmem>>, vector<1x16xf32>,
            %swap3A_377 = arith.index_cast %while3A_257 : i32 to index
            %swap3A_378 = arith.constant 384 : index
            %swap3A_379 = tpu.vector_load %arg13[%swap3A_377, %swap3A_378] {strides = array<i32>} : memref<32x512xf32, #tpu.memory_space<vmem>>, vector<1x16xf32>,
            %swap3A_380 = vector.shape_cast %swap3A_379 : vector<1x16xf32> to vector<16xf32>
            %swap3A_381 = vector.shape_cast %broadcast_in_dim3A_1 : vector<16xf32> to vector<1x16xf32>
            tpu.vector_store %arg13[%swap3A_377, %swap3A_378], %swap3A_381 {strides = array<i32>} : memref<32x512xf32, #tpu.memory_space<vmem>>, vector<1x16xf32>,
            %swap3A_382 = arith.index_cast %while3A_257 : i32 to index
            %swap3A_383 = arith.constant 400 : index
            %swap3A_384 = tpu.vector_load %arg13[%swap3A_382, %swap3A_383] {strides = array<i32>} : memref<32x512xf32, #tpu.memory_space<vmem>>, vector<1x16xf32>,
            %swap3A_385 = vector.shape_cast %swap3A_384 : vector<1x16xf32> to vector<16xf32>
            %swap3A_386 = vector.shape_cast %broadcast_in_dim3A_1 : vector<16xf32> to vector<1x16xf32>
            tpu.vector_store %arg13[%swap3A_382, %swap3A_383], %swap3A_386 {strides = array<i32>} : memref<32x512xf32, #tpu.memory_space<vmem>>, vector<1x16xf32>,
            %swap3A_387 = arith.index_cast %while3A_257 : i32 to index
            %swap3A_388 = arith.constant 416 : index
            %swap3A_389 = tpu.vector_load %arg13[%swap3A_387, %swap3A_388] {strides = array<i32>} : memref<32x512xf32, #tpu.memory_space<vmem>>, vector<1x16xf32>,
            %swap3A_390 = vector.shape_cast %swap3A_389 : vector<1x16xf32> to vector<16xf32>
            %swap3A_391 = vector.shape_cast %broadcast_in_dim3A_1 : vector<16xf32> to vector<1x16xf32>
            tpu.vector_store %arg13[%swap3A_387, %swap3A_388], %swap3A_391 {strides = array<i32>} : memref<32x512xf32, #tpu.memory_space<vmem>>, vector<1x16xf32>,
            %swap3A_392 = arith.index_cast %while3A_257 : i32 to index
            %swap3A_393 = arith.constant 432 : index
            %swap3A_394 = tpu.vector_load %arg13[%swap3A_392, %swap3A_393] {strides = array<i32>} : memref<32x512xf32, #tpu.memory_space<vmem>>, vector<1x16xf32>,
            %swap3A_395 = vector.shape_cast %swap3A_394 : vector<1x16xf32> to vector<16xf32>
            %swap3A_396 = vector.shape_cast %broadcast_in_dim3A_1 : vector<16xf32> to vector<1x16xf32>
            tpu.vector_store %arg13[%swap3A_392, %swap3A_393], %swap3A_396 {strides = array<i32>} : memref<32x512xf32, #tpu.memory_space<vmem>>, vector<1x16xf32>,
            %swap3A_397 = arith.index_cast %while3A_257 : i32 to index
            %swap3A_398 = arith.constant 448 : index
            %swap3A_399 = tpu.vector_load %arg13[%swap3A_397, %swap3A_398] {strides = array<i32>} : memref<32x512xf32, #tpu.memory_space<vmem>>, vector<1x16xf32>,
            %swap3A_400 = vector.shape_cast %swap3A_399 : vector<1x16xf32> to vector<16xf32>
            %swap3A_401 = vector.shape_cast %broadcast_in_dim3A_1 : vector<16xf32> to vector<1x16xf32>
            tpu.vector_store %arg13[%swap3A_397, %swap3A_398], %swap3A_401 {strides = array<i32>} : memref<32x512xf32, #tpu.memory_space<vmem>>, vector<1x16xf32>,
            %swap3A_402 = arith.index_cast %while3A_257 : i32 to index
            %swap3A_403 = arith.constant 464 : index
            %swap3A_404 = tpu.vector_load %arg13[%swap3A_402, %swap3A_403] {strides = array<i32>} : memref<32x512xf32, #tpu.memory_space<vmem>>, vector<1x16xf32>,
            %swap3A_405 = vector.shape_cast %swap3A_404 : vector<1x16xf32> to vector<16xf32>
            %swap3A_406 = vector.shape_cast %broadcast_in_dim3A_1 : vector<16xf32> to vector<1x16xf32>
            tpu.vector_store %arg13[%swap3A_402, %swap3A_403], %swap3A_406 {strides = array<i32>} : memref<32x512xf32, #tpu.memory_space<vmem>>, vector<1x16xf32>,
            %swap3A_407 = arith.index_cast %while3A_257 : i32 to index
            %swap3A_408 = arith.constant 480 : index
            %swap3A_409 = tpu.vector_load %arg13[%swap3A_407, %swap3A_408] {strides = array<i32>} : memref<32x512xf32, #tpu.memory_space<vmem>>, vector<1x16xf32>,
            %swap3A_410 = vector.shape_cast %swap3A_409 : vector<1x16xf32> to vector<16xf32>
            %swap3A_411 = vector.shape_cast %broadcast_in_dim3A_1 : vector<16xf32> to vector<1x16xf32>
            tpu.vector_store %arg13[%swap3A_407, %swap3A_408], %swap3A_411 {strides = array<i32>} : memref<32x512xf32, #tpu.memory_space<vmem>>, vector<1x16xf32>,
            %swap3A_412 = arith.index_cast %while3A_257 : i32 to index
            %swap3A_413 = arith.constant 496 : index
            %swap3A_414 = tpu.vector_load %arg13[%swap3A_412, %swap3A_413] {strides = array<i32>} : memref<32x512xf32, #tpu.memory_space<vmem>>, vector<1x16xf32>,
            %swap3A_415 = vector.shape_cast %swap3A_414 : vector<1x16xf32> to vector<16xf32>
            %swap3A_416 = vector.shape_cast %broadcast_in_dim3A_1 : vector<16xf32> to vector<1x16xf32>
            tpu.vector_store %arg13[%swap3A_412, %swap3A_413], %swap3A_416 {strides = array<i32>} : memref<32x512xf32, #tpu.memory_space<vmem>>, vector<1x16xf32>,
          }
          %while3A_256 = arith.constant 1 : i32
          scf.for %while3A_257 = %while3A_254 to %while3A_250 step %while3A_256  : i32 {
            %swap3A = arith.index_cast %while3A_257 : i32 to index
            %swap3A_258 = arith.constant 0 : index
            %swap3A_259 = tpu.vector_load %arg13[%swap3A, %swap3A_258] {strides = array<i32>} : memref<32x512xf32, #tpu.memory_space<vmem>>, vector<1x16xf32>,
            %swap3A_260 = vector.shape_cast %swap3A_259 : vector<1x16xf32> to vector<16xf32>
            %swap3A_261 = vector.shape_cast %broadcast_in_dim3A_1 : vector<16xf32> to vector<1x16xf32>
            tpu.vector_store %arg13[%swap3A, %swap3A_258], %swap3A_261 {strides = array<i32>} : memref<32x512xf32, #tpu.memory_space<vmem>>, vector<1x16xf32>,
            %swap3A_262 = arith.index_cast %while3A_257 : i32 to index
            %swap3A_263 = arith.constant 16 : index
            %swap3A_264 = tpu.vector_load %arg13[%swap3A_262, %swap3A_263] {strides = array<i32>} : memref<32x512xf32, #tpu.memory_space<vmem>>, vector<1x16xf32>,
            %swap3A_265 = vector.shape_cast %swap3A_264 : vector<1x16xf32> to vector<16xf32>
            %swap3A_266 = vector.shape_cast %broadcast_in_dim3A_1 : vector<16xf32> to vector<1x16xf32>
            tpu.vector_store %arg13[%swap3A_262, %swap3A_263], %swap3A_266 {strides = array<i32>} : memref<32x512xf32, #tpu.memory_space<vmem>>, vector<1x16xf32>,
            %swap3A_267 = arith.index_cast %while3A_257 : i32 to index
            %swap3A_268 = arith.constant 32 : index
            %swap3A_269 = tpu.vector_load %arg13[%swap3A_267, %swap3A_268] {strides = array<i32>} : memref<32x512xf32, #tpu.memory_space<vmem>>, vector<1x16xf32>,
            %swap3A_270 = vector.shape_cast %swap3A_269 : vector<1x16xf32> to vector<16xf32>
            %swap3A_271 = vector.shape_cast %broadcast_in_dim3A_1 : vector<16xf32> to vector<1x16xf32>
            tpu.vector_store %arg13[%swap3A_267, %swap3A_268], %swap3A_271 {strides = array<i32>} : memref<32x512xf32, #tpu.memory_space<vmem>>, vector<1x16xf32>,
            %swap3A_272 = arith.index_cast %while3A_257 : i32 to index
            %swap3A_273 = arith.constant 48 : index
            %swap3A_274 = tpu.vector_load %arg13[%swap3A_272, %swap3A_273] {strides = array<i32>} : memref<32x512xf32, #tpu.memory_space<vmem>>, vector<1x16xf32>,
            %swap3A_275 = vector.shape_cast %swap3A_274 : vector<1x16xf32> to vector<16xf32>
            %swap3A_276 = vector.shape_cast %broadcast_in_dim3A_1 : vector<16xf32> to vector<1x16xf32>
            tpu.vector_store %arg13[%swap3A_272, %swap3A_273], %swap3A_276 {strides = array<i32>} : memref<32x512xf32, #tpu.memory_space<vmem>>, vector<1x16xf32>,
            %swap3A_277 = arith.index_cast %while3A_257 : i32 to index
            %swap3A_278 = arith.constant 64 : index
            %swap3A_279 = tpu.vector_load %arg13[%swap3A_277, %swap3A_278] {strides = array<i32>} : memref<32x512xf32, #tpu.memory_space<vmem>>, vector<1x16xf32>,
            %swap3A_280 = vector.shape_cast %swap3A_279 : vector<1x16xf32> to vector<16xf32>
            %swap3A_281 = vector.shape_cast %broadcast_in_dim3A_1 : vector<16xf32> to vector<1x16xf32>
            tpu.vector_store %arg13[%swap3A_277, %swap3A_278], %swap3A_281 {strides = array<i32>} : memref<32x512xf32, #tpu.memory_space<vmem>>, vector<1x16xf32>,
            %swap3A_282 = arith.index_cast %while3A_257 : i32 to index
            %swap3A_283 = arith.constant 80 : index
            %swap3A_284 = tpu.vector_load %arg13[%swap3A_282, %swap3A_283] {strides = array<i32>} : memref<32x512xf32, #tpu.memory_space<vmem>>, vector<1x16xf32>,
            %swap3A_285 = vector.shape_cast %swap3A_284 : vector<1x16xf32> to vector<16xf32>
            %swap3A_286 = vector.shape_cast %broadcast_in_dim3A_1 : vector<16xf32> to vector<1x16xf32>
            tpu.vector_store %arg13[%swap3A_282, %swap3A_283], %swap3A_286 {strides = array<i32>} : memref<32x512xf32, #tpu.memory_space<vmem>>, vector<1x16xf32>,
            %swap3A_287 = arith.index_cast %while3A_257 : i32 to index
            %swap3A_288 = arith.constant 96 : index
            %swap3A_289 = tpu.vector_load %arg13[%swap3A_287, %swap3A_288] {strides = array<i32>} : memref<32x512xf32, #tpu.memory_space<vmem>>, vector<1x16xf32>,
            %swap3A_290 = vector.shape_cast %swap3A_289 : vector<1x16xf32> to vector<16xf32>
            %swap3A_291 = vector.shape_cast %broadcast_in_dim3A_1 : vector<16xf32> to vector<1x16xf32>
            tpu.vector_store %arg13[%swap3A_287, %swap3A_288], %swap3A_291 {strides = array<i32>} : memref<32x512xf32, #tpu.memory_space<vmem>>, vector<1x16xf32>,
            %swap3A_292 = arith.index_cast %while3A_257 : i32 to index
            %swap3A_293 = arith.constant 112 : index
            %swap3A_294 = tpu.vector_load %arg13[%swap3A_292, %swap3A_293] {strides = array<i32>} : memref<32x512xf32, #tpu.memory_space<vmem>>, vector<1x16xf32>,
            %swap3A_295 = vector.shape_cast %swap3A_294 : vector<1x16xf32> to vector<16xf32>
            %swap3A_296 = vector.shape_cast %broadcast_in_dim3A_1 : vector<16xf32> to vector<1x16xf32>
            tpu.vector_store %arg13[%swap3A_292, %swap3A_293], %swap3A_296 {strides = array<i32>} : memref<32x512xf32, #tpu.memory_space<vmem>>, vector<1x16xf32>,
            %swap3A_297 = arith.index_cast %while3A_257 : i32 to index
            %swap3A_298 = arith.constant 128 : index
            %swap3A_299 = tpu.vector_load %arg13[%swap3A_297, %swap3A_298] {strides = array<i32>} : memref<32x512xf32, #tpu.memory_space<vmem>>, vector<1x16xf32>,
            %swap3A_300 = vector.shape_cast %swap3A_299 : vector<1x16xf32> to vector<16xf32>
            %swap3A_301 = vector.shape_cast %broadcast_in_dim3A_1 : vector<16xf32> to vector<1x16xf32>
            tpu.vector_store %arg13[%swap3A_297, %swap3A_298], %swap3A_301 {strides = array<i32>} : memref<32x512xf32, #tpu.memory_space<vmem>>, vector<1x16xf32>,
            %swap3A_302 = arith.index_cast %while3A_257 : i32 to index
            %swap3A_303 = arith.constant 144 : index
            %swap3A_304 = tpu.vector_load %arg13[%swap3A_302, %swap3A_303] {strides = array<i32>} : memref<32x512xf32, #tpu.memory_space<vmem>>, vector<1x16xf32>,
            %swap3A_305 = vector.shape_cast %swap3A_304 : vector<1x16xf32> to vector<16xf32>
            %swap3A_306 = vector.shape_cast %broadcast_in_dim3A_1 : vector<16xf32> to vector<1x16xf32>
            tpu.vector_store %arg13[%swap3A_302, %swap3A_303], %swap3A_306 {strides = array<i32>} : memref<32x512xf32, #tpu.memory_space<vmem>>, vector<1x16xf32>,
            %swap3A_307 = arith.index_cast %while3A_257 : i32 to index
            %swap3A_308 = arith.constant 160 : index
            %swap3A_309 = tpu.vector_load %arg13[%swap3A_307, %swap3A_308] {strides = array<i32>} : memref<32x512xf32, #tpu.memory_space<vmem>>, vector<1x16xf32>,
            %swap3A_310 = vector.shape_cast %swap3A_309 : vector<1x16xf32> to vector<16xf32>
            %swap3A_311 = vector.shape_cast %broadcast_in_dim3A_1 : vector<16xf32> to vector<1x16xf32>
            tpu.vector_store %arg13[%swap3A_307, %swap3A_308], %swap3A_311 {strides = array<i32>} : memref<32x512xf32, #tpu.memory_space<vmem>>, vector<1x16xf32>,
            %swap3A_312 = arith.index_cast %while3A_257 : i32 to index
            %swap3A_313 = arith.constant 176 : index
            %swap3A_314 = tpu.vector_load %arg13[%swap3A_312, %swap3A_313] {strides = array<i32>} : memref<32x512xf32, #tpu.memory_space<vmem>>, vector<1x16xf32>,
            %swap3A_315 = vector.shape_cast %swap3A_314 : vector<1x16xf32> to vector<16xf32>
            %swap3A_316 = vector.shape_cast %broadcast_in_dim3A_1 : vector<16xf32> to vector<1x16xf32>
            tpu.vector_store %arg13[%swap3A_312, %swap3A_313], %swap3A_316 {strides = array<i32>} : memref<32x512xf32, #tpu.memory_space<vmem>>, vector<1x16xf32>,
            %swap3A_317 = arith.index_cast %while3A_257 : i32 to index
            %swap3A_318 = arith.constant 192 : index
            %swap3A_319 = tpu.vector_load %arg13[%swap3A_317, %swap3A_318] {strides = array<i32>} : memref<32x512xf32, #tpu.memory_space<vmem>>, vector<1x16xf32>,
            %swap3A_320 = vector.shape_cast %swap3A_319 : vector<1x16xf32> to vector<16xf32>
            %swap3A_321 = vector.shape_cast %broadcast_in_dim3A_1 : vector<16xf32> to vector<1x16xf32>
            tpu.vector_store %arg13[%swap3A_317, %swap3A_318], %swap3A_321 {strides = array<i32>} : memref<32x512xf32, #tpu.memory_space<vmem>>, vector<1x16xf32>,
            %swap3A_322 = arith.index_cast %while3A_257 : i32 to index
            %swap3A_323 = arith.constant 208 : index
            %swap3A_324 = tpu.vector_load %arg13[%swap3A_322, %swap3A_323] {strides = array<i32>} : memref<32x512xf32, #tpu.memory_space<vmem>>, vector<1x16xf32>,
            %swap3A_325 = vector.shape_cast %swap3A_324 : vector<1x16xf32> to vector<16xf32>
            %swap3A_326 = vector.shape_cast %broadcast_in_dim3A_1 : vector<16xf32> to vector<1x16xf32>
            tpu.vector_store %arg13[%swap3A_322, %swap3A_323], %swap3A_326 {strides = array<i32>} : memref<32x512xf32, #tpu.memory_space<vmem>>, vector<1x16xf32>,
            %swap3A_327 = arith.index_cast %while3A_257 : i32 to index
            %swap3A_328 = arith.constant 224 : index
            %swap3A_329 = tpu.vector_load %arg13[%swap3A_327, %swap3A_328] {strides = array<i32>} : memref<32x512xf32, #tpu.memory_space<vmem>>, vector<1x16xf32>,
            %swap3A_330 = vector.shape_cast %swap3A_329 : vector<1x16xf32> to vector<16xf32>
            %swap3A_331 = vector.shape_cast %broadcast_in_dim3A_1 : vector<16xf32> to vector<1x16xf32>
            tpu.vector_store %arg13[%swap3A_327, %swap3A_328], %swap3A_331 {strides = array<i32>} : memref<32x512xf32, #tpu.memory_space<vmem>>, vector<1x16xf32>,
            %swap3A_332 = arith.index_cast %while3A_257 : i32 to index
            %swap3A_333 = arith.constant 240 : index
            %swap3A_334 = tpu.vector_load %arg13[%swap3A_332, %swap3A_333] {strides = array<i32>} : memref<32x512xf32, #tpu.memory_space<vmem>>, vector<1x16xf32>,
            %swap3A_335 = vector.shape_cast %swap3A_334 : vector<1x16xf32> to vector<16xf32>
            %swap3A_336 = vector.shape_cast %broadcast_in_dim3A_1 : vector<16xf32> to vector<1x16xf32>
            tpu.vector_store %arg13[%swap3A_332, %swap3A_333], %swap3A_336 {strides = array<i32>} : memref<32x512xf32, #tpu.memory_space<vmem>>, vector<1x16xf32>,
            %swap3A_337 = arith.index_cast %while3A_257 : i32 to index
            %swap3A_338 = arith.constant 256 : index
            %swap3A_339 = tpu.vector_load %arg13[%swap3A_337, %swap3A_338] {strides = array<i32>} : memref<32x512xf32, #tpu.memory_space<vmem>>, vector<1x16xf32>,
            %swap3A_340 = vector.shape_cast %swap3A_339 : vector<1x16xf32> to vector<16xf32>
            %swap3A_341 = vector.shape_cast %broadcast_in_dim3A_1 : vector<16xf32> to vector<1x16xf32>
            tpu.vector_store %arg13[%swap3A_337, %swap3A_338], %swap3A_341 {strides = array<i32>} : memref<32x512xf32, #tpu.memory_space<vmem>>, vector<1x16xf32>,
            %swap3A_342 = arith.index_cast %while3A_257 : i32 to index
            %swap3A_343 = arith.constant 272 : index
            %swap3A_344 = tpu.vector_load %arg13[%swap3A_342, %swap3A_343] {strides = array<i32>} : memref<32x512xf32, #tpu.memory_space<vmem>>, vector<1x16xf32>,
            %swap3A_345 = vector.shape_cast %swap3A_344 : vector<1x16xf32> to vector<16xf32>
            %swap3A_346 = vector.shape_cast %broadcast_in_dim3A_1 : vector<16xf32> to vector<1x16xf32>
            tpu.vector_store %arg13[%swap3A_342, %swap3A_343], %swap3A_346 {strides = array<i32>} : memref<32x512xf32, #tpu.memory_space<vmem>>, vector<1x16xf32>,
            %swap3A_347 = arith.index_cast %while3A_257 : i32 to index
            %swap3A_348 = arith.constant 288 : index
            %swap3A_349 = tpu.vector_load %arg13[%swap3A_347, %swap3A_348] {strides = array<i32>} : memref<32x512xf32, #tpu.memory_space<vmem>>, vector<1x16xf32>,
            %swap3A_350 = vector.shape_cast %swap3A_349 : vector<1x16xf32> to vector<16xf32>
            %swap3A_351 = vector.shape_cast %broadcast_in_dim3A_1 : vector<16xf32> to vector<1x16xf32>
            tpu.vector_store %arg13[%swap3A_347, %swap3A_348], %swap3A_351 {strides = array<i32>} : memref<32x512xf32, #tpu.memory_space<vmem>>, vector<1x16xf32>,
            %swap3A_352 = arith.index_cast %while3A_257 : i32 to index
            %swap3A_353 = arith.constant 304 : index
            %swap3A_354 = tpu.vector_load %arg13[%swap3A_352, %swap3A_353] {strides = array<i32>} : memref<32x512xf32, #tpu.memory_space<vmem>>, vector<1x16xf32>,
            %swap3A_355 = vector.shape_cast %swap3A_354 : vector<1x16xf32> to vector<16xf32>
            %swap3A_356 = vector.shape_cast %broadcast_in_dim3A_1 : vector<16xf32> to vector<1x16xf32>
            tpu.vector_store %arg13[%swap3A_352, %swap3A_353], %swap3A_356 {strides = array<i32>} : memref<32x512xf32, #tpu.memory_space<vmem>>, vector<1x16xf32>,
            %swap3A_357 = arith.index_cast %while3A_257 : i32 to index
            %swap3A_358 = arith.constant 320 : index
            %swap3A_359 = tpu.vector_load %arg13[%swap3A_357, %swap3A_358] {strides = array<i32>} : memref<32x512xf32, #tpu.memory_space<vmem>>, vector<1x16xf32>,
            %swap3A_360 = vector.shape_cast %swap3A_359 : vector<1x16xf32> to vector<16xf32>
            %swap3A_361 = vector.shape_cast %broadcast_in_dim3A_1 : vector<16xf32> to vector<1x16xf32>
            tpu.vector_store %arg13[%swap3A_357, %swap3A_358], %swap3A_361 {strides = array<i32>} : memref<32x512xf32, #tpu.memory_space<vmem>>, vector<1x16xf32>,
            %swap3A_362 = arith.index_cast %while3A_257 : i32 to index
            %swap3A_363 = arith.constant 336 : index
            %swap3A_364 = tpu.vector_load %arg13[%swap3A_362, %swap3A_363] {strides = array<i32>} : memref<32x512xf32, #tpu.memory_space<vmem>>, vector<1x16xf32>,
            %swap3A_365 = vector.shape_cast %swap3A_364 : vector<1x16xf32> to vector<16xf32>
            %swap3A_366 = vector.shape_cast %broadcast_in_dim3A_1 : vector<16xf32> to vector<1x16xf32>
            tpu.vector_store %arg13[%swap3A_362, %swap3A_363], %swap3A_366 {strides = array<i32>} : memref<32x512xf32, #tpu.memory_space<vmem>>, vector<1x16xf32>,
            %swap3A_367 = arith.index_cast %while3A_257 : i32 to index
            %swap3A_368 = arith.constant 352 : index
            %swap3A_369 = tpu.vector_load %arg13[%swap3A_367, %swap3A_368] {strides = array<i32>} : memref<32x512xf32, #tpu.memory_space<vmem>>, vector<1x16xf32>,
            %swap3A_370 = vector.shape_cast %swap3A_369 : vector<1x16xf32> to vector<16xf32>
            %swap3A_371 = vector.shape_cast %broadcast_in_dim3A_1 : vector<16xf32> to vector<1x16xf32>
            tpu.vector_store %arg13[%swap3A_367, %swap3A_368], %swap3A_371 {strides = array<i32>} : memref<32x512xf32, #tpu.memory_space<vmem>>, vector<1x16xf32>,
            %swap3A_372 = arith.index_cast %while3A_257 : i32 to index
            %swap3A_373 = arith.constant 368 : index
            %swap3A_374 = tpu.vector_load %arg13[%swap3A_372, %swap3A_373] {strides = array<i32>} : memref<32x512xf32, #tpu.memory_space<vmem>>, vector<1x16xf32>,
            %swap3A_375 = vector.shape_cast %swap3A_374 : vector<1x16xf32> to vector<16xf32>
            %swap3A_376 = vector.shape_cast %broadcast_in_dim3A_1 : vector<16xf32> to vector<1x16xf32>
            tpu.vector_store %arg13[%swap3A_372, %swap3A_373], %swap3A_376 {strides = array<i32>} : memref<32x512xf32, #tpu.memory_space<vmem>>, vector<1x16xf32>,
            %swap3A_377 = arith.index_cast %while3A_257 : i32 to index
            %swap3A_378 = arith.constant 384 : index
            %swap3A_379 = tpu.vector_load %arg13[%swap3A_377, %swap3A_378] {strides = array<i32>} : memref<32x512xf32, #tpu.memory_space<vmem>>, vector<1x16xf32>,
            %swap3A_380 = vector.shape_cast %swap3A_379 : vector<1x16xf32> to vector<16xf32>
            %swap3A_381 = vector.shape_cast %broadcast_in_dim3A_1 : vector<16xf32> to vector<1x16xf32>
            tpu.vector_store %arg13[%swap3A_377, %swap3A_378], %swap3A_381 {strides = array<i32>} : memref<32x512xf32, #tpu.memory_space<vmem>>, vector<1x16xf32>,
            %swap3A_382 = arith.index_cast %while3A_257 : i32 to index
            %swap3A_383 = arith.constant 400 : index
            %swap3A_384 = tpu.vector_load %arg13[%swap3A_382, %swap3A_383] {strides = array<i32>} : memref<32x512xf32, #tpu.memory_space<vmem>>, vector<1x16xf32>,
            %swap3A_385 = vector.shape_cast %swap3A_384 : vector<1x16xf32> to vector<16xf32>
            %swap3A_386 = vector.shape_cast %broadcast_in_dim3A_1 : vector<16xf32> to vector<1x16xf32>
            tpu.vector_store %arg13[%swap3A_382, %swap3A_383], %swap3A_386 {strides = array<i32>} : memref<32x512xf32, #tpu.memory_space<vmem>>, vector<1x16xf32>,
            %swap3A_387 = arith.index_cast %while3A_257 : i32 to index
            %swap3A_388 = arith.constant 416 : index
            %swap3A_389 = tpu.vector_load %arg13[%swap3A_387, %swap3A_388] {strides = array<i32>} : memref<32x512xf32, #tpu.memory_space<vmem>>, vector<1x16xf32>,
            %swap3A_390 = vector.shape_cast %swap3A_389 : vector<1x16xf32> to vector<16xf32>
            %swap3A_391 = vector.shape_cast %broadcast_in_dim3A_1 : vector<16xf32> to vector<1x16xf32>
            tpu.vector_store %arg13[%swap3A_387, %swap3A_388], %swap3A_391 {strides = array<i32>} : memref<32x512xf32, #tpu.memory_space<vmem>>, vector<1x16xf32>,
            %swap3A_392 = arith.index_cast %while3A_257 : i32 to index
            %swap3A_393 = arith.constant 432 : index
            %swap3A_394 = tpu.vector_load %arg13[%swap3A_392, %swap3A_393] {strides = array<i32>} : memref<32x512xf32, #tpu.memory_space<vmem>>, vector<1x16xf32>,
            %swap3A_395 = vector.shape_cast %swap3A_394 : vector<1x16xf32> to vector<16xf32>
            %swap3A_396 = vector.shape_cast %broadcast_in_dim3A_1 : vector<16xf32> to vector<1x16xf32>
            tpu.vector_store %arg13[%swap3A_392, %swap3A_393], %swap3A_396 {strides = array<i32>} : memref<32x512xf32, #tpu.memory_space<vmem>>, vector<1x16xf32>,
            %swap3A_397 = arith.index_cast %while3A_257 : i32 to index
            %swap3A_398 = arith.constant 448 : index
            %swap3A_399 = tpu.vector_load %arg13[%swap3A_397, %swap3A_398] {strides = array<i32>} : memref<32x512xf32, #tpu.memory_space<vmem>>, vector<1x16xf32>,
            %swap3A_400 = vector.shape_cast %swap3A_399 : vector<1x16xf32> to vector<16xf32>
            %swap3A_401 = vector.shape_cast %broadcast_in_dim3A_1 : vector<16xf32> to vector<1x16xf32>
            tpu.vector_store %arg13[%swap3A_397, %swap3A_398], %swap3A_401 {strides = array<i32>} : memref<32x512xf32, #tpu.memory_space<vmem>>, vector<1x16xf32>,
            %swap3A_402 = arith.index_cast %while3A_257 : i32 to index
            %swap3A_403 = arith.constant 464 : index
            %swap3A_404 = tpu.vector_load %arg13[%swap3A_402, %swap3A_403] {strides = array<i32>} : memref<32x512xf32, #tpu.memory_space<vmem>>, vector<1x16xf32>,
            %swap3A_405 = vector.shape_cast %swap3A_404 : vector<1x16xf32> to vector<16xf32>
            %swap3A_406 = vector.shape_cast %broadcast_in_dim3A_1 : vector<16xf32> to vector<1x16xf32>
            tpu.vector_store %arg13[%swap3A_402, %swap3A_403], %swap3A_406 {strides = array<i32>} : memref<32x512xf32, #tpu.memory_space<vmem>>, vector<1x16xf32>,
            %swap3A_407 = arith.index_cast %while3A_257 : i32 to index
            %swap3A_408 = arith.constant 480 : index
            %swap3A_409 = tpu.vector_load %arg13[%swap3A_407, %swap3A_408] {strides = array<i32>} : memref<32x512xf32, #tpu.memory_space<vmem>>, vector<1x16xf32>,
            %swap3A_410 = vector.shape_cast %swap3A_409 : vector<1x16xf32> to vector<16xf32>
            %swap3A_411 = vector.shape_cast %broadcast_in_dim3A_1 : vector<16xf32> to vector<1x16xf32>
            tpu.vector_store %arg13[%swap3A_407, %swap3A_408], %swap3A_411 {strides = array<i32>} : memref<32x512xf32, #tpu.memory_space<vmem>>, vector<1x16xf32>,
            %swap3A_412 = arith.index_cast %while3A_257 : i32 to index
            %swap3A_413 = arith.constant 496 : index
            %swap3A_414 = tpu.vector_load %arg13[%swap3A_412, %swap3A_413] {strides = array<i32>} : memref<32x512xf32, #tpu.memory_space<vmem>>, vector<1x16xf32>,
            %swap3A_415 = vector.shape_cast %swap3A_414 : vector<1x16xf32> to vector<16xf32>
            %swap3A_416 = vector.shape_cast %broadcast_in_dim3A_1 : vector<16xf32> to vector<1x16xf32>
            tpu.vector_store %arg13[%swap3A_412, %swap3A_413], %swap3A_416 {strides = array<i32>} : memref<32x512xf32, #tpu.memory_space<vmem>>, vector<1x16xf32>,
          }
        } else {
        }
        %dma_start3A = arith.constant 0 : i32
        %dma_start3A_244 = tpu.memref_slice %arg4[%add3A_140, %dma_start3A] : memref<65536x512xf32, #tpu.memory_space<hbm>> -> memref<32x512xf32, #tpu.memory_space<hbm>>
        %dma_start3A_245 = arith.constant 0 : i32
        %dma_start3A_246 = tpu.memref_slice %arg4[%add3A_140, %dma_start3A_245] : memref<65536x512xf32, #tpu.memory_space<hbm>> -> memref<32x512xf32, #tpu.memory_space<hbm>>
        tpu.enqueue_dma source(%arg13 : memref<32x512xf32, #tpu.memory_space<vmem>>) target(%dma_start3A_246 : memref<32x512xf32, #tpu.memory_space<hbm>>) target_semaphore(%arg21 : memref<!tpu.dma_semaphore, #tpu.memory_space<semaphore_mem>>)
      } else {
      }
      %gt3A_227 = arith.constant 0 : i32
      %gt3A_228 = arith.cmpi sgt, %min3A_150, %gt3A_227 : i32
      %or3A_229 = arith.ori %scan3A_46, %gt3A_228 : i1
      %gt3A_230 = arith.constant 0 : i32
      %gt3A_231 = arith.cmpi sgt, %min3A_187, %gt3A_230 : i32
      %convert_element_type3A_232 = arith.extui %gt3A_231 : i1 to i32
      %cond3A_233 = arith.constant 0 : i32
      %cond3A_234 = arith.cmpi ne, %convert_element_type3A_232, %cond3A_233 : i32
      scf.if %cond3A_234 {
        %dma_wait3A = arith.constant 0 : i32
        %dma_wait3A_238 = arith.constant 0 : i32
        %dma_wait3A_239 = tpu.memref_slice %arg2[%dma_wait3A, %dma_wait3A_238] : memref<32768x512xf32, #tpu.memory_space<hbm>> -> memref<32768x512xf32, #tpu.memory_space<hbm>>
        tpu.wait_indirect_dma semaphore(%arg18 : memref<!tpu.dma_semaphore, #tpu.memory_space<semaphore_mem>>) src(%dma_wait3A_239 : memref<32768x512xf32, #tpu.memory_space<hbm>>) dst(%arg14 : memref<32x512xf32, #tpu.memory_space<vmem>>)
        %lt3A = arith.constant 32 : i32
        %lt3A_240 = arith.cmpi slt, %min3A_187, %lt3A : i32
        %convert_element_type3A_241 = arith.extui %lt3A_240 : i1 to i32
        %cond3A_242 = arith.constant 0 : i32
        %cond3A_243 = arith.cmpi ne, %convert_element_type3A_241, %cond3A_242 : i32
        scf.if %cond3A_243 {
          %while3A_247 = arith.constant 0 : i32
          %while3A_248 = arith.constant 32 : i32
          %while3A_249 = arith.subi %while3A_248, %min3A_187 : i32
          %while3A_250 = arith.addi %min3A_187, %while3A_249 : i32
          %while3A_251 = arith.constant 1 : i32
          %while3A_252 = arith.divsi %while3A_249, %while3A_251 : i32
          %while3A_253 = arith.muli %while3A_252, %while3A_251 : i32
          %while3A_254 = arith.addi %min3A_187, %while3A_253 : i32
          %while3A_255 = arith.constant 1 : i32
          scf.for %while3A_257 = %min3A_187 to %while3A_254 step %while3A_255  : i32 {
            %swap3A = arith.index_cast %while3A_257 : i32 to index
            %swap3A_258 = arith.constant 0 : index
            %swap3A_259 = tpu.vector_load %arg14[%swap3A, %swap3A_258] {strides = array<i32>} : memref<32x512xf32, #tpu.memory_space<vmem>>, vector<1x16xf32>,
            %swap3A_260 = vector.shape_cast %swap3A_259 : vector<1x16xf32> to vector<16xf32>
            %swap3A_261 = vector.shape_cast %broadcast_in_dim3A_1 : vector<16xf32> to vector<1x16xf32>
            tpu.vector_store %arg14[%swap3A, %swap3A_258], %swap3A_261 {strides = array<i32>} : memref<32x512xf32, #tpu.memory_space<vmem>>, vector<1x16xf32>,
            %swap3A_262 = arith.index_cast %while3A_257 : i32 to index
            %swap3A_263 = arith.constant 16 : index
            %swap3A_264 = tpu.vector_load %arg14[%swap3A_262, %swap3A_263] {strides = array<i32>} : memref<32x512xf32, #tpu.memory_space<vmem>>, vector<1x16xf32>,
            %swap3A_265 = vector.shape_cast %swap3A_264 : vector<1x16xf32> to vector<16xf32>
            %swap3A_266 = vector.shape_cast %broadcast_in_dim3A_1 : vector<16xf32> to vector<1x16xf32>
            tpu.vector_store %arg14[%swap3A_262, %swap3A_263], %swap3A_266 {strides = array<i32>} : memref<32x512xf32, #tpu.memory_space<vmem>>, vector<1x16xf32>,
            %swap3A_267 = arith.index_cast %while3A_257 : i32 to index
            %swap3A_268 = arith.constant 32 : index
            %swap3A_269 = tpu.vector_load %arg14[%swap3A_267, %swap3A_268] {strides = array<i32>} : memref<32x512xf32, #tpu.memory_space<vmem>>, vector<1x16xf32>,
            %swap3A_270 = vector.shape_cast %swap3A_269 : vector<1x16xf32> to vector<16xf32>
            %swap3A_271 = vector.shape_cast %broadcast_in_dim3A_1 : vector<16xf32> to vector<1x16xf32>
            tpu.vector_store %arg14[%swap3A_267, %swap3A_268], %swap3A_271 {strides = array<i32>} : memref<32x512xf32, #tpu.memory_space<vmem>>, vector<1x16xf32>,
            %swap3A_272 = arith.index_cast %while3A_257 : i32 to index
            %swap3A_273 = arith.constant 48 : index
            %swap3A_274 = tpu.vector_load %arg14[%swap3A_272, %swap3A_273] {strides = array<i32>} : memref<32x512xf32, #tpu.memory_space<vmem>>, vector<1x16xf32>,
            %swap3A_275 = vector.shape_cast %swap3A_274 : vector<1x16xf32> to vector<16xf32>
            %swap3A_276 = vector.shape_cast %broadcast_in_dim3A_1 : vector<16xf32> to vector<1x16xf32>
            tpu.vector_store %arg14[%swap3A_272, %swap3A_273], %swap3A_276 {strides = array<i32>} : memref<32x512xf32, #tpu.memory_space<vmem>>, vector<1x16xf32>,
            %swap3A_277 = arith.index_cast %while3A_257 : i32 to index
            %swap3A_278 = arith.constant 64 : index
            %swap3A_279 = tpu.vector_load %arg14[%swap3A_277, %swap3A_278] {strides = array<i32>} : memref<32x512xf32, #tpu.memory_space<vmem>>, vector<1x16xf32>,
            %swap3A_280 = vector.shape_cast %swap3A_279 : vector<1x16xf32> to vector<16xf32>
            %swap3A_281 = vector.shape_cast %broadcast_in_dim3A_1 : vector<16xf32> to vector<1x16xf32>
            tpu.vector_store %arg14[%swap3A_277, %swap3A_278], %swap3A_281 {strides = array<i32>} : memref<32x512xf32, #tpu.memory_space<vmem>>, vector<1x16xf32>,
            %swap3A_282 = arith.index_cast %while3A_257 : i32 to index
            %swap3A_283 = arith.constant 80 : index
            %swap3A_284 = tpu.vector_load %arg14[%swap3A_282, %swap3A_283] {strides = array<i32>} : memref<32x512xf32, #tpu.memory_space<vmem>>, vector<1x16xf32>,
            %swap3A_285 = vector.shape_cast %swap3A_284 : vector<1x16xf32> to vector<16xf32>
            %swap3A_286 = vector.shape_cast %broadcast_in_dim3A_1 : vector<16xf32> to vector<1x16xf32>
            tpu.vector_store %arg14[%swap3A_282, %swap3A_283], %swap3A_286 {strides = array<i32>} : memref<32x512xf32, #tpu.memory_space<vmem>>, vector<1x16xf32>,
            %swap3A_287 = arith.index_cast %while3A_257 : i32 to index
            %swap3A_288 = arith.constant 96 : index
            %swap3A_289 = tpu.vector_load %arg14[%swap3A_287, %swap3A_288] {strides = array<i32>} : memref<32x512xf32, #tpu.memory_space<vmem>>, vector<1x16xf32>,
            %swap3A_290 = vector.shape_cast %swap3A_289 : vector<1x16xf32> to vector<16xf32>
            %swap3A_291 = vector.shape_cast %broadcast_in_dim3A_1 : vector<16xf32> to vector<1x16xf32>
            tpu.vector_store %arg14[%swap3A_287, %swap3A_288], %swap3A_291 {strides = array<i32>} : memref<32x512xf32, #tpu.memory_space<vmem>>, vector<1x16xf32>,
            %swap3A_292 = arith.index_cast %while3A_257 : i32 to index
            %swap3A_293 = arith.constant 112 : index
            %swap3A_294 = tpu.vector_load %arg14[%swap3A_292, %swap3A_293] {strides = array<i32>} : memref<32x512xf32, #tpu.memory_space<vmem>>, vector<1x16xf32>,
            %swap3A_295 = vector.shape_cast %swap3A_294 : vector<1x16xf32> to vector<16xf32>
            %swap3A_296 = vector.shape_cast %broadcast_in_dim3A_1 : vector<16xf32> to vector<1x16xf32>
            tpu.vector_store %arg14[%swap3A_292, %swap3A_293], %swap3A_296 {strides = array<i32>} : memref<32x512xf32, #tpu.memory_space<vmem>>, vector<1x16xf32>,
            %swap3A_297 = arith.index_cast %while3A_257 : i32 to index
            %swap3A_298 = arith.constant 128 : index
            %swap3A_299 = tpu.vector_load %arg14[%swap3A_297, %swap3A_298] {strides = array<i32>} : memref<32x512xf32, #tpu.memory_space<vmem>>, vector<1x16xf32>,
            %swap3A_300 = vector.shape_cast %swap3A_299 : vector<1x16xf32> to vector<16xf32>
            %swap3A_301 = vector.shape_cast %broadcast_in_dim3A_1 : vector<16xf32> to vector<1x16xf32>
            tpu.vector_store %arg14[%swap3A_297, %swap3A_298], %swap3A_301 {strides = array<i32>} : memref<32x512xf32, #tpu.memory_space<vmem>>, vector<1x16xf32>,
            %swap3A_302 = arith.index_cast %while3A_257 : i32 to index
            %swap3A_303 = arith.constant 144 : index
            %swap3A_304 = tpu.vector_load %arg14[%swap3A_302, %swap3A_303] {strides = array<i32>} : memref<32x512xf32, #tpu.memory_space<vmem>>, vector<1x16xf32>,
            %swap3A_305 = vector.shape_cast %swap3A_304 : vector<1x16xf32> to vector<16xf32>
            %swap3A_306 = vector.shape_cast %broadcast_in_dim3A_1 : vector<16xf32> to vector<1x16xf32>
            tpu.vector_store %arg14[%swap3A_302, %swap3A_303], %swap3A_306 {strides = array<i32>} : memref<32x512xf32, #tpu.memory_space<vmem>>, vector<1x16xf32>,
            %swap3A_307 = arith.index_cast %while3A_257 : i32 to index
            %swap3A_308 = arith.constant 160 : index
            %swap3A_309 = tpu.vector_load %arg14[%swap3A_307, %swap3A_308] {strides = array<i32>} : memref<32x512xf32, #tpu.memory_space<vmem>>, vector<1x16xf32>,
            %swap3A_310 = vector.shape_cast %swap3A_309 : vector<1x16xf32> to vector<16xf32>
            %swap3A_311 = vector.shape_cast %broadcast_in_dim3A_1 : vector<16xf32> to vector<1x16xf32>
            tpu.vector_store %arg14[%swap3A_307, %swap3A_308], %swap3A_311 {strides = array<i32>} : memref<32x512xf32, #tpu.memory_space<vmem>>, vector<1x16xf32>,
            %swap3A_312 = arith.index_cast %while3A_257 : i32 to index
            %swap3A_313 = arith.constant 176 : index
            %swap3A_314 = tpu.vector_load %arg14[%swap3A_312, %swap3A_313] {strides = array<i32>} : memref<32x512xf32, #tpu.memory_space<vmem>>, vector<1x16xf32>,
            %swap3A_315 = vector.shape_cast %swap3A_314 : vector<1x16xf32> to vector<16xf32>
            %swap3A_316 = vector.shape_cast %broadcast_in_dim3A_1 : vector<16xf32> to vector<1x16xf32>
            tpu.vector_store %arg14[%swap3A_312, %swap3A_313], %swap3A_316 {strides = array<i32>} : memref<32x512xf32, #tpu.memory_space<vmem>>, vector<1x16xf32>,
            %swap3A_317 = arith.index_cast %while3A_257 : i32 to index
            %swap3A_318 = arith.constant 192 : index
            %swap3A_319 = tpu.vector_load %arg14[%swap3A_317, %swap3A_318] {strides = array<i32>} : memref<32x512xf32, #tpu.memory_space<vmem>>, vector<1x16xf32>,
            %swap3A_320 = vector.shape_cast %swap3A_319 : vector<1x16xf32> to vector<16xf32>
            %swap3A_321 = vector.shape_cast %broadcast_in_dim3A_1 : vector<16xf32> to vector<1x16xf32>
            tpu.vector_store %arg14[%swap3A_317, %swap3A_318], %swap3A_321 {strides = array<i32>} : memref<32x512xf32, #tpu.memory_space<vmem>>, vector<1x16xf32>,
            %swap3A_322 = arith.index_cast %while3A_257 : i32 to index
            %swap3A_323 = arith.constant 208 : index
            %swap3A_324 = tpu.vector_load %arg14[%swap3A_322, %swap3A_323] {strides = array<i32>} : memref<32x512xf32, #tpu.memory_space<vmem>>, vector<1x16xf32>,
            %swap3A_325 = vector.shape_cast %swap3A_324 : vector<1x16xf32> to vector<16xf32>
            %swap3A_326 = vector.shape_cast %broadcast_in_dim3A_1 : vector<16xf32> to vector<1x16xf32>
            tpu.vector_store %arg14[%swap3A_322, %swap3A_323], %swap3A_326 {strides = array<i32>} : memref<32x512xf32, #tpu.memory_space<vmem>>, vector<1x16xf32>,
            %swap3A_327 = arith.index_cast %while3A_257 : i32 to index
            %swap3A_328 = arith.constant 224 : index
            %swap3A_329 = tpu.vector_load %arg14[%swap3A_327, %swap3A_328] {strides = array<i32>} : memref<32x512xf32, #tpu.memory_space<vmem>>, vector<1x16xf32>,
            %swap3A_330 = vector.shape_cast %swap3A_329 : vector<1x16xf32> to vector<16xf32>
            %swap3A_331 = vector.shape_cast %broadcast_in_dim3A_1 : vector<16xf32> to vector<1x16xf32>
            tpu.vector_store %arg14[%swap3A_327, %swap3A_328], %swap3A_331 {strides = array<i32>} : memref<32x512xf32, #tpu.memory_space<vmem>>, vector<1x16xf32>,
            %swap3A_332 = arith.index_cast %while3A_257 : i32 to index
            %swap3A_333 = arith.constant 240 : index
            %swap3A_334 = tpu.vector_load %arg14[%swap3A_332, %swap3A_333] {strides = array<i32>} : memref<32x512xf32, #tpu.memory_space<vmem>>, vector<1x16xf32>,
            %swap3A_335 = vector.shape_cast %swap3A_334 : vector<1x16xf32> to vector<16xf32>
            %swap3A_336 = vector.shape_cast %broadcast_in_dim3A_1 : vector<16xf32> to vector<1x16xf32>
            tpu.vector_store %arg14[%swap3A_332, %swap3A_333], %swap3A_336 {strides = array<i32>} : memref<32x512xf32, #tpu.memory_space<vmem>>, vector<1x16xf32>,
            %swap3A_337 = arith.index_cast %while3A_257 : i32 to index
            %swap3A_338 = arith.constant 256 : index
            %swap3A_339 = tpu.vector_load %arg14[%swap3A_337, %swap3A_338] {strides = array<i32>} : memref<32x512xf32, #tpu.memory_space<vmem>>, vector<1x16xf32>,
            %swap3A_340 = vector.shape_cast %swap3A_339 : vector<1x16xf32> to vector<16xf32>
            %swap3A_341 = vector.shape_cast %broadcast_in_dim3A_1 : vector<16xf32> to vector<1x16xf32>
            tpu.vector_store %arg14[%swap3A_337, %swap3A_338], %swap3A_341 {strides = array<i32>} : memref<32x512xf32, #tpu.memory_space<vmem>>, vector<1x16xf32>,
            %swap3A_342 = arith.index_cast %while3A_257 : i32 to index
            %swap3A_343 = arith.constant 272 : index
            %swap3A_344 = tpu.vector_load %arg14[%swap3A_342, %swap3A_343] {strides = array<i32>} : memref<32x512xf32, #tpu.memory_space<vmem>>, vector<1x16xf32>,
            %swap3A_345 = vector.shape_cast %swap3A_344 : vector<1x16xf32> to vector<16xf32>
            %swap3A_346 = vector.shape_cast %broadcast_in_dim3A_1 : vector<16xf32> to vector<1x16xf32>
            tpu.vector_store %arg14[%swap3A_342, %swap3A_343], %swap3A_346 {strides = array<i32>} : memref<32x512xf32, #tpu.memory_space<vmem>>, vector<1x16xf32>,
            %swap3A_347 = arith.index_cast %while3A_257 : i32 to index
            %swap3A_348 = arith.constant 288 : index
            %swap3A_349 = tpu.vector_load %arg14[%swap3A_347, %swap3A_348] {strides = array<i32>} : memref<32x512xf32, #tpu.memory_space<vmem>>, vector<1x16xf32>,
            %swap3A_350 = vector.shape_cast %swap3A_349 : vector<1x16xf32> to vector<16xf32>
            %swap3A_351 = vector.shape_cast %broadcast_in_dim3A_1 : vector<16xf32> to vector<1x16xf32>
            tpu.vector_store %arg14[%swap3A_347, %swap3A_348], %swap3A_351 {strides = array<i32>} : memref<32x512xf32, #tpu.memory_space<vmem>>, vector<1x16xf32>,
            %swap3A_352 = arith.index_cast %while3A_257 : i32 to index
            %swap3A_353 = arith.constant 304 : index
            %swap3A_354 = tpu.vector_load %arg14[%swap3A_352, %swap3A_353] {strides = array<i32>} : memref<32x512xf32, #tpu.memory_space<vmem>>, vector<1x16xf32>,
            %swap3A_355 = vector.shape_cast %swap3A_354 : vector<1x16xf32> to vector<16xf32>
            %swap3A_356 = vector.shape_cast %broadcast_in_dim3A_1 : vector<16xf32> to vector<1x16xf32>
            tpu.vector_store %arg14[%swap3A_352, %swap3A_353], %swap3A_356 {strides = array<i32>} : memref<32x512xf32, #tpu.memory_space<vmem>>, vector<1x16xf32>,
            %swap3A_357 = arith.index_cast %while3A_257 : i32 to index
            %swap3A_358 = arith.constant 320 : index
            %swap3A_359 = tpu.vector_load %arg14[%swap3A_357, %swap3A_358] {strides = array<i32>} : memref<32x512xf32, #tpu.memory_space<vmem>>, vector<1x16xf32>,
            %swap3A_360 = vector.shape_cast %swap3A_359 : vector<1x16xf32> to vector<16xf32>
            %swap3A_361 = vector.shape_cast %broadcast_in_dim3A_1 : vector<16xf32> to vector<1x16xf32>
            tpu.vector_store %arg14[%swap3A_357, %swap3A_358], %swap3A_361 {strides = array<i32>} : memref<32x512xf32, #tpu.memory_space<vmem>>, vector<1x16xf32>,
            %swap3A_362 = arith.index_cast %while3A_257 : i32 to index
            %swap3A_363 = arith.constant 336 : index
            %swap3A_364 = tpu.vector_load %arg14[%swap3A_362, %swap3A_363] {strides = array<i32>} : memref<32x512xf32, #tpu.memory_space<vmem>>, vector<1x16xf32>,
            %swap3A_365 = vector.shape_cast %swap3A_364 : vector<1x16xf32> to vector<16xf32>
            %swap3A_366 = vector.shape_cast %broadcast_in_dim3A_1 : vector<16xf32> to vector<1x16xf32>
            tpu.vector_store %arg14[%swap3A_362, %swap3A_363], %swap3A_366 {strides = array<i32>} : memref<32x512xf32, #tpu.memory_space<vmem>>, vector<1x16xf32>,
            %swap3A_367 = arith.index_cast %while3A_257 : i32 to index
            %swap3A_368 = arith.constant 352 : index
            %swap3A_369 = tpu.vector_load %arg14[%swap3A_367, %swap3A_368] {strides = array<i32>} : memref<32x512xf32, #tpu.memory_space<vmem>>, vector<1x16xf32>,
            %swap3A_370 = vector.shape_cast %swap3A_369 : vector<1x16xf32> to vector<16xf32>
            %swap3A_371 = vector.shape_cast %broadcast_in_dim3A_1 : vector<16xf32> to vector<1x16xf32>
            tpu.vector_store %arg14[%swap3A_367, %swap3A_368], %swap3A_371 {strides = array<i32>} : memref<32x512xf32, #tpu.memory_space<vmem>>, vector<1x16xf32>,
            %swap3A_372 = arith.index_cast %while3A_257 : i32 to index
            %swap3A_373 = arith.constant 368 : index
            %swap3A_374 = tpu.vector_load %arg14[%swap3A_372, %swap3A_373] {strides = array<i32>} : memref<32x512xf32, #tpu.memory_space<vmem>>, vector<1x16xf32>,
            %swap3A_375 = vector.shape_cast %swap3A_374 : vector<1x16xf32> to vector<16xf32>
            %swap3A_376 = vector.shape_cast %broadcast_in_dim3A_1 : vector<16xf32> to vector<1x16xf32>
            tpu.vector_store %arg14[%swap3A_372, %swap3A_373], %swap3A_376 {strides = array<i32>} : memref<32x512xf32, #tpu.memory_space<vmem>>, vector<1x16xf32>,
            %swap3A_377 = arith.index_cast %while3A_257 : i32 to index
            %swap3A_378 = arith.constant 384 : index
            %swap3A_379 = tpu.vector_load %arg14[%swap3A_377, %swap3A_378] {strides = array<i32>} : memref<32x512xf32, #tpu.memory_space<vmem>>, vector<1x16xf32>,
            %swap3A_380 = vector.shape_cast %swap3A_379 : vector<1x16xf32> to vector<16xf32>
            %swap3A_381 = vector.shape_cast %broadcast_in_dim3A_1 : vector<16xf32> to vector<1x16xf32>
            tpu.vector_store %arg14[%swap3A_377, %swap3A_378], %swap3A_381 {strides = array<i32>} : memref<32x512xf32, #tpu.memory_space<vmem>>, vector<1x16xf32>,
            %swap3A_382 = arith.index_cast %while3A_257 : i32 to index
            %swap3A_383 = arith.constant 400 : index
            %swap3A_384 = tpu.vector_load %arg14[%swap3A_382, %swap3A_383] {strides = array<i32>} : memref<32x512xf32, #tpu.memory_space<vmem>>, vector<1x16xf32>,
            %swap3A_385 = vector.shape_cast %swap3A_384 : vector<1x16xf32> to vector<16xf32>
            %swap3A_386 = vector.shape_cast %broadcast_in_dim3A_1 : vector<16xf32> to vector<1x16xf32>
            tpu.vector_store %arg14[%swap3A_382, %swap3A_383], %swap3A_386 {strides = array<i32>} : memref<32x512xf32, #tpu.memory_space<vmem>>, vector<1x16xf32>,
            %swap3A_387 = arith.index_cast %while3A_257 : i32 to index
            %swap3A_388 = arith.constant 416 : index
            %swap3A_389 = tpu.vector_load %arg14[%swap3A_387, %swap3A_388] {strides = array<i32>} : memref<32x512xf32, #tpu.memory_space<vmem>>, vector<1x16xf32>,
            %swap3A_390 = vector.shape_cast %swap3A_389 : vector<1x16xf32> to vector<16xf32>
            %swap3A_391 = vector.shape_cast %broadcast_in_dim3A_1 : vector<16xf32> to vector<1x16xf32>
            tpu.vector_store %arg14[%swap3A_387, %swap3A_388], %swap3A_391 {strides = array<i32>} : memref<32x512xf32, #tpu.memory_space<vmem>>, vector<1x16xf32>,
            %swap3A_392 = arith.index_cast %while3A_257 : i32 to index
            %swap3A_393 = arith.constant 432 : index
            %swap3A_394 = tpu.vector_load %arg14[%swap3A_392, %swap3A_393] {strides = array<i32>} : memref<32x512xf32, #tpu.memory_space<vmem>>, vector<1x16xf32>,
            %swap3A_395 = vector.shape_cast %swap3A_394 : vector<1x16xf32> to vector<16xf32>
            %swap3A_396 = vector.shape_cast %broadcast_in_dim3A_1 : vector<16xf32> to vector<1x16xf32>
            tpu.vector_store %arg14[%swap3A_392, %swap3A_393], %swap3A_396 {strides = array<i32>} : memref<32x512xf32, #tpu.memory_space<vmem>>, vector<1x16xf32>,
            %swap3A_397 = arith.index_cast %while3A_257 : i32 to index
            %swap3A_398 = arith.constant 448 : index
            %swap3A_399 = tpu.vector_load %arg14[%swap3A_397, %swap3A_398] {strides = array<i32>} : memref<32x512xf32, #tpu.memory_space<vmem>>, vector<1x16xf32>,
            %swap3A_400 = vector.shape_cast %swap3A_399 : vector<1x16xf32> to vector<16xf32>
            %swap3A_401 = vector.shape_cast %broadcast_in_dim3A_1 : vector<16xf32> to vector<1x16xf32>
            tpu.vector_store %arg14[%swap3A_397, %swap3A_398], %swap3A_401 {strides = array<i32>} : memref<32x512xf32, #tpu.memory_space<vmem>>, vector<1x16xf32>,
            %swap3A_402 = arith.index_cast %while3A_257 : i32 to index
            %swap3A_403 = arith.constant 464 : index
            %swap3A_404 = tpu.vector_load %arg14[%swap3A_402, %swap3A_403] {strides = array<i32>} : memref<32x512xf32, #tpu.memory_space<vmem>>, vector<1x16xf32>,
            %swap3A_405 = vector.shape_cast %swap3A_404 : vector<1x16xf32> to vector<16xf32>
            %swap3A_406 = vector.shape_cast %broadcast_in_dim3A_1 : vector<16xf32> to vector<1x16xf32>
            tpu.vector_store %arg14[%swap3A_402, %swap3A_403], %swap3A_406 {strides = array<i32>} : memref<32x512xf32, #tpu.memory_space<vmem>>, vector<1x16xf32>,
            %swap3A_407 = arith.index_cast %while3A_257 : i32 to index
            %swap3A_408 = arith.constant 480 : index
            %swap3A_409 = tpu.vector_load %arg14[%swap3A_407, %swap3A_408] {strides = array<i32>} : memref<32x512xf32, #tpu.memory_space<vmem>>, vector<1x16xf32>,
            %swap3A_410 = vector.shape_cast %swap3A_409 : vector<1x16xf32> to vector<16xf32>
            %swap3A_411 = vector.shape_cast %broadcast_in_dim3A_1 : vector<16xf32> to vector<1x16xf32>
            tpu.vector_store %arg14[%swap3A_407, %swap3A_408], %swap3A_411 {strides = array<i32>} : memref<32x512xf32, #tpu.memory_space<vmem>>, vector<1x16xf32>,
            %swap3A_412 = arith.index_cast %while3A_257 : i32 to index
            %swap3A_413 = arith.constant 496 : index
            %swap3A_414 = tpu.vector_load %arg14[%swap3A_412, %swap3A_413] {strides = array<i32>} : memref<32x512xf32, #tpu.memory_space<vmem>>, vector<1x16xf32>,
            %swap3A_415 = vector.shape_cast %swap3A_414 : vector<1x16xf32> to vector<16xf32>
            %swap3A_416 = vector.shape_cast %broadcast_in_dim3A_1 : vector<16xf32> to vector<1x16xf32>
            tpu.vector_store %arg14[%swap3A_412, %swap3A_413], %swap3A_416 {strides = array<i32>} : memref<32x512xf32, #tpu.memory_space<vmem>>, vector<1x16xf32>,
          }
          %while3A_256 = arith.constant 1 : i32
          scf.for %while3A_257 = %while3A_254 to %while3A_250 step %while3A_256  : i32 {
            %swap3A = arith.index_cast %while3A_257 : i32 to index
            %swap3A_258 = arith.constant 0 : index
            %swap3A_259 = tpu.vector_load %arg14[%swap3A, %swap3A_258] {strides = array<i32>} : memref<32x512xf32, #tpu.memory_space<vmem>>, vector<1x16xf32>,
            %swap3A_260 = vector.shape_cast %swap3A_259 : vector<1x16xf32> to vector<16xf32>
            %swap3A_261 = vector.shape_cast %broadcast_in_dim3A_1 : vector<16xf32> to vector<1x16xf32>
            tpu.vector_store %arg14[%swap3A, %swap3A_258], %swap3A_261 {strides = array<i32>} : memref<32x512xf32, #tpu.memory_space<vmem>>, vector<1x16xf32>,
            %swap3A_262 = arith.index_cast %while3A_257 : i32 to index
            %swap3A_263 = arith.constant 16 : index
            %swap3A_264 = tpu.vector_load %arg14[%swap3A_262, %swap3A_263] {strides = array<i32>} : memref<32x512xf32, #tpu.memory_space<vmem>>, vector<1x16xf32>,
            %swap3A_265 = vector.shape_cast %swap3A_264 : vector<1x16xf32> to vector<16xf32>
            %swap3A_266 = vector.shape_cast %broadcast_in_dim3A_1 : vector<16xf32> to vector<1x16xf32>
            tpu.vector_store %arg14[%swap3A_262, %swap3A_263], %swap3A_266 {strides = array<i32>} : memref<32x512xf32, #tpu.memory_space<vmem>>, vector<1x16xf32>,
            %swap3A_267 = arith.index_cast %while3A_257 : i32 to index
            %swap3A_268 = arith.constant 32 : index
            %swap3A_269 = tpu.vector_load %arg14[%swap3A_267, %swap3A_268] {strides = array<i32>} : memref<32x512xf32, #tpu.memory_space<vmem>>, vector<1x16xf32>,
            %swap3A_270 = vector.shape_cast %swap3A_269 : vector<1x16xf32> to vector<16xf32>
            %swap3A_271 = vector.shape_cast %broadcast_in_dim3A_1 : vector<16xf32> to vector<1x16xf32>
            tpu.vector_store %arg14[%swap3A_267, %swap3A_268], %swap3A_271 {strides = array<i32>} : memref<32x512xf32, #tpu.memory_space<vmem>>, vector<1x16xf32>,
            %swap3A_272 = arith.index_cast %while3A_257 : i32 to index
            %swap3A_273 = arith.constant 48 : index
            %swap3A_274 = tpu.vector_load %arg14[%swap3A_272, %swap3A_273] {strides = array<i32>} : memref<32x512xf32, #tpu.memory_space<vmem>>, vector<1x16xf32>,
            %swap3A_275 = vector.shape_cast %swap3A_274 : vector<1x16xf32> to vector<16xf32>
            %swap3A_276 = vector.shape_cast %broadcast_in_dim3A_1 : vector<16xf32> to vector<1x16xf32>
            tpu.vector_store %arg14[%swap3A_272, %swap3A_273], %swap3A_276 {strides = array<i32>} : memref<32x512xf32, #tpu.memory_space<vmem>>, vector<1x16xf32>,
            %swap3A_277 = arith.index_cast %while3A_257 : i32 to index
            %swap3A_278 = arith.constant 64 : index
            %swap3A_279 = tpu.vector_load %arg14[%swap3A_277, %swap3A_278] {strides = array<i32>} : memref<32x512xf32, #tpu.memory_space<vmem>>, vector<1x16xf32>,
            %swap3A_280 = vector.shape_cast %swap3A_279 : vector<1x16xf32> to vector<16xf32>
            %swap3A_281 = vector.shape_cast %broadcast_in_dim3A_1 : vector<16xf32> to vector<1x16xf32>
            tpu.vector_store %arg14[%swap3A_277, %swap3A_278], %swap3A_281 {strides = array<i32>} : memref<32x512xf32, #tpu.memory_space<vmem>>, vector<1x16xf32>,
            %swap3A_282 = arith.index_cast %while3A_257 : i32 to index
            %swap3A_283 = arith.constant 80 : index
            %swap3A_284 = tpu.vector_load %arg14[%swap3A_282, %swap3A_283] {strides = array<i32>} : memref<32x512xf32, #tpu.memory_space<vmem>>, vector<1x16xf32>,
            %swap3A_285 = vector.shape_cast %swap3A_284 : vector<1x16xf32> to vector<16xf32>
            %swap3A_286 = vector.shape_cast %broadcast_in_dim3A_1 : vector<16xf32> to vector<1x16xf32>
            tpu.vector_store %arg14[%swap3A_282, %swap3A_283], %swap3A_286 {strides = array<i32>} : memref<32x512xf32, #tpu.memory_space<vmem>>, vector<1x16xf32>,
            %swap3A_287 = arith.index_cast %while3A_257 : i32 to index
            %swap3A_288 = arith.constant 96 : index
            %swap3A_289 = tpu.vector_load %arg14[%swap3A_287, %swap3A_288] {strides = array<i32>} : memref<32x512xf32, #tpu.memory_space<vmem>>, vector<1x16xf32>,
            %swap3A_290 = vector.shape_cast %swap3A_289 : vector<1x16xf32> to vector<16xf32>
            %swap3A_291 = vector.shape_cast %broadcast_in_dim3A_1 : vector<16xf32> to vector<1x16xf32>
            tpu.vector_store %arg14[%swap3A_287, %swap3A_288], %swap3A_291 {strides = array<i32>} : memref<32x512xf32, #tpu.memory_space<vmem>>, vector<1x16xf32>,
            %swap3A_292 = arith.index_cast %while3A_257 : i32 to index
            %swap3A_293 = arith.constant 112 : index
            %swap3A_294 = tpu.vector_load %arg14[%swap3A_292, %swap3A_293] {strides = array<i32>} : memref<32x512xf32, #tpu.memory_space<vmem>>, vector<1x16xf32>,
            %swap3A_295 = vector.shape_cast %swap3A_294 : vector<1x16xf32> to vector<16xf32>
            %swap3A_296 = vector.shape_cast %broadcast_in_dim3A_1 : vector<16xf32> to vector<1x16xf32>
            tpu.vector_store %arg14[%swap3A_292, %swap3A_293], %swap3A_296 {strides = array<i32>} : memref<32x512xf32, #tpu.memory_space<vmem>>, vector<1x16xf32>,
            %swap3A_297 = arith.index_cast %while3A_257 : i32 to index
            %swap3A_298 = arith.constant 128 : index
            %swap3A_299 = tpu.vector_load %arg14[%swap3A_297, %swap3A_298] {strides = array<i32>} : memref<32x512xf32, #tpu.memory_space<vmem>>, vector<1x16xf32>,
            %swap3A_300 = vector.shape_cast %swap3A_299 : vector<1x16xf32> to vector<16xf32>
            %swap3A_301 = vector.shape_cast %broadcast_in_dim3A_1 : vector<16xf32> to vector<1x16xf32>
            tpu.vector_store %arg14[%swap3A_297, %swap3A_298], %swap3A_301 {strides = array<i32>} : memref<32x512xf32, #tpu.memory_space<vmem>>, vector<1x16xf32>,
            %swap3A_302 = arith.index_cast %while3A_257 : i32 to index
            %swap3A_303 = arith.constant 144 : index
            %swap3A_304 = tpu.vector_load %arg14[%swap3A_302, %swap3A_303] {strides = array<i32>} : memref<32x512xf32, #tpu.memory_space<vmem>>, vector<1x16xf32>,
            %swap3A_305 = vector.shape_cast %swap3A_304 : vector<1x16xf32> to vector<16xf32>
            %swap3A_306 = vector.shape_cast %broadcast_in_dim3A_1 : vector<16xf32> to vector<1x16xf32>
            tpu.vector_store %arg14[%swap3A_302, %swap3A_303], %swap3A_306 {strides = array<i32>} : memref<32x512xf32, #tpu.memory_space<vmem>>, vector<1x16xf32>,
            %swap3A_307 = arith.index_cast %while3A_257 : i32 to index
            %swap3A_308 = arith.constant 160 : index
            %swap3A_309 = tpu.vector_load %arg14[%swap3A_307, %swap3A_308] {strides = array<i32>} : memref<32x512xf32, #tpu.memory_space<vmem>>, vector<1x16xf32>,
            %swap3A_310 = vector.shape_cast %swap3A_309 : vector<1x16xf32> to vector<16xf32>
            %swap3A_311 = vector.shape_cast %broadcast_in_dim3A_1 : vector<16xf32> to vector<1x16xf32>
            tpu.vector_store %arg14[%swap3A_307, %swap3A_308], %swap3A_311 {strides = array<i32>} : memref<32x512xf32, #tpu.memory_space<vmem>>, vector<1x16xf32>,
            %swap3A_312 = arith.index_cast %while3A_257 : i32 to index
            %swap3A_313 = arith.constant 176 : index
            %swap3A_314 = tpu.vector_load %arg14[%swap3A_312, %swap3A_313] {strides = array<i32>} : memref<32x512xf32, #tpu.memory_space<vmem>>, vector<1x16xf32>,
            %swap3A_315 = vector.shape_cast %swap3A_314 : vector<1x16xf32> to vector<16xf32>
            %swap3A_316 = vector.shape_cast %broadcast_in_dim3A_1 : vector<16xf32> to vector<1x16xf32>
            tpu.vector_store %arg14[%swap3A_312, %swap3A_313], %swap3A_316 {strides = array<i32>} : memref<32x512xf32, #tpu.memory_space<vmem>>, vector<1x16xf32>,
            %swap3A_317 = arith.index_cast %while3A_257 : i32 to index
            %swap3A_318 = arith.constant 192 : index
            %swap3A_319 = tpu.vector_load %arg14[%swap3A_317, %swap3A_318] {strides = array<i32>} : memref<32x512xf32, #tpu.memory_space<vmem>>, vector<1x16xf32>,
            %swap3A_320 = vector.shape_cast %swap3A_319 : vector<1x16xf32> to vector<16xf32>
            %swap3A_321 = vector.shape_cast %broadcast_in_dim3A_1 : vector<16xf32> to vector<1x16xf32>
            tpu.vector_store %arg14[%swap3A_317, %swap3A_318], %swap3A_321 {strides = array<i32>} : memref<32x512xf32, #tpu.memory_space<vmem>>, vector<1x16xf32>,
            %swap3A_322 = arith.index_cast %while3A_257 : i32 to index
            %swap3A_323 = arith.constant 208 : index
            %swap3A_324 = tpu.vector_load %arg14[%swap3A_322, %swap3A_323] {strides = array<i32>} : memref<32x512xf32, #tpu.memory_space<vmem>>, vector<1x16xf32>,
            %swap3A_325 = vector.shape_cast %swap3A_324 : vector<1x16xf32> to vector<16xf32>
            %swap3A_326 = vector.shape_cast %broadcast_in_dim3A_1 : vector<16xf32> to vector<1x16xf32>
            tpu.vector_store %arg14[%swap3A_322, %swap3A_323], %swap3A_326 {strides = array<i32>} : memref<32x512xf32, #tpu.memory_space<vmem>>, vector<1x16xf32>,
            %swap3A_327 = arith.index_cast %while3A_257 : i32 to index
            %swap3A_328 = arith.constant 224 : index
            %swap3A_329 = tpu.vector_load %arg14[%swap3A_327, %swap3A_328] {strides = array<i32>} : memref<32x512xf32, #tpu.memory_space<vmem>>, vector<1x16xf32>,
            %swap3A_330 = vector.shape_cast %swap3A_329 : vector<1x16xf32> to vector<16xf32>
            %swap3A_331 = vector.shape_cast %broadcast_in_dim3A_1 : vector<16xf32> to vector<1x16xf32>
            tpu.vector_store %arg14[%swap3A_327, %swap3A_328], %swap3A_331 {strides = array<i32>} : memref<32x512xf32, #tpu.memory_space<vmem>>, vector<1x16xf32>,
            %swap3A_332 = arith.index_cast %while3A_257 : i32 to index
            %swap3A_333 = arith.constant 240 : index
            %swap3A_334 = tpu.vector_load %arg14[%swap3A_332, %swap3A_333] {strides = array<i32>} : memref<32x512xf32, #tpu.memory_space<vmem>>, vector<1x16xf32>,
            %swap3A_335 = vector.shape_cast %swap3A_334 : vector<1x16xf32> to vector<16xf32>
            %swap3A_336 = vector.shape_cast %broadcast_in_dim3A_1 : vector<16xf32> to vector<1x16xf32>
            tpu.vector_store %arg14[%swap3A_332, %swap3A_333], %swap3A_336 {strides = array<i32>} : memref<32x512xf32, #tpu.memory_space<vmem>>, vector<1x16xf32>,
            %swap3A_337 = arith.index_cast %while3A_257 : i32 to index
            %swap3A_338 = arith.constant 256 : index
            %swap3A_339 = tpu.vector_load %arg14[%swap3A_337, %swap3A_338] {strides = array<i32>} : memref<32x512xf32, #tpu.memory_space<vmem>>, vector<1x16xf32>,
            %swap3A_340 = vector.shape_cast %swap3A_339 : vector<1x16xf32> to vector<16xf32>
            %swap3A_341 = vector.shape_cast %broadcast_in_dim3A_1 : vector<16xf32> to vector<1x16xf32>
            tpu.vector_store %arg14[%swap3A_337, %swap3A_338], %swap3A_341 {strides = array<i32>} : memref<32x512xf32, #tpu.memory_space<vmem>>, vector<1x16xf32>,
            %swap3A_342 = arith.index_cast %while3A_257 : i32 to index
            %swap3A_343 = arith.constant 272 : index
            %swap3A_344 = tpu.vector_load %arg14[%swap3A_342, %swap3A_343] {strides = array<i32>} : memref<32x512xf32, #tpu.memory_space<vmem>>, vector<1x16xf32>,
            %swap3A_345 = vector.shape_cast %swap3A_344 : vector<1x16xf32> to vector<16xf32>
            %swap3A_346 = vector.shape_cast %broadcast_in_dim3A_1 : vector<16xf32> to vector<1x16xf32>
            tpu.vector_store %arg14[%swap3A_342, %swap3A_343], %swap3A_346 {strides = array<i32>} : memref<32x512xf32, #tpu.memory_space<vmem>>, vector<1x16xf32>,
            %swap3A_347 = arith.index_cast %while3A_257 : i32 to index
            %swap3A_348 = arith.constant 288 : index
            %swap3A_349 = tpu.vector_load %arg14[%swap3A_347, %swap3A_348] {strides = array<i32>} : memref<32x512xf32, #tpu.memory_space<vmem>>, vector<1x16xf32>,
            %swap3A_350 = vector.shape_cast %swap3A_349 : vector<1x16xf32> to vector<16xf32>
            %swap3A_351 = vector.shape_cast %broadcast_in_dim3A_1 : vector<16xf32> to vector<1x16xf32>
            tpu.vector_store %arg14[%swap3A_347, %swap3A_348], %swap3A_351 {strides = array<i32>} : memref<32x512xf32, #tpu.memory_space<vmem>>, vector<1x16xf32>,
            %swap3A_352 = arith.index_cast %while3A_257 : i32 to index
            %swap3A_353 = arith.constant 304 : index
            %swap3A_354 = tpu.vector_load %arg14[%swap3A_352, %swap3A_353] {strides = array<i32>} : memref<32x512xf32, #tpu.memory_space<vmem>>, vector<1x16xf32>,
            %swap3A_355 = vector.shape_cast %swap3A_354 : vector<1x16xf32> to vector<16xf32>
            %swap3A_356 = vector.shape_cast %broadcast_in_dim3A_1 : vector<16xf32> to vector<1x16xf32>
            tpu.vector_store %arg14[%swap3A_352, %swap3A_353], %swap3A_356 {strides = array<i32>} : memref<32x512xf32, #tpu.memory_space<vmem>>, vector<1x16xf32>,
            %swap3A_357 = arith.index_cast %while3A_257 : i32 to index
            %swap3A_358 = arith.constant 320 : index
            %swap3A_359 = tpu.vector_load %arg14[%swap3A_357, %swap3A_358] {strides = array<i32>} : memref<32x512xf32, #tpu.memory_space<vmem>>, vector<1x16xf32>,
            %swap3A_360 = vector.shape_cast %swap3A_359 : vector<1x16xf32> to vector<16xf32>
            %swap3A_361 = vector.shape_cast %broadcast_in_dim3A_1 : vector<16xf32> to vector<1x16xf32>
            tpu.vector_store %arg14[%swap3A_357, %swap3A_358], %swap3A_361 {strides = array<i32>} : memref<32x512xf32, #tpu.memory_space<vmem>>, vector<1x16xf32>,
            %swap3A_362 = arith.index_cast %while3A_257 : i32 to index
            %swap3A_363 = arith.constant 336 : index
            %swap3A_364 = tpu.vector_load %arg14[%swap3A_362, %swap3A_363] {strides = array<i32>} : memref<32x512xf32, #tpu.memory_space<vmem>>, vector<1x16xf32>,
            %swap3A_365 = vector.shape_cast %swap3A_364 : vector<1x16xf32> to vector<16xf32>
            %swap3A_366 = vector.shape_cast %broadcast_in_dim3A_1 : vector<16xf32> to vector<1x16xf32>
            tpu.vector_store %arg14[%swap3A_362, %swap3A_363], %swap3A_366 {strides = array<i32>} : memref<32x512xf32, #tpu.memory_space<vmem>>, vector<1x16xf32>,
            %swap3A_367 = arith.index_cast %while3A_257 : i32 to index
            %swap3A_368 = arith.constant 352 : index
            %swap3A_369 = tpu.vector_load %arg14[%swap3A_367, %swap3A_368] {strides = array<i32>} : memref<32x512xf32, #tpu.memory_space<vmem>>, vector<1x16xf32>,
            %swap3A_370 = vector.shape_cast %swap3A_369 : vector<1x16xf32> to vector<16xf32>
            %swap3A_371 = vector.shape_cast %broadcast_in_dim3A_1 : vector<16xf32> to vector<1x16xf32>
            tpu.vector_store %arg14[%swap3A_367, %swap3A_368], %swap3A_371 {strides = array<i32>} : memref<32x512xf32, #tpu.memory_space<vmem>>, vector<1x16xf32>,
            %swap3A_372 = arith.index_cast %while3A_257 : i32 to index
            %swap3A_373 = arith.constant 368 : index
            %swap3A_374 = tpu.vector_load %arg14[%swap3A_372, %swap3A_373] {strides = array<i32>} : memref<32x512xf32, #tpu.memory_space<vmem>>, vector<1x16xf32>,
            %swap3A_375 = vector.shape_cast %swap3A_374 : vector<1x16xf32> to vector<16xf32>
            %swap3A_376 = vector.shape_cast %broadcast_in_dim3A_1 : vector<16xf32> to vector<1x16xf32>
            tpu.vector_store %arg14[%swap3A_372, %swap3A_373], %swap3A_376 {strides = array<i32>} : memref<32x512xf32, #tpu.memory_space<vmem>>, vector<1x16xf32>,
            %swap3A_377 = arith.index_cast %while3A_257 : i32 to index
            %swap3A_378 = arith.constant 384 : index
            %swap3A_379 = tpu.vector_load %arg14[%swap3A_377, %swap3A_378] {strides = array<i32>} : memref<32x512xf32, #tpu.memory_space<vmem>>, vector<1x16xf32>,
            %swap3A_380 = vector.shape_cast %swap3A_379 : vector<1x16xf32> to vector<16xf32>
            %swap3A_381 = vector.shape_cast %broadcast_in_dim3A_1 : vector<16xf32> to vector<1x16xf32>
            tpu.vector_store %arg14[%swap3A_377, %swap3A_378], %swap3A_381 {strides = array<i32>} : memref<32x512xf32, #tpu.memory_space<vmem>>, vector<1x16xf32>,
            %swap3A_382 = arith.index_cast %while3A_257 : i32 to index
            %swap3A_383 = arith.constant 400 : index
            %swap3A_384 = tpu.vector_load %arg14[%swap3A_382, %swap3A_383] {strides = array<i32>} : memref<32x512xf32, #tpu.memory_space<vmem>>, vector<1x16xf32>,
            %swap3A_385 = vector.shape_cast %swap3A_384 : vector<1x16xf32> to vector<16xf32>
            %swap3A_386 = vector.shape_cast %broadcast_in_dim3A_1 : vector<16xf32> to vector<1x16xf32>
            tpu.vector_store %arg14[%swap3A_382, %swap3A_383], %swap3A_386 {strides = array<i32>} : memref<32x512xf32, #tpu.memory_space<vmem>>, vector<1x16xf32>,
            %swap3A_387 = arith.index_cast %while3A_257 : i32 to index
            %swap3A_388 = arith.constant 416 : index
            %swap3A_389 = tpu.vector_load %arg14[%swap3A_387, %swap3A_388] {strides = array<i32>} : memref<32x512xf32, #tpu.memory_space<vmem>>, vector<1x16xf32>,
            %swap3A_390 = vector.shape_cast %swap3A_389 : vector<1x16xf32> to vector<16xf32>
            %swap3A_391 = vector.shape_cast %broadcast_in_dim3A_1 : vector<16xf32> to vector<1x16xf32>
            tpu.vector_store %arg14[%swap3A_387, %swap3A_388], %swap3A_391 {strides = array<i32>} : memref<32x512xf32, #tpu.memory_space<vmem>>, vector<1x16xf32>,
            %swap3A_392 = arith.index_cast %while3A_257 : i32 to index
            %swap3A_393 = arith.constant 432 : index
            %swap3A_394 = tpu.vector_load %arg14[%swap3A_392, %swap3A_393] {strides = array<i32>} : memref<32x512xf32, #tpu.memory_space<vmem>>, vector<1x16xf32>,
            %swap3A_395 = vector.shape_cast %swap3A_394 : vector<1x16xf32> to vector<16xf32>
            %swap3A_396 = vector.shape_cast %broadcast_in_dim3A_1 : vector<16xf32> to vector<1x16xf32>
            tpu.vector_store %arg14[%swap3A_392, %swap3A_393], %swap3A_396 {strides = array<i32>} : memref<32x512xf32, #tpu.memory_space<vmem>>, vector<1x16xf32>,
            %swap3A_397 = arith.index_cast %while3A_257 : i32 to index
            %swap3A_398 = arith.constant 448 : index
            %swap3A_399 = tpu.vector_load %arg14[%swap3A_397, %swap3A_398] {strides = array<i32>} : memref<32x512xf32, #tpu.memory_space<vmem>>, vector<1x16xf32>,
            %swap3A_400 = vector.shape_cast %swap3A_399 : vector<1x16xf32> to vector<16xf32>
            %swap3A_401 = vector.shape_cast %broadcast_in_dim3A_1 : vector<16xf32> to vector<1x16xf32>
            tpu.vector_store %arg14[%swap3A_397, %swap3A_398], %swap3A_401 {strides = array<i32>} : memref<32x512xf32, #tpu.memory_space<vmem>>, vector<1x16xf32>,
            %swap3A_402 = arith.index_cast %while3A_257 : i32 to index
            %swap3A_403 = arith.constant 464 : index
            %swap3A_404 = tpu.vector_load %arg14[%swap3A_402, %swap3A_403] {strides = array<i32>} : memref<32x512xf32, #tpu.memory_space<vmem>>, vector<1x16xf32>,
            %swap3A_405 = vector.shape_cast %swap3A_404 : vector<1x16xf32> to vector<16xf32>
            %swap3A_406 = vector.shape_cast %broadcast_in_dim3A_1 : vector<16xf32> to vector<1x16xf32>
            tpu.vector_store %arg14[%swap3A_402, %swap3A_403], %swap3A_406 {strides = array<i32>} : memref<32x512xf32, #tpu.memory_space<vmem>>, vector<1x16xf32>,
            %swap3A_407 = arith.index_cast %while3A_257 : i32 to index
            %swap3A_408 = arith.constant 480 : index
            %swap3A_409 = tpu.vector_load %arg14[%swap3A_407, %swap3A_408] {strides = array<i32>} : memref<32x512xf32, #tpu.memory_space<vmem>>, vector<1x16xf32>,
            %swap3A_410 = vector.shape_cast %swap3A_409 : vector<1x16xf32> to vector<16xf32>
            %swap3A_411 = vector.shape_cast %broadcast_in_dim3A_1 : vector<16xf32> to vector<1x16xf32>
            tpu.vector_store %arg14[%swap3A_407, %swap3A_408], %swap3A_411 {strides = array<i32>} : memref<32x512xf32, #tpu.memory_space<vmem>>, vector<1x16xf32>,
            %swap3A_412 = arith.index_cast %while3A_257 : i32 to index
            %swap3A_413 = arith.constant 496 : index
            %swap3A_414 = tpu.vector_load %arg14[%swap3A_412, %swap3A_413] {strides = array<i32>} : memref<32x512xf32, #tpu.memory_space<vmem>>, vector<1x16xf32>,
            %swap3A_415 = vector.shape_cast %swap3A_414 : vector<1x16xf32> to vector<16xf32>
            %swap3A_416 = vector.shape_cast %broadcast_in_dim3A_1 : vector<16xf32> to vector<1x16xf32>
            tpu.vector_store %arg14[%swap3A_412, %swap3A_413], %swap3A_416 {strides = array<i32>} : memref<32x512xf32, #tpu.memory_space<vmem>>, vector<1x16xf32>,
          }
        } else {
        }
        %dma_start3A = arith.constant 0 : i32
        %dma_start3A_244 = tpu.memref_slice %arg4[%add3A_177, %dma_start3A] : memref<65536x512xf32, #tpu.memory_space<hbm>> -> memref<32x512xf32, #tpu.memory_space<hbm>>
        %dma_start3A_245 = arith.constant 0 : i32
        %dma_start3A_246 = tpu.memref_slice %arg4[%add3A_177, %dma_start3A_245] : memref<65536x512xf32, #tpu.memory_space<hbm>> -> memref<32x512xf32, #tpu.memory_space<hbm>>
        tpu.enqueue_dma source(%arg14 : memref<32x512xf32, #tpu.memory_space<vmem>>) target(%dma_start3A_246 : memref<32x512xf32, #tpu.memory_space<hbm>>) target_semaphore(%arg22 : memref<!tpu.dma_semaphore, #tpu.memory_space<semaphore_mem>>)
      } else {
      }
      %gt3A_235 = arith.constant 0 : i32
      %gt3A_236 = arith.cmpi sgt, %min3A_187, %gt3A_235 : i32
      %or3A_237 = arith.ori %scan3A_47, %gt3A_236 : i1
      scf.yield %or3A, %or3A_221, %or3A_229, %or3A_237 : i1, i1, i1, i1
    }
    %scan3A_23 = arith.constant 16 : i32
    %convert_element_type3A = arith.extui %scan3A_22#0 : i1 to i32
    %cond3A = arith.constant 0 : i32
    %cond3A_24 = arith.cmpi ne, %convert_element_type3A, %cond3A : i32
    scf.if %cond3A_24 {
      %dma_wait3A = arith.constant 0 : i32
      %dma_wait3A_43 = arith.constant 0 : i32
      %dma_wait3A_44 = tpu.memref_slice %arg4[%dma_wait3A, %dma_wait3A_43] : memref<65536x512xf32, #tpu.memory_space<hbm>> -> memref<32x512xf32, #tpu.memory_space<hbm>>
      %dma_wait3A_45 = arith.constant 0 : i32
      %dma_wait3A_46 = arith.constant 0 : i32
      %dma_wait3A_47 = tpu.memref_slice %arg4[%dma_wait3A_45, %dma_wait3A_46] : memref<65536x512xf32, #tpu.memory_space<hbm>> -> memref<32x512xf32, #tpu.memory_space<hbm>>
      tpu.wait_dma2 semaphore(%arg19 : memref<!tpu.dma_semaphore, #tpu.memory_space<semaphore_mem>>) src(%arg11 : memref<32x512xf32, #tpu.memory_space<vmem>>) dst(%dma_wait3A_47 : memref<32x512xf32, #tpu.memory_space<hbm>>)
    } else {
    }
    %convert_element_type3A_25 = arith.extui %scan3A_22#1 : i1 to i32
    %cond3A_26 = arith.constant 0 : i32
    %cond3A_27 = arith.cmpi ne, %convert_element_type3A_25, %cond3A_26 : i32
    scf.if %cond3A_27 {
      %dma_wait3A = arith.constant 0 : i32
      %dma_wait3A_43 = arith.constant 0 : i32
      %dma_wait3A_44 = tpu.memref_slice %arg4[%dma_wait3A, %dma_wait3A_43] : memref<65536x512xf32, #tpu.memory_space<hbm>> -> memref<32x512xf32, #tpu.memory_space<hbm>>
      %dma_wait3A_45 = arith.constant 0 : i32
      %dma_wait3A_46 = arith.constant 0 : i32
      %dma_wait3A_47 = tpu.memref_slice %arg4[%dma_wait3A_45, %dma_wait3A_46] : memref<65536x512xf32, #tpu.memory_space<hbm>> -> memref<32x512xf32, #tpu.memory_space<hbm>>
      tpu.wait_dma2 semaphore(%arg20 : memref<!tpu.dma_semaphore, #tpu.memory_space<semaphore_mem>>) src(%arg12 : memref<32x512xf32, #tpu.memory_space<vmem>>) dst(%dma_wait3A_47 : memref<32x512xf32, #tpu.memory_space<hbm>>)
    } else {
    }
    %convert_element_type3A_28 = arith.extui %scan3A_22#2 : i1 to i32
    %cond3A_29 = arith.constant 0 : i32
    %cond3A_30 = arith.cmpi ne, %convert_element_type3A_28, %cond3A_29 : i32
    scf.if %cond3A_30 {
      %dma_wait3A = arith.constant 0 : i32
      %dma_wait3A_43 = arith.constant 0 : i32
      %dma_wait3A_44 = tpu.memref_slice %arg4[%dma_wait3A, %dma_wait3A_43] : memref<65536x512xf32, #tpu.memory_space<hbm>> -> memref<32x512xf32, #tpu.memory_space<hbm>>
      %dma_wait3A_45 = arith.constant 0 : i32
      %dma_wait3A_46 = arith.constant 0 : i32
      %dma_wait3A_47 = tpu.memref_slice %arg4[%dma_wait3A_45, %dma_wait3A_46] : memref<65536x512xf32, #tpu.memory_space<hbm>> -> memref<32x512xf32, #tpu.memory_space<hbm>>
      tpu.wait_dma2 semaphore(%arg21 : memref<!tpu.dma_semaphore, #tpu.memory_space<semaphore_mem>>) src(%arg13 : memref<32x512xf32, #tpu.memory_space<vmem>>) dst(%dma_wait3A_47 : memref<32x512xf32, #tpu.memory_space<hbm>>)
    } else {
    }
    %convert_element_type3A_31 = arith.extui %scan3A_22#3 : i1 to i32
    %cond3A_32 = arith.constant 0 : i32
    %cond3A_33 = arith.cmpi ne, %convert_element_type3A_31, %cond3A_32 : i32
    scf.if %cond3A_33 {
      %dma_wait3A = arith.constant 0 : i32
      %dma_wait3A_43 = arith.constant 0 : i32
      %dma_wait3A_44 = tpu.memref_slice %arg4[%dma_wait3A, %dma_wait3A_43] : memref<65536x512xf32, #tpu.memory_space<hbm>> -> memref<32x512xf32, #tpu.memory_space<hbm>>
      %dma_wait3A_45 = arith.constant 0 : i32
      %dma_wait3A_46 = arith.constant 0 : i32
      %dma_wait3A_47 = tpu.memref_slice %arg4[%dma_wait3A_45, %dma_wait3A_46] : memref<65536x512xf32, #tpu.memory_space<hbm>> -> memref<32x512xf32, #tpu.memory_space<hbm>>
      tpu.wait_dma2 semaphore(%arg22 : memref<!tpu.dma_semaphore, #tpu.memory_space<semaphore_mem>>) src(%arg14 : memref<32x512xf32, #tpu.memory_space<vmem>>) dst(%dma_wait3A_47 : memref<32x512xf32, #tpu.memory_space<hbm>>)
    } else {
    }
    %while3A = arith.constant 0 : i32
    %while3A_34 = arith.constant 0 : i32
    %while3A_35 = arith.subi %scan3A_12, %while3A_34 : i32
    %while3A_36 = arith.addi %while3A_34, %while3A_35 : i32
    %while3A_37 = arith.constant 1 : i32
    %while3A_38 = arith.divsi %while3A_35, %while3A_37 : i32
    %while3A_39 = arith.muli %while3A_38, %while3A_37 : i32
    %while3A_40 = arith.addi %while3A_34, %while3A_39 : i32
    %while3A_41 = arith.constant 1 : i32
    scf.for %while3A_43 = %while3A_34 to %while3A_40 step %while3A_41  : i32 {
      %dma_wait3A = arith.constant 0 : i32
      %dma_wait3A_44 = arith.constant 0 : i32
      %dma_wait3A_45 = tpu.memref_slice %arg4[%dma_wait3A, %dma_wait3A_44] : memref<65536x512xf32, #tpu.memory_space<hbm>> -> memref<32x512xf32, #tpu.memory_space<hbm>>
      %dma_wait3A_46 = arith.constant 0 : i32
      %dma_wait3A_47 = arith.constant 0 : i32
      %dma_wait3A_48 = tpu.memref_slice %arg4[%dma_wait3A_46, %dma_wait3A_47] : memref<65536x512xf32, #tpu.memory_space<hbm>> -> memref<32x512xf32, #tpu.memory_space<hbm>>
      tpu.wait_dma2 semaphore(%arg23 : memref<!tpu.dma_semaphore, #tpu.memory_space<semaphore_mem>>) src(%arg10 : memref<32x512xf32, #tpu.memory_space<vmem>>) dst(%dma_wait3A_48 : memref<32x512xf32, #tpu.memory_space<hbm>>)
    }
    %while3A_42 = arith.constant 1 : i32
    scf.for %while3A_43 = %while3A_40 to %while3A_36 step %while3A_42  : i32 {
      %dma_wait3A = arith.constant 0 : i32
      %dma_wait3A_44 = arith.constant 0 : i32
      %dma_wait3A_45 = tpu.memref_slice %arg4[%dma_wait3A, %dma_wait3A_44] : memref<65536x512xf32, #tpu.memory_space<hbm>> -> memref<32x512xf32, #tpu.memory_space<hbm>>
      %dma_wait3A_46 = arith.constant 0 : i32
      %dma_wait3A_47 = arith.constant 0 : i32
      %dma_wait3A_48 = tpu.memref_slice %arg4[%dma_wait3A_46, %dma_wait3A_47] : memref<65536x512xf32, #tpu.memory_space<hbm>> -> memref<32x512xf32, #tpu.memory_space<hbm>>
      tpu.wait_dma2 semaphore(%arg23 : memref<!tpu.dma_semaphore, #tpu.memory_space<semaphore_mem>>) src(%arg10 : memref<32x512xf32, #tpu.memory_space<vmem>>) dst(%dma_wait3A_48 : memref<32x512xf32, #tpu.memory_space<hbm>>)
    }
    return
  }
}

module attributes {stable_mosaic.version = 14 : i64} {
  func.func @_mask_body(%arg0: memref<17xi32, #tpu.memory_space<smem>>, %arg1: memref<16x4096xi32, #tpu.memory_space<vmem>>) attributes {dimension_semantics = [], scalar_prefetch = 0 : i64, scratch_operands = 0 : i64, tpu.core_type = #tpu.core_type<tc>} {
    %iota3A = tpu.iota {dimensions = array<i32: 1>} : vector<1x4096xi32>
    %get3A = arith.constant 1 : index
    %get3A_0 = memref.load %arg0[%get3A] : memref<17xi32, #tpu.memory_space<smem>>
    %get3A_1 = arith.constant 0 : index
    %get3A_2 = memref.load %arg0[%get3A_1] : memref<17xi32, #tpu.memory_space<smem>>
    %sub3A = arith.subi %get3A_0, %get3A_2 : i32
    %min3A = arith.constant 4096 : i32
    %min3A_3 = arith.minsi %sub3A, %min3A : i32
    %lt3A = vector.broadcast %min3A_3 : i32 to vector<1x4096xi32>
    %lt3A_4 = arith.cmpi slt, %iota3A, %lt3A : vector<1x4096xi32>
    %swap3A = arith.constant 0 : index
    %swap3A_5 = arith.constant 0 : index
    %swap3A_6 = vector.load %arg1[%swap3A, %swap3A_5] : memref<16x4096xi32, #tpu.memory_space<vmem>>, vector<1x4096xi32>
    %swap3A_7 = arith.extui %lt3A_4 : vector<1x4096xi1> to vector<1x4096xi32>
    %swap3A_8 = arith.constant dense<0> : vector<1x4096xi32>
    %swap3A_9 = arith.cmpi ne, %swap3A_6, %swap3A_8 : vector<1x4096xi32>
    tpu.vector_store %arg1[%swap3A, %swap3A_5], %swap3A_7 {strides = array<i32>} : memref<16x4096xi32, #tpu.memory_space<vmem>>, vector<1x4096xi32>,
    %get3A_10 = arith.constant 2 : index
    %get3A_11 = memref.load %arg0[%get3A_10] : memref<17xi32, #tpu.memory_space<smem>>
    %get3A_12 = arith.constant 1 : index
    %get3A_13 = memref.load %arg0[%get3A_12] : memref<17xi32, #tpu.memory_space<smem>>
    %sub3A_14 = arith.subi %get3A_11, %get3A_13 : i32
    %min3A_15 = arith.constant 4096 : i32
    %min3A_16 = arith.minsi %sub3A_14, %min3A_15 : i32
    %lt3A_17 = vector.broadcast %min3A_16 : i32 to vector<1x4096xi32>
    %lt3A_18 = arith.cmpi slt, %iota3A, %lt3A_17 : vector<1x4096xi32>
    %swap3A_19 = arith.constant 1 : index
    %swap3A_20 = arith.constant 0 : index
    %swap3A_21 = vector.load %arg1[%swap3A_19, %swap3A_20] : memref<16x4096xi32, #tpu.memory_space<vmem>>, vector<1x4096xi32>
    %swap3A_22 = arith.extui %lt3A_18 : vector<1x4096xi1> to vector<1x4096xi32>
    %swap3A_23 = arith.constant dense<0> : vector<1x4096xi32>
    %swap3A_24 = arith.cmpi ne, %swap3A_21, %swap3A_23 : vector<1x4096xi32>
    tpu.vector_store %arg1[%swap3A_19, %swap3A_20], %swap3A_22 {strides = array<i32>} : memref<16x4096xi32, #tpu.memory_space<vmem>>, vector<1x4096xi32>,
    %get3A_25 = arith.constant 3 : index
    %get3A_26 = memref.load %arg0[%get3A_25] : memref<17xi32, #tpu.memory_space<smem>>
    %get3A_27 = arith.constant 2 : index
    %get3A_28 = memref.load %arg0[%get3A_27] : memref<17xi32, #tpu.memory_space<smem>>
    %sub3A_29 = arith.subi %get3A_26, %get3A_28 : i32
    %min3A_30 = arith.constant 4096 : i32
    %min3A_31 = arith.minsi %sub3A_29, %min3A_30 : i32
    %lt3A_32 = vector.broadcast %min3A_31 : i32 to vector<1x4096xi32>
    %lt3A_33 = arith.cmpi slt, %iota3A, %lt3A_32 : vector<1x4096xi32>
    %swap3A_34 = arith.constant 2 : index
    %swap3A_35 = arith.constant 0 : index
    %swap3A_36 = vector.load %arg1[%swap3A_34, %swap3A_35] : memref<16x4096xi32, #tpu.memory_space<vmem>>, vector<1x4096xi32>
    %swap3A_37 = arith.extui %lt3A_33 : vector<1x4096xi1> to vector<1x4096xi32>
    %swap3A_38 = arith.constant dense<0> : vector<1x4096xi32>
    %swap3A_39 = arith.cmpi ne, %swap3A_36, %swap3A_38 : vector<1x4096xi32>
    tpu.vector_store %arg1[%swap3A_34, %swap3A_35], %swap3A_37 {strides = array<i32>} : memref<16x4096xi32, #tpu.memory_space<vmem>>, vector<1x4096xi32>,
    %get3A_40 = arith.constant 4 : index
    %get3A_41 = memref.load %arg0[%get3A_40] : memref<17xi32, #tpu.memory_space<smem>>
    %get3A_42 = arith.constant 3 : index
    %get3A_43 = memref.load %arg0[%get3A_42] : memref<17xi32, #tpu.memory_space<smem>>
    %sub3A_44 = arith.subi %get3A_41, %get3A_43 : i32
    %min3A_45 = arith.constant 4096 : i32
    %min3A_46 = arith.minsi %sub3A_44, %min3A_45 : i32
    %lt3A_47 = vector.broadcast %min3A_46 : i32 to vector<1x4096xi32>
    %lt3A_48 = arith.cmpi slt, %iota3A, %lt3A_47 : vector<1x4096xi32>
    %swap3A_49 = arith.constant 3 : index
    %swap3A_50 = arith.constant 0 : index
    %swap3A_51 = vector.load %arg1[%swap3A_49, %swap3A_50] : memref<16x4096xi32, #tpu.memory_space<vmem>>, vector<1x4096xi32>
    %swap3A_52 = arith.extui %lt3A_48 : vector<1x4096xi1> to vector<1x4096xi32>
    %swap3A_53 = arith.constant dense<0> : vector<1x4096xi32>
    %swap3A_54 = arith.cmpi ne, %swap3A_51, %swap3A_53 : vector<1x4096xi32>
    tpu.vector_store %arg1[%swap3A_49, %swap3A_50], %swap3A_52 {strides = array<i32>} : memref<16x4096xi32, #tpu.memory_space<vmem>>, vector<1x4096xi32>,
    %get3A_55 = arith.constant 5 : index
    %get3A_56 = memref.load %arg0[%get3A_55] : memref<17xi32, #tpu.memory_space<smem>>
    %get3A_57 = arith.constant 4 : index
    %get3A_58 = memref.load %arg0[%get3A_57] : memref<17xi32, #tpu.memory_space<smem>>
    %sub3A_59 = arith.subi %get3A_56, %get3A_58 : i32
    %min3A_60 = arith.constant 4096 : i32
    %min3A_61 = arith.minsi %sub3A_59, %min3A_60 : i32
    %lt3A_62 = vector.broadcast %min3A_61 : i32 to vector<1x4096xi32>
    %lt3A_63 = arith.cmpi slt, %iota3A, %lt3A_62 : vector<1x4096xi32>
    %swap3A_64 = arith.constant 4 : index
    %swap3A_65 = arith.constant 0 : index
    %swap3A_66 = vector.load %arg1[%swap3A_64, %swap3A_65] : memref<16x4096xi32, #tpu.memory_space<vmem>>, vector<1x4096xi32>
    %swap3A_67 = arith.extui %lt3A_63 : vector<1x4096xi1> to vector<1x4096xi32>
    %swap3A_68 = arith.constant dense<0> : vector<1x4096xi32>
    %swap3A_69 = arith.cmpi ne, %swap3A_66, %swap3A_68 : vector<1x4096xi32>
    tpu.vector_store %arg1[%swap3A_64, %swap3A_65], %swap3A_67 {strides = array<i32>} : memref<16x4096xi32, #tpu.memory_space<vmem>>, vector<1x4096xi32>,
    %get3A_70 = arith.constant 6 : index
    %get3A_71 = memref.load %arg0[%get3A_70] : memref<17xi32, #tpu.memory_space<smem>>
    %get3A_72 = arith.constant 5 : index
    %get3A_73 = memref.load %arg0[%get3A_72] : memref<17xi32, #tpu.memory_space<smem>>
    %sub3A_74 = arith.subi %get3A_71, %get3A_73 : i32
    %min3A_75 = arith.constant 4096 : i32
    %min3A_76 = arith.minsi %sub3A_74, %min3A_75 : i32
    %lt3A_77 = vector.broadcast %min3A_76 : i32 to vector<1x4096xi32>
    %lt3A_78 = arith.cmpi slt, %iota3A, %lt3A_77 : vector<1x4096xi32>
    %swap3A_79 = arith.constant 5 : index
    %swap3A_80 = arith.constant 0 : index
    %swap3A_81 = vector.load %arg1[%swap3A_79, %swap3A_80] : memref<16x4096xi32, #tpu.memory_space<vmem>>, vector<1x4096xi32>
    %swap3A_82 = arith.extui %lt3A_78 : vector<1x4096xi1> to vector<1x4096xi32>
    %swap3A_83 = arith.constant dense<0> : vector<1x4096xi32>
    %swap3A_84 = arith.cmpi ne, %swap3A_81, %swap3A_83 : vector<1x4096xi32>
    tpu.vector_store %arg1[%swap3A_79, %swap3A_80], %swap3A_82 {strides = array<i32>} : memref<16x4096xi32, #tpu.memory_space<vmem>>, vector<1x4096xi32>,
    %get3A_85 = arith.constant 7 : index
    %get3A_86 = memref.load %arg0[%get3A_85] : memref<17xi32, #tpu.memory_space<smem>>
    %get3A_87 = arith.constant 6 : index
    %get3A_88 = memref.load %arg0[%get3A_87] : memref<17xi32, #tpu.memory_space<smem>>
    %sub3A_89 = arith.subi %get3A_86, %get3A_88 : i32
    %min3A_90 = arith.constant 4096 : i32
    %min3A_91 = arith.minsi %sub3A_89, %min3A_90 : i32
    %lt3A_92 = vector.broadcast %min3A_91 : i32 to vector<1x4096xi32>
    %lt3A_93 = arith.cmpi slt, %iota3A, %lt3A_92 : vector<1x4096xi32>
    %swap3A_94 = arith.constant 6 : index
    %swap3A_95 = arith.constant 0 : index
    %swap3A_96 = vector.load %arg1[%swap3A_94, %swap3A_95] : memref<16x4096xi32, #tpu.memory_space<vmem>>, vector<1x4096xi32>
    %swap3A_97 = arith.extui %lt3A_93 : vector<1x4096xi1> to vector<1x4096xi32>
    %swap3A_98 = arith.constant dense<0> : vector<1x4096xi32>
    %swap3A_99 = arith.cmpi ne, %swap3A_96, %swap3A_98 : vector<1x4096xi32>
    tpu.vector_store %arg1[%swap3A_94, %swap3A_95], %swap3A_97 {strides = array<i32>} : memref<16x4096xi32, #tpu.memory_space<vmem>>, vector<1x4096xi32>,
    %get3A_100 = arith.constant 8 : index
    %get3A_101 = memref.load %arg0[%get3A_100] : memref<17xi32, #tpu.memory_space<smem>>
    %get3A_102 = arith.constant 7 : index
    %get3A_103 = memref.load %arg0[%get3A_102] : memref<17xi32, #tpu.memory_space<smem>>
    %sub3A_104 = arith.subi %get3A_101, %get3A_103 : i32
    %min3A_105 = arith.constant 4096 : i32
    %min3A_106 = arith.minsi %sub3A_104, %min3A_105 : i32
    %lt3A_107 = vector.broadcast %min3A_106 : i32 to vector<1x4096xi32>
    %lt3A_108 = arith.cmpi slt, %iota3A, %lt3A_107 : vector<1x4096xi32>
    %swap3A_109 = arith.constant 7 : index
    %swap3A_110 = arith.constant 0 : index
    %swap3A_111 = vector.load %arg1[%swap3A_109, %swap3A_110] : memref<16x4096xi32, #tpu.memory_space<vmem>>, vector<1x4096xi32>
    %swap3A_112 = arith.extui %lt3A_108 : vector<1x4096xi1> to vector<1x4096xi32>
    %swap3A_113 = arith.constant dense<0> : vector<1x4096xi32>
    %swap3A_114 = arith.cmpi ne, %swap3A_111, %swap3A_113 : vector<1x4096xi32>
    tpu.vector_store %arg1[%swap3A_109, %swap3A_110], %swap3A_112 {strides = array<i32>} : memref<16x4096xi32, #tpu.memory_space<vmem>>, vector<1x4096xi32>,
    %get3A_115 = arith.constant 9 : index
    %get3A_116 = memref.load %arg0[%get3A_115] : memref<17xi32, #tpu.memory_space<smem>>
    %get3A_117 = arith.constant 8 : index
    %get3A_118 = memref.load %arg0[%get3A_117] : memref<17xi32, #tpu.memory_space<smem>>
    %sub3A_119 = arith.subi %get3A_116, %get3A_118 : i32
    %min3A_120 = arith.constant 4096 : i32
    %min3A_121 = arith.minsi %sub3A_119, %min3A_120 : i32
    %lt3A_122 = vector.broadcast %min3A_121 : i32 to vector<1x4096xi32>
    %lt3A_123 = arith.cmpi slt, %iota3A, %lt3A_122 : vector<1x4096xi32>
    %swap3A_124 = arith.constant 8 : index
    %swap3A_125 = arith.constant 0 : index
    %swap3A_126 = vector.load %arg1[%swap3A_124, %swap3A_125] : memref<16x4096xi32, #tpu.memory_space<vmem>>, vector<1x4096xi32>
    %swap3A_127 = arith.extui %lt3A_123 : vector<1x4096xi1> to vector<1x4096xi32>
    %swap3A_128 = arith.constant dense<0> : vector<1x4096xi32>
    %swap3A_129 = arith.cmpi ne, %swap3A_126, %swap3A_128 : vector<1x4096xi32>
    tpu.vector_store %arg1[%swap3A_124, %swap3A_125], %swap3A_127 {strides = array<i32>} : memref<16x4096xi32, #tpu.memory_space<vmem>>, vector<1x4096xi32>,
    %get3A_130 = arith.constant 10 : index
    %get3A_131 = memref.load %arg0[%get3A_130] : memref<17xi32, #tpu.memory_space<smem>>
    %get3A_132 = arith.constant 9 : index
    %get3A_133 = memref.load %arg0[%get3A_132] : memref<17xi32, #tpu.memory_space<smem>>
    %sub3A_134 = arith.subi %get3A_131, %get3A_133 : i32
    %min3A_135 = arith.constant 4096 : i32
    %min3A_136 = arith.minsi %sub3A_134, %min3A_135 : i32
    %lt3A_137 = vector.broadcast %min3A_136 : i32 to vector<1x4096xi32>
    %lt3A_138 = arith.cmpi slt, %iota3A, %lt3A_137 : vector<1x4096xi32>
    %swap3A_139 = arith.constant 9 : index
    %swap3A_140 = arith.constant 0 : index
    %swap3A_141 = vector.load %arg1[%swap3A_139, %swap3A_140] : memref<16x4096xi32, #tpu.memory_space<vmem>>, vector<1x4096xi32>
    %swap3A_142 = arith.extui %lt3A_138 : vector<1x4096xi1> to vector<1x4096xi32>
    %swap3A_143 = arith.constant dense<0> : vector<1x4096xi32>
    %swap3A_144 = arith.cmpi ne, %swap3A_141, %swap3A_143 : vector<1x4096xi32>
    tpu.vector_store %arg1[%swap3A_139, %swap3A_140], %swap3A_142 {strides = array<i32>} : memref<16x4096xi32, #tpu.memory_space<vmem>>, vector<1x4096xi32>,
    %get3A_145 = arith.constant 11 : index
    %get3A_146 = memref.load %arg0[%get3A_145] : memref<17xi32, #tpu.memory_space<smem>>
    %get3A_147 = arith.constant 10 : index
    %get3A_148 = memref.load %arg0[%get3A_147] : memref<17xi32, #tpu.memory_space<smem>>
    %sub3A_149 = arith.subi %get3A_146, %get3A_148 : i32
    %min3A_150 = arith.constant 4096 : i32
    %min3A_151 = arith.minsi %sub3A_149, %min3A_150 : i32
    %lt3A_152 = vector.broadcast %min3A_151 : i32 to vector<1x4096xi32>
    %lt3A_153 = arith.cmpi slt, %iota3A, %lt3A_152 : vector<1x4096xi32>
    %swap3A_154 = arith.constant 10 : index
    %swap3A_155 = arith.constant 0 : index
    %swap3A_156 = vector.load %arg1[%swap3A_154, %swap3A_155] : memref<16x4096xi32, #tpu.memory_space<vmem>>, vector<1x4096xi32>
    %swap3A_157 = arith.extui %lt3A_153 : vector<1x4096xi1> to vector<1x4096xi32>
    %swap3A_158 = arith.constant dense<0> : vector<1x4096xi32>
    %swap3A_159 = arith.cmpi ne, %swap3A_156, %swap3A_158 : vector<1x4096xi32>
    tpu.vector_store %arg1[%swap3A_154, %swap3A_155], %swap3A_157 {strides = array<i32>} : memref<16x4096xi32, #tpu.memory_space<vmem>>, vector<1x4096xi32>,
    %get3A_160 = arith.constant 12 : index
    %get3A_161 = memref.load %arg0[%get3A_160] : memref<17xi32, #tpu.memory_space<smem>>
    %get3A_162 = arith.constant 11 : index
    %get3A_163 = memref.load %arg0[%get3A_162] : memref<17xi32, #tpu.memory_space<smem>>
    %sub3A_164 = arith.subi %get3A_161, %get3A_163 : i32
    %min3A_165 = arith.constant 4096 : i32
    %min3A_166 = arith.minsi %sub3A_164, %min3A_165 : i32
    %lt3A_167 = vector.broadcast %min3A_166 : i32 to vector<1x4096xi32>
    %lt3A_168 = arith.cmpi slt, %iota3A, %lt3A_167 : vector<1x4096xi32>
    %swap3A_169 = arith.constant 11 : index
    %swap3A_170 = arith.constant 0 : index
    %swap3A_171 = vector.load %arg1[%swap3A_169, %swap3A_170] : memref<16x4096xi32, #tpu.memory_space<vmem>>, vector<1x4096xi32>
    %swap3A_172 = arith.extui %lt3A_168 : vector<1x4096xi1> to vector<1x4096xi32>
    %swap3A_173 = arith.constant dense<0> : vector<1x4096xi32>
    %swap3A_174 = arith.cmpi ne, %swap3A_171, %swap3A_173 : vector<1x4096xi32>
    tpu.vector_store %arg1[%swap3A_169, %swap3A_170], %swap3A_172 {strides = array<i32>} : memref<16x4096xi32, #tpu.memory_space<vmem>>, vector<1x4096xi32>,
    %get3A_175 = arith.constant 13 : index
    %get3A_176 = memref.load %arg0[%get3A_175] : memref<17xi32, #tpu.memory_space<smem>>
    %get3A_177 = arith.constant 12 : index
    %get3A_178 = memref.load %arg0[%get3A_177] : memref<17xi32, #tpu.memory_space<smem>>
    %sub3A_179 = arith.subi %get3A_176, %get3A_178 : i32
    %min3A_180 = arith.constant 4096 : i32
    %min3A_181 = arith.minsi %sub3A_179, %min3A_180 : i32
    %lt3A_182 = vector.broadcast %min3A_181 : i32 to vector<1x4096xi32>
    %lt3A_183 = arith.cmpi slt, %iota3A, %lt3A_182 : vector<1x4096xi32>
    %swap3A_184 = arith.constant 12 : index
    %swap3A_185 = arith.constant 0 : index
    %swap3A_186 = vector.load %arg1[%swap3A_184, %swap3A_185] : memref<16x4096xi32, #tpu.memory_space<vmem>>, vector<1x4096xi32>
    %swap3A_187 = arith.extui %lt3A_183 : vector<1x4096xi1> to vector<1x4096xi32>
    %swap3A_188 = arith.constant dense<0> : vector<1x4096xi32>
    %swap3A_189 = arith.cmpi ne, %swap3A_186, %swap3A_188 : vector<1x4096xi32>
    tpu.vector_store %arg1[%swap3A_184, %swap3A_185], %swap3A_187 {strides = array<i32>} : memref<16x4096xi32, #tpu.memory_space<vmem>>, vector<1x4096xi32>,
    %get3A_190 = arith.constant 14 : index
    %get3A_191 = memref.load %arg0[%get3A_190] : memref<17xi32, #tpu.memory_space<smem>>
    %get3A_192 = arith.constant 13 : index
    %get3A_193 = memref.load %arg0[%get3A_192] : memref<17xi32, #tpu.memory_space<smem>>
    %sub3A_194 = arith.subi %get3A_191, %get3A_193 : i32
    %min3A_195 = arith.constant 4096 : i32
    %min3A_196 = arith.minsi %sub3A_194, %min3A_195 : i32
    %lt3A_197 = vector.broadcast %min3A_196 : i32 to vector<1x4096xi32>
    %lt3A_198 = arith.cmpi slt, %iota3A, %lt3A_197 : vector<1x4096xi32>
    %swap3A_199 = arith.constant 13 : index
    %swap3A_200 = arith.constant 0 : index
    %swap3A_201 = vector.load %arg1[%swap3A_199, %swap3A_200] : memref<16x4096xi32, #tpu.memory_space<vmem>>, vector<1x4096xi32>
    %swap3A_202 = arith.extui %lt3A_198 : vector<1x4096xi1> to vector<1x4096xi32>
    %swap3A_203 = arith.constant dense<0> : vector<1x4096xi32>
    %swap3A_204 = arith.cmpi ne, %swap3A_201, %swap3A_203 : vector<1x4096xi32>
    tpu.vector_store %arg1[%swap3A_199, %swap3A_200], %swap3A_202 {strides = array<i32>} : memref<16x4096xi32, #tpu.memory_space<vmem>>, vector<1x4096xi32>,
    %get3A_205 = arith.constant 15 : index
    %get3A_206 = memref.load %arg0[%get3A_205] : memref<17xi32, #tpu.memory_space<smem>>
    %get3A_207 = arith.constant 14 : index
    %get3A_208 = memref.load %arg0[%get3A_207] : memref<17xi32, #tpu.memory_space<smem>>
    %sub3A_209 = arith.subi %get3A_206, %get3A_208 : i32
    %min3A_210 = arith.constant 4096 : i32
    %min3A_211 = arith.minsi %sub3A_209, %min3A_210 : i32
    %lt3A_212 = vector.broadcast %min3A_211 : i32 to vector<1x4096xi32>
    %lt3A_213 = arith.cmpi slt, %iota3A, %lt3A_212 : vector<1x4096xi32>
    %swap3A_214 = arith.constant 14 : index
    %swap3A_215 = arith.constant 0 : index
    %swap3A_216 = vector.load %arg1[%swap3A_214, %swap3A_215] : memref<16x4096xi32, #tpu.memory_space<vmem>>, vector<1x4096xi32>
    %swap3A_217 = arith.extui %lt3A_213 : vector<1x4096xi1> to vector<1x4096xi32>
    %swap3A_218 = arith.constant dense<0> : vector<1x4096xi32>
    %swap3A_219 = arith.cmpi ne, %swap3A_216, %swap3A_218 : vector<1x4096xi32>
    tpu.vector_store %arg1[%swap3A_214, %swap3A_215], %swap3A_217 {strides = array<i32>} : memref<16x4096xi32, #tpu.memory_space<vmem>>, vector<1x4096xi32>,
    %get3A_220 = arith.constant 16 : index
    %get3A_221 = memref.load %arg0[%get3A_220] : memref<17xi32, #tpu.memory_space<smem>>
    %get3A_222 = arith.constant 15 : index
    %get3A_223 = memref.load %arg0[%get3A_222] : memref<17xi32, #tpu.memory_space<smem>>
    %sub3A_224 = arith.subi %get3A_221, %get3A_223 : i32
    %min3A_225 = arith.constant 4096 : i32
    %min3A_226 = arith.minsi %sub3A_224, %min3A_225 : i32
    %lt3A_227 = vector.broadcast %min3A_226 : i32 to vector<1x4096xi32>
    %lt3A_228 = arith.cmpi slt, %iota3A, %lt3A_227 : vector<1x4096xi32>
    %swap3A_229 = arith.constant 15 : index
    %swap3A_230 = arith.constant 0 : index
    %swap3A_231 = vector.load %arg1[%swap3A_229, %swap3A_230] : memref<16x4096xi32, #tpu.memory_space<vmem>>, vector<1x4096xi32>
    %swap3A_232 = arith.extui %lt3A_228 : vector<1x4096xi1> to vector<1x4096xi32>
    %swap3A_233 = arith.constant dense<0> : vector<1x4096xi32>
    %swap3A_234 = arith.cmpi ne, %swap3A_231, %swap3A_233 : vector<1x4096xi32>
    tpu.vector_store %arg1[%swap3A_229, %swap3A_230], %swap3A_232 {strides = array<i32>} : memref<16x4096xi32, #tpu.memory_space<vmem>>, vector<1x4096xi32>,
    return
  }
}

</mosaic_0001>

<sc_bundles>
// kernel: kernel.4.cloned.1.call-start
scs
__scs_entry_jumppad:
0x0: {  	(pc) =	sbr.rel $0x88, $3  }
0x1: {  	(tag) =	ssettag $0x0;
	lr =	simm.s32 $0x1  }
0x2: {  	[smem:$0x3F9F] =	sst lr;
	_ =	strace $0xD0000000  }
0x3: {  	_ = 	snop  }
0x4: {  	_ = 	snop  }
0x5: {  	_ = 	snop  }
0x6: {  	_ = 	snop  }
0x7: {  	_ = 	snop  }
__scs_overlays_trampoline_lowered:
0x8: {  	[smem:$0x3FAE] =	sst s0  }
0x9: {  	[smem:$0x3FAF] =	sst s1  }
0xa: {  	[smem:$0x3FB0] =	sst s2  }
0xb: {  	[smem:$0x3FB1] =	sst s3  }
0xc: {  	[smem:$0x3FB2] =	sst s4  }
0xd: {  	[smem:$0x3FB3] =	sst s5  }
0xe: {  	[smem:$0x3FB4] =	sst s6  }
0xf: {  	[smem:$0x3FB5] =	sst s7  }
0x10: {  	[smem:$0x3FB6] =	sst s8  }
0x11: {  	[smem:$0x3FB7] =	sst s9;
	s0 =	simm.s32 @!p0 $0x0  }
0x12: {  	s1 =	sld [smem:$0x3F9D];
	s0 =	simm.s32 @p0 $0x1  }
0x13: {  	[smem:$0x3FB8] =	sst s0;
	s0 =	simm.s32 @!p1 $0x0  }
0x14: {  	s2 =	sld [smem:$0x3F9C];
	s0 =	simm.s32 @p1 $0x1  }
0x15: {  	[smem:$0x3FB9] =	sst s0;
	s0 =	simm.s32 @!p2 $0x0  }
0x16: {  	s3 =	sld [smem:$0x3FDB];
	s0 =	simm.s32 @p2 $0x1  }
0x17: {  	s4 =	simm.s32 $0x1BF5;
	[smem:$0x3FBB] =	sst s0  }
0x18: {  	s0 =	sld [smem:$0x3F9E];
	_ =	swait.ge [sflag:s4], $0x0  }
0x19: {  	s7 =	sld [smem:$0x3F9F]  }
0x1a: {  	s8 =	sadd.s32 $0xFFFFE003, lr  }
0x1b: {  	s9 =	sadd.s32 $0xFFFFFEF7, lr;
	s5 =	simm.s32 $0xFFFFFFFF;
	p2 =	slt.u32 s8, $0xFFFFF086  }
0x1c: {  	p1 =	slt.u32 s9, $0xF7A;
	s5 =	simm.s32 @!p2 $0x0  }
0x1d: {  	s5 =	simm.s32 @p1 $0x1;
	p0 =	seq.s32 s7, s2  }
0x1e: {  	s7 =	smul.u32 @!p0 $0xF7A, s2;
	p2 =	seq.s32 @!p0 s5, $0x0  }
0x1f: {  	s9 =	smul.u32 $0xF7A, s1;
	s8 =	simm.s32 @!p0 $0x1BF5;
	p2 =	por !p2, p0  }
0x20: {  	[sflag:s8] =	ssyncset.s32 @!p0 $0xFFFFF086;
	s6 =	sadd.s32 @!p0 s3, s7;
	s7 =	simm.s32 @!p0 $0x108  }
0x21: {  	s3 =	sadd.s32 s3, s9;
	s6 =	sadd.s32 @!p0 $0x88, s6;
	s7 =	simm.s32 @p2 $0x1082  }
0x22: {  	[simem:s7], [sflag:s8] =	dma.local @!p0 [hbm:s6], $0xF7A  }
0x23: {  	s9 =	sor.u32 $0xD0000000, s2;
	s6 =	simm.s32 $0x108;
	_ =	swait.ge @!p0 [sflag:s8], $0x0  }
0x24: {  	s3 =	sadd.s32 $0x88, s3;
	s6 =	simm.s32 @!p1 $0x1082;
	[sflag:s4] =	ssyncset.s32 $0xFFFFF086  }
0x25: {  	[simem:s6], [sflag:s4] =	dma.local [hbm:s3], $0xF7A  }
0x26: {  	[smem:$0x3F9F] =	sst s1;
	(tag) =	ssettag s2;
	_ =	strace s9  }
0x27: {  	s1 =	sld [smem:$0x3FAF]  }
0x28: {  	s2 =	sld [smem:$0x3FB0]  }
0x29: {  	s4 =	sld [smem:$0x3FB2]  }
0x2a: {  	p0 =	seq.s32 s5, $0x0;
	s5 =	sld [smem:$0x3FB3]  }
0x2b: {  	s6 =	sld [smem:$0x3FB4]  }
0x2c: {  	s7 =	sld [smem:$0x3FB5]  }
0x2d: {  	s3 =	simm.s32 $0x108;
	s8 =	sld [smem:$0x3FB6]  }
0x2e: {  	s3 =	simm.s32 @!p0 $0x1082;
	s9 =	sld [smem:$0x3FB7]  }
0x2f: {  	lr =	sadd.s32 s0, s3;
	s0 =	sld [smem:$0x3FAE]  }
0x30: {  	s3 =	sld [smem:$0x3FB1]  }
0x31: {  	[smem:$0x3FBA] =	sst s10  }
0x32: {  	s10 =	sld [smem:$0x3FB8];
	_ =	sdelay $0x3  }
0x33: {  	p0 =	seq.s32 s10, $0x1;
	s10 =	sld [smem:$0x3FBA];
	_ =	sdelay $0x3  }
0x34: {  	[smem:$0x3FBA] =	sst s10  }
0x35: {  	s10 =	sld [smem:$0x3FB9];
	_ =	sdelay $0x3  }
0x36: {  	p1 =	seq.s32 s10, $0x1;
	s10 =	sld [smem:$0x3FBA];
	_ =	sdelay $0x3  }
0x37: {  	[smem:$0x3FBA] =	sst s10  }
0x38: {  	s10 =	sld [smem:$0x3FBB]  }
0x39: {  	_ = 	snop;
	(pc) =	sbr.ind lr, $3  }
0x3a: {  	_ = 	snop  }
0x3b: {  	_ = 	snop  }
0x3c: {  	p2 =	seq.s32 s10, $0x1;
	s10 =	sld [smem:$0x3FBA]  }
0x3d: {  	_ =	shalt  }
0x3e: {  	_ =	shalt  }
0x3f: {  	_ =	shalt  }
0x40: {  	_ =	shalt  }
0x41: {  	_ =	shalt  }
0x42: {  	_ =	shalt  }
0x43: {  	_ =	shalt  }
0x44: {  	_ =	shalt  }
0x45: {  	_ =	shalt  }
0x46: {  	_ =	shalt  }
0x47: {  	_ =	shalt  }
0x48: {  	_ =	shalt  }
0x49: {  	_ =	shalt  }
0x4a: {  	_ =	shalt  }
0x4b: {  	_ =	shalt  }
0x4c: {  	_ =	shalt  }
0x4d: {  	_ =	shalt  }
0x4e: {  	_ =	shalt  }
0x4f: {  	_ =	shalt  }
0x50: {  	_ =	shalt  }
0x51: {  	_ =	shalt  }
0x52: {  	_ =	shalt  }
0x53: {  	_ =	shalt  }
0x54: {  	_ =	shalt  }
0x55: {  	_ =	shalt  }
0x56: {  	_ =	shalt  }
0x57: {  	_ =	shalt  }
0x58: {  	_ =	shalt  }
0x59: {  	_ =	shalt  }
0x5a: {  	_ =	shalt  }
0x5b: {  	_ =	shalt  }
0x5c: {  	_ =	shalt  }
0x5d: {  	_ =	shalt  }
0x5e: {  	_ =	shalt  }
0x5f: {  	_ =	shalt  }
0x60: {  	_ =	shalt  }
0x61: {  	_ =	shalt  }
0x62: {  	_ =	shalt  }
0x63: {  	_ =	shalt  }
0x64: {  	_ =	shalt  }
0x65: {  	_ =	shalt  }
0x66: {  	_ =	shalt  }
0x67: {  	_ =	shalt  }
0x68: {  	_ =	shalt  }
0x69: {  	_ =	shalt  }
0x6a: {  	_ =	shalt  }
0x6b: {  	_ =	shalt  }
0x6c: {  	_ =	shalt  }
0x6d: {  	_ =	shalt  }
0x6e: {  	_ =	shalt  }
0x6f: {  	_ =	shalt  }
0x70: {  	_ =	shalt  }
0x71: {  	_ =	shalt  }
0x72: {  	_ =	shalt  }
0x73: {  	_ =	shalt  }
0x74: {  	_ =	shalt  }
0x75: {  	_ =	shalt  }
0x76: {  	_ =	shalt  }
0x77: {  	_ =	shalt  }
0x78: {  	_ =	shalt  }
0x79: {  	_ =	shalt  }
0x7a: {  	_ =	shalt  }
0x7b: {  	_ =	shalt  }
0x7c: {  	_ =	shalt  }
0x7d: {  	_ =	shalt  }
0x7e: {  	_ =	shalt  }
0x7f: {  	_ =	shalt  }
0x80: {  	_ =	shalt  }
0x81: {  	_ =	shalt  }
0x82: {  	_ =	shalt  }
0x83: {  	_ =	shalt  }
0x84: {  	_ =	shalt  }
0x85: {  	_ =	shalt  }
0x86: {  	_ =	shalt  }
0x87: {  	_ =	shalt  }
.Lfunc_end0:
.L_simem_size_0:
called_computation_lowered:
.L_overlay_start_0:
0x88: {  	s2 =	sld [smem:$0x3FD9]  }
0x89: {  	s3 =	sld [smem:$0x3FFE];
	_ =	sdelay $0x1  }
0x8a: {  	s1 =	srdreg.scid  }
0x8b: {  	s0 =	sand.u32 $0x1, s1  }
0x8c: {  	s15 =	sshll.u32 s0, $0xA;
	s2 =	sadd.s32 s3, s2  }
0x8d: {  	s2 =	sadd.s32 s2, s15  }
0x8e: {  	[smem:$0x3FC6] =	sst s2  }
0x8f: {  	_ = 	snop  }
0x90: {  	s2 =	sld [smem:$0x3FD0];
	_ =	sdelay $0x1  }
0x91: {  	s16 =	sld [smem:$0x3FC9]  }
0x92: {  	s5 =	simm.s32 $0xA;
	s6 =	simm.s32 $0x10;
	s4 =	sld [smem:$0x3FC8]  }
0x93: {  	[smem:s6], [sflag:s5] =	dma.local [hbm:s2], $0x1  }
0x94: {  	_ =	swait.eq [sflag:s5], $0x1  }
0x95: {  	[sflag:s5] =	ssyncset.done $0x0  }
0x96: {  	[sflag:s5] =	ssyncadd.s32 $0xFFFFFFFF  }
0x97: {  	s17 =	sld [smem:$0x10];
	(tm) =	ssettm $0x1  }
0x98: {  	s18 =	sld [smem:$0x3FFB];
	_ =	sdelay $0x3  }
0x99: {  	_ =	strace s18  }
0x9a: {  	s5 =	sld [smem:$0x3FFC];
	_ =	sdelay $0x3  }
0x9b: {  	_ =	strace s5  }
0x9c: {  	s5 =	sld [smem:$0x3FFD];
	_ =	sdelay $0x3  }
0x9d: {  	_ =	strace s5  }
0x9e: {  	_ =	strace $0x8FFFFFFF  }
0x9f: {  	s19 =	sld [smem:$0x3FDB];
	_ =	sdelay $0x1  }
0xa0: {  	s20 =	simm.s32 $_scs_section_size  }
0xa1: {  	s7 =	simm.s32 $_size__tile_overlayer_lowered;
	s8 =	simm.s32 $_tile_overlayer_lowered  }
0xa2: {  	s23 =	simm.s32 $0x1BFF;
	s22 =	sshll.u32 s8, $0x1;
	s5 =	sadd.s32 s20, s19  }
0xa3: {  	s9 =	simm.s32 $0x0;
	s21 =	sshll.u32 s7, $0x1;
	s7 =	sadd.s32 s22, s5  }
0xa4: {  	[timem:s9], [sflag:s23] =	dma.local [hbm:s7], s21  }
0xa5: {  	_ =	swait.ge [sflag:s23], s21  }
0xa6: {  	s6 =	ssub.s32 $0x0, s21;
	[sflag:s23] =	ssyncset.done $0x0  }
0xa7: {  	[sflag:s23] =	ssyncadd.s32 s6;
	_ =	sdelay $0x1  }
0xa8: {  	s24 =	simm.s32 $0x1B8B  }
0xa9: {  	_ =	swait.ge [sflag:s24], $0x1  }
0xaa: {  	[sflag:s24] =	ssyncset.done $0x0  }
0xab: {  	s25 =	simm.s32 $0x1B8E;
	[sflag:s24] =	ssyncadd.s32 $0xFFFFFFFF  }
0xac: {  	s26 =	simm.s32 $execute0_lowered;
	[smem:$0x3FD2] =	sst s25  }
0xad: {  	s6 =	sshll.u32 s26, $0x1;
	_ =	strace $0x80000046;
	[dreg:$0x1] =	wrdreg $0xFFFFFFFF  }
0xae: {  	s28 =	simm.s32 $_size_execute0_lowered;
	s5 =	sadd.s32 s5, s6;
	[dreg:$0x0] =	wrdreg $0x0  }
0xaf: {  	s6 =	sshll.u32 s28, $0x1;
	[dreg:$0x2] =	wrdreg s5  }
0xb0: {  	[dreg:$0x3] =	wrdreg s6  }
0xb1: {  	[dreg:$0x4] =	wrdreg $0xC0  }
0xb2: {  	_ =	task [dreg:s9], $0x5FFFF  }
0xb3: {  	[dreg:$0x1] =	wrdreg $0xFFFFFFFF  }
0xb4: {  	[dreg:$0x0] =	wrdreg $0x60  }
0xb5: {  	[dreg:$0x2] =	wrdreg s16  }
0xb6: {  	[dreg:$0x3] =	wrdreg s4  }
0xb7: {  	[dreg:$0x4] =	wrdreg s17  }
0xb8: {  	[dreg:$0x5] =	wrdreg $0x9  }
0xb9: {  	_ =	task.clear_ibuf [dreg:s9], $0x6FFFF;
	_ =	strace $0x90000046  }
0xba: {  	s29 =	simm.s32 $0x9;
	_ =	strace $0x80000048  }
0xbb: {  	_ =	swait.ge [sflag:s29], $0x1  }
0xbc: {  	[sflag:s29] =	ssyncadd.s32 $0xFFFFFFFF  }
0xbd: {  	_ =	strace $0x90000048  }
0xbe: {  	_ =	sfence  }
0xbf: {  	s30 =	sld [smem:$0x0];
	_ =	sdelay $0x2  }
0xc0: {  	s31 =	sshll.u32 s1, $0xD;
	s1 =	sshrl.u32 s1, $0x2  }
0xc1: {  	s3 =	sand.u32 $0x4000, s31;
	s1 =	sadd.s32 s1, s30  }
0xc2: {  	s0 =	sor.u32 s3, s0;
	s1 =	sshll.u32 s1, $0x11  }
0xc3: {  	s0 =	sor.u32 s1, s0  }
0xc4: {  	s0 =	sadd.s32 $0x8F2B, s0  }
0xc5: {  	[sflag:s0] =	ssyncadd.remote.s32 $0x1  }
0xc6: {  	_ =	sfence.sel $0xFFFF  }
0xc7: {  	[dreg:$0x0] =	wrdreg $0xFFFFFFFF;
	(pc) =	sbr.abs _section_cstart, $3  }
0xc8: {  	[dreg:$0x1] =	wrdreg $0xFFFFFFFF  }
0xc9: {  	_ =	task.clear_ibuf [dreg:s9], $0x2FFFF;
	_ =	strace $0x9FFFFFFF  }
0xca: {  	(tm) =	ssettm $0x7FFFFFFF  }
0xcb: {  	_ =	shalt  }
tec
execute0_lowered:
.L_overlay_start_1:
0x0: {  	(tag) =	ssettag $0x1  }
0x1: {  	s1 =	rddreg [dreg:$0x0]  }
0x2: {  	s3 =	rddreg [dreg:$0x2];
	s0 =	srdreg.scid  }
0x3: {  	s4 =	simm.s32 $0x0;
	s6 =	stileid.u32;
	s11 =	simm.s32 $0x1  }
0x4: {  	s13 =	simm.s32 $0x2;
	s15 =	simm.s32 $0x3;
	s17 =	simm.s32 $0x4  }
0x5: {  	s18 =	simm.s32 $0x10280;
	s0 =	sand.u32 $0x1, s0;
	s30 =	sshll.u32 s6, $0x6  }
.Ltmp0:
0x6: {  	s2 =	ssub.s32 $0x2, s0;
	s0 =	sshll.u32 s0, $0x5;
	(pc) =	sbr.rel .LBB2_1-.Ltmp0, $4  }
0x7: {  	s19 =	simm.s32 $0x9;
	s5 =	sshrl.u32 s2, $0x1;
	s6 =	sor.u32 s0, s30  }
0x8: {  	[smem:$0x7FF] =	sst s4;
	s2 =	ssub.s32 s2, s5;
	s14 =	sshrl.u32 s6, $0x5  }
0x9: {  	_ =	strace $0x80000047;
	s31 =	smax.u32 s2, $0x1;
	[dreg:$0x5] =	wrdreg s14  }
0xa: {  	v0 =	vimm.f32 $0.0e+00;
	s7 =	sadd.s32 $0x100, s1;
	s2 =	simm.s32 $0x0;
	[dreg:$0x4] =	wrdreg s31  }
.LBB2_34:
0xb: {  	[sflag:s19] =	ssyncadd.s32 $0xFFFFC000  }
.LBB2_35:
0xc: {  	s2 =	sadd.s32 $0x1, s2;
	s0 =	rddreg [dreg:$0x4]  }
0xd: {  	p0 =	sne.s32 s2, s0  }
.Ltmp1:
0xe: {  	_ = 	snop;
	(pc) =	sbr.rel @!p0 .LBB2_36-.Ltmp1, $1  }
0xf: {  	_ =	sdelay $0x3  }
.LBB2_1:
0x10: {  	[dreg:$0x6] =	wrdreg s2  }
0x11: {  	s0 =	rddreg [dreg:$0x1];
	s5 =	simm.s32 $0xA  }
0x12: {  	[tilespmem:s4], [sflag:$0xA] =	stream.linear.gather [hbm4b:s0+s4], $0x11, $0x38;
	[tilespmem:$0x14280] =	vst v63  }
0x13: {  	_ =	swait.ge [sflag:s5], $0x11  }
0x14: {  	s29 =	sand.u32 $0x3000, s4;
	s30 =	sand.u32 $0x380, s4;
	[sflag:s5] =	ssyncset.done $0x0  }
0x15: {  	s0 =	sor.u32 s30, s29;
	[sflag:s5] =	ssyncadd.s32 $0xFFFFFFEF  }
0x16: {  	[tilespmem:s0+$0xEF0] =	vst v0  }
0x17: {  	[tilespmem:s0+$0x280] =	vst v0  }
0x18: {  	[tilespmem:s0+$0x290] =	vst v0  }
0x19: {  	[tilespmem:s0+$0x2A0] =	vst v0  }
0x1a: {  	[tilespmem:s0+$0x2B0] =	vst v0  }
0x1b: {  	[tilespmem:s0+$0x2C0] =	vst v0  }
0x1c: {  	[tilespmem:s0+$0x2D0] =	vst v0  }
0x1d: {  	[tilespmem:s0+$0x2E0] =	vst v0  }
0x1e: {  	[tilespmem:s0+$0x2F0] =	vst v0  }
0x1f: {  	[tilespmem:s0+$0x680] =	vst v0  }
0x20: {  	[tilespmem:s0+$0x690] =	vst v0  }
0x21: {  	[tilespmem:s0+$0x6A0] =	vst v0  }
0x22: {  	[tilespmem:s0+$0x6B0] =	vst v0  }
0x23: {  	[tilespmem:s0+$0x6C0] =	vst v0  }
0x24: {  	[tilespmem:s0+$0x6D0] =	vst v0  }
0x25: {  	[tilespmem:s0+$0x6E0] =	vst v0  }
0x26: {  	[tilespmem:s0+$0x6F0] =	vst v0  }
0x27: {  	[tilespmem:s0+$0xA80] =	vst v0  }
0x28: {  	[tilespmem:s0+$0xA90] =	vst v0  }
0x29: {  	[tilespmem:s0+$0xAA0] =	vst v0  }
0x2a: {  	[tilespmem:s0+$0xAB0] =	vst v0  }
0x2b: {  	[tilespmem:s0+$0xAC0] =	vst v0  }
0x2c: {  	[tilespmem:s0+$0xAD0] =	vst v0  }
0x2d: {  	[tilespmem:s0+$0xAE0] =	vst v0  }
0x2e: {  	[tilespmem:s0+$0xAF0] =	vst v0  }
0x2f: {  	[tilespmem:s0+$0xE80] =	vst v0  }
0x30: {  	[tilespmem:s0+$0xE90] =	vst v0  }
0x31: {  	[tilespmem:s0+$0xEA0] =	vst v0  }
0x32: {  	[tilespmem:s0+$0xEB0] =	vst v0  }
0x33: {  	s31 =	simm.s32 $0x200;
	s2 =	simm.s32 $0x80;
	[tilespmem:s0+$0xEC0] =	vst v0  }
0x34: {  	s8 =	sand.u32 $0x3000, s31;
	s9 =	sand.u32 $0x380, s2;
	s5 =	simm.s32 $0x400;
	[tilespmem:s0+$0xED0] =	vst v0  }
.LBB2_2:
0x35: {  	p0 =	sne.s32 s5, $0x3E00;
	[tilespmem:s0+$0xEE0] =	vst v0;
	s0 =	sor.u32 s9, s8  }
0x36: {  	[tilespmem:s0+$0xEF0] =	vst v0  }
0x37: {  	[tilespmem:s0+$0x280] =	vst v0  }
0x38: {  	[tilespmem:s0+$0x290] =	vst v0  }
0x39: {  	[tilespmem:s0+$0x2A0] =	vst v0  }
0x3a: {  	[tilespmem:s0+$0x2B0] =	vst v0  }
0x3b: {  	[tilespmem:s0+$0x2C0] =	vst v0  }
0x3c: {  	[tilespmem:s0+$0x2D0] =	vst v0  }
0x3d: {  	[tilespmem:s0+$0x2E0] =	vst v0  }
0x3e: {  	[tilespmem:s0+$0x2F0] =	vst v0  }
0x3f: {  	[tilespmem:s0+$0x680] =	vst v0  }
0x40: {  	[tilespmem:s0+$0x690] =	vst v0  }
0x41: {  	[tilespmem:s0+$0x6A0] =	vst v0  }
0x42: {  	[tilespmem:s0+$0x6B0] =	vst v0  }
0x43: {  	[tilespmem:s0+$0x6C0] =	vst v0  }
0x44: {  	[tilespmem:s0+$0x6D0] =	vst v0  }
0x45: {  	[tilespmem:s0+$0x6E0] =	vst v0  }
0x46: {  	[tilespmem:s0+$0x6F0] =	vst v0  }
0x47: {  	[tilespmem:s0+$0xA80] =	vst v0  }
0x48: {  	[tilespmem:s0+$0xA90] =	vst v0  }
0x49: {  	[tilespmem:s0+$0xAA0] =	vst v0  }
0x4a: {  	[tilespmem:s0+$0xAB0] =	vst v0  }
0x4b: {  	[tilespmem:s0+$0xAC0] =	vst v0  }
0x4c: {  	[tilespmem:s0+$0xAD0] =	vst v0  }
0x4d: {  	[tilespmem:s0+$0xAE0] =	vst v0  }
0x4e: {  	[tilespmem:s0+$0xAF0] =	vst v0  }
0x4f: {  	[tilespmem:s0+$0xE80] =	vst v0  }
.Ltmp2:
0x50: {  	[tilespmem:s0+$0xE90] =	vst v0;
	(pc) =	sbr.rel @p0 .LBB2_2-.Ltmp2, $4  }
0x51: {  	[tilespmem:s0+$0xEA0] =	vst v0  }
0x52: {  	[tilespmem:s0+$0xEB0] =	vst v0  }
0x53: {  	s2 =	sadd.s32 $0x80, s2;
	[tilespmem:s0+$0xEC0] =	vst v0  }
0x54: {  	s8 =	sand.u32 $0x3000, s5;
	s5 =	sadd.s32 $0x200, s5;
	s9 =	sand.u32 $0x380, s2;
	[tilespmem:s0+$0xED0] =	vst v0  }
0x55: {  	s2 =	sor.u32 s9, s8;
	[tilespmem:s0+$0xEE0] =	vst v0  }
0x56: {  	[tilespmem:s2+$0xEF0] =	vst v0  }
0x57: {  	[tilespmem:s2+$0x280] =	vst v0  }
0x58: {  	[tilespmem:s2+$0x290] =	vst v0  }
0x59: {  	[tilespmem:s2+$0x2A0] =	vst v0  }
0x5a: {  	[tilespmem:s2+$0x2B0] =	vst v0  }
0x5b: {  	[tilespmem:s2+$0x2C0] =	vst v0  }
0x5c: {  	[tilespmem:s2+$0x2D0] =	vst v0  }
0x5d: {  	[tilespmem:s2+$0x2E0] =	vst v0  }
0x5e: {  	[tilespmem:s2+$0x2F0] =	vst v0  }
0x5f: {  	[tilespmem:s2+$0x680] =	vst v0  }
0x60: {  	[tilespmem:s2+$0x690] =	vst v0  }
0x61: {  	[tilespmem:s2+$0x6A0] =	vst v0  }
0x62: {  	[tilespmem:s2+$0x6B0] =	vst v0  }
0x63: {  	[tilespmem:s2+$0x6C0] =	vst v0  }
0x64: {  	[tilespmem:s2+$0x6D0] =	vst v0  }
0x65: {  	[tilespmem:s2+$0x6E0] =	vst v0  }
0x66: {  	[tilespmem:s2+$0x6F0] =	vst v0  }
0x67: {  	[tilespmem:s2+$0xA80] =	vst v0  }
0x68: {  	[tilespmem:s2+$0xA90] =	vst v0  }
0x69: {  	[tilespmem:s2+$0xAA0] =	vst v0  }
0x6a: {  	[tilespmem:s2+$0xAB0] =	vst v0  }
0x6b: {  	[tilespmem:s2+$0xAC0] =	vst v0  }
0x6c: {  	[tilespmem:s2+$0xAD0] =	vst v0  }
0x6d: {  	[tilespmem:s2+$0xAE0] =	vst v0  }
0x6e: {  	[tilespmem:s2+$0xAF0] =	vst v0  }
0x6f: {  	[tilespmem:s2+$0xE80] =	vst v0  }
0x70: {  	[tilespmem:s2+$0xE90] =	vst v0  }
0x71: {  	[tilespmem:s2+$0xEA0] =	vst v0  }
0x72: {  	[tilespmem:s2+$0xEB0] =	vst v0  }
0x73: {  	[tilespmem:s2+$0xEC0] =	vst v0  }
0x74: {  	[tilespmem:s2+$0xED0] =	vst v0  }
0x75: {  	s9 =	simm.s32 $0x1;
	[tilespmem:s2+$0xEE0] =	vst v0  }
0x76: {  	v1 =	vld [tilespmem:s9+$0x0]  }
0x77: {  	v2 =	vld [tilespmem:s9+$0xFFFFFFFF];
	_ =	sdelay $0x3  }
0x78: {  	(v2sf) =	vpush v1, $0x0  }
0x79: {  	(v2sf) =	vpush v2, $0x0;
	_ =	sdelay $0xd  }
0x7a: {  	s10 =	spop (v2sf)  }
0x7b: {  	s5 =	spop (v2sf)  }
0x7c: {  	s0 =	ssub.s32 s10, s5  }
0x7d: {  	p0 =	slt.s32 s0, $0x1000  }
0x7e: {  	s12 =	sand.u32 $0x1F, s14;
	s16 =	sand.u32 $0x3E0, s6;
	s0 =	simm.s32 @!p0 $0x1000  }
0x7f: {  	s5 =	sshll.u32 s12, $0xB;
	s22 =	ssub.s32 s0, s16  }
0x80: {  	s0 =	sadd.s32 s5, s3;
	p0 =	sgt.s32 s22, $0x0  }
0x81: {  	s5 =	sadd.s32 @!p0 $0x0, s0;
	s10 =	simm.s32 @!p0 $0x0;
	s12 =	simm.s32 @!p0 $0x280  }
0x82: {  	[hbm4b:s5+s10] =	stream.linear.scatter @!p0 [tilespmem:s12], [sflag:$0x9], $0x4000, $0x38;
	[tilespmem:$0x14280] =	vst v63  }
0x83: {  	v1 =	vld [tilespmem:s9+$0xFFFFFFFF]  }
0x84: {  	v2 =	vld [tilespmem:s9+$0x0];
	_ =	sdelay $0x3  }
0x85: {  	(v2sf) =	vpush v1, $0x0  }
0x86: {  	(v2sf) =	vpush v2, $0x0;
	_ =	sdelay $0xd  }
0x87: {  	s23 =	spop (v2sf)  }
0x88: {  	s24 =	spop (v2sf)  }
0x89: {  	s5 =	ssub.s32 s24, s23  }
0x8a: {  	p0 =	slt.s32 s5, $0x1000  }
0x8b: {  	s25 =	sor.u32 $0x400, s16;
	s5 =	simm.s32 @!p0 $0x1000  }
0x8c: {  	s10 =	ssub.s32 s5, s25  }
0x8d: {  	p0 =	sgt.s32 s10, $0x0  }
0x8e: {  	s5 =	sadd.s32 @!p0 $0x0, s0  }
0x8f: {  	s12 =	simm.s32 @!p0 $0x0;
	s20 =	simm.s32 @!p0 $0x280;
	s5 =	sadd.s32 @!p0 $0x10000, s5  }
0x90: {  	[hbm4b:s5+s12] =	stream.linear.scatter @!p0 [tilespmem:s20], [sflag:$0x9], $0x4000, $0x38;
	[tilespmem:$0x14280] =	vst v63  }
0x91: {  	v1 =	vld [tilespmem:s9+$0xFFFFFFFF]  }
0x92: {  	v2 =	vld [tilespmem:s9+$0x0];
	_ =	sdelay $0x3  }
0x93: {  	(v2sf) =	vpush v1, $0x0  }
0x94: {  	(v2sf) =	vpush v2, $0x0;
	_ =	sdelay $0xd  }
0x95: {  	s26 =	spop (v2sf)  }
0x96: {  	s28 =	spop (v2sf)  }
0x97: {  	s5 =	ssub.s32 s28, s26  }
0x98: {  	p0 =	slt.s32 s5, $0x1000  }
0x99: {  	s29 =	sor.u32 $0x800, s16;
	s5 =	simm.s32 @!p0 $0x1000  }
0x9a: {  	s12 =	ssub.s32 s5, s29  }
0x9b: {  	p0 =	sgt.s32 s12, $0x0  }
0x9c: {  	s5 =	sadd.s32 @!p0 $0x0, s0  }
0x9d: {  	s20 =	simm.s32 @!p0 $0x0;
	s21 =	simm.s32 @!p0 $0x280;
	s5 =	sadd.s32 @!p0 $0x20000, s5  }
0x9e: {  	[hbm4b:s5+s20] =	stream.linear.scatter @!p0 [tilespmem:s21], [sflag:$0x9], $0x4000, $0x38;
	[tilespmem:$0x14280] =	vst v63  }
0x9f: {  	v1 =	vld [tilespmem:s9+$0xFFFFFFFF]  }
0xa0: {  	v2 =	vld [tilespmem:s9+$0x0];
	_ =	sdelay $0x3  }
0xa1: {  	(v2sf) =	vpush v1, $0x0  }
0xa2: {  	(v2sf) =	vpush v2, $0x0;
	_ =	sdelay $0xb  }
0xa3: {  	s8 =	simm.s32 $0x2;
	p0 =	slt.s32 s22, $0x1;
	s9 =	simm.s32 $0x1  }
0xa4: {  	s2 =	simm.s32 $0x40000;
	s5 =	simm.s32 $0x0;
	s9 =	simm.s32 @!p0 $0x0  }
0xa5: {  	p0 =	slt.s32 s10, $0x1;
	s10 =	simm.s32 $0x1;
	s30 =	spop (v2sf)  }
0xa6: {  	s22 =	sor.u32 $0xC00, s16;
	s10 =	simm.s32 @!p0 $0x0;
	s31 =	spop (v2sf)  }
0xa7: {  	p0 =	slt.s32 s12, $0x1;
	s12 =	simm.s32 $0x1;
	s20 =	ssub.s32 s31, s30  }
0xa8: {  	s9 =	sadd.s32 $0x0, s9;
	s12 =	simm.s32 @!p0 $0x0;
	p0 =	slt.s32 s20, $0x1000  }
0xa9: {  	s21 =	sadd.s32 $0x2, s14;
	s9 =	sadd.s32 s10, s9;
	s20 =	simm.s32 @!p0 $0x1000  }
0xaa: {  	s9 =	sadd.s32 s12, s9;
	s10 =	ssub.s32 s20, s22;
	s22 =	sadd.s32 $0x40, s6  }
.LBB2_4:
0xab: {  	p0 =	sgt.s32 s10, $0x0;
	p1 =	slt.s32 s10, $0x1  }
0xac: {  	s10 =	smov.u32 s2;
	s2 =	sadd.s32 $0x40000, s2;
	s12 =	simm.s32 $0x1  }
0xad: {  	s0 =	sadd.s32 @!p0 s0, s5;
	s5 =	simm.s32 @!p0 $0x0;
	s12 =	simm.s32 @!p1 $0x0  }
0xae: {  	s20 =	simm.s32 @!p0 $0x280;
	s0 =	sadd.s32 @!p0 $0x30000, s0;
	s23 =	sadd.s32 s12, s9  }
0xaf: {  	[hbm4b:s0+s5] =	stream.linear.scatter @!p0 [tilespmem:s20], [sflag:$0x9], $0x4000, $0x38;
	[tilespmem:$0x14280] =	vst v63  }
0xb0: {  	p0 =	sne.s32 s2, $0x400000;
	s5 =	smov.u32 s10;
	v1 =	vld [tilespmem:s8+$0x0]  }
0xb1: {  	v2 =	vld [tilespmem:s8+$0xFFFFFFFF];
	_ =	sdelay $0x3  }
0xb2: {  	(v2sf) =	vpush v1, $0x0  }
0xb3: {  	(v2sf) =	vpush v2, $0x0;
	_ =	sdelay $0xd  }
0xb4: {  	s0 =	spop (v2sf)  }
0xb5: {  	s9 =	spop (v2sf)  }
0xb6: {  	s0 =	ssub.s32 s0, s9  }
0xb7: {  	p1 =	slt.s32 s0, $0x1000  }
0xb8: {  	s24 =	sand.u32 $0x3E0, s22;
	s9 =	sand.u32 $0x1F, s21;
	s0 =	simm.s32 @!p1 $0x1000  }
0xb9: {  	s25 =	simm.s32 $0x1;
	s9 =	sshll.u32 s9, $0xB;
	s10 =	ssub.s32 s0, s24  }
0xba: {  	s0 =	sadd.s32 s9, s3;
	p1 =	sgt.s32 s10, $0x0;
	p2 =	slt.s32 s10, $0x1  }
0xbb: {  	s9 =	sadd.s32 @!p1 s0, s5;
	s10 =	simm.s32 @!p1 $0x0;
	s12 =	simm.s32 @!p1 $0x280  }
0xbc: {  	[hbm4b:s9+s10] =	stream.linear.scatter @!p1 [tilespmem:s12], [sflag:$0x9], $0x4000, $0x38;
	[tilespmem:$0x14280] =	vst v63  }
0xbd: {  	s25 =	simm.s32 @!p2 $0x0;
	v1 =	vld [tilespmem:s8+$0xFFFFFFFF]  }
0xbe: {  	v2 =	vld [tilespmem:s8+$0x0];
	_ =	sdelay $0x3  }
0xbf: {  	(v2sf) =	vpush v1, $0x0  }
0xc0: {  	(v2sf) =	vpush v2, $0x0;
	_ =	sdelay $0xd  }
0xc1: {  	s9 =	spop (v2sf)  }
0xc2: {  	s10 =	spop (v2sf)  }
0xc3: {  	s9 =	ssub.s32 s10, s9  }
0xc4: {  	s10 =	sor.u32 $0x400, s24;
	p1 =	slt.s32 s9, $0x1000  }
0xc5: {  	s9 =	simm.s32 @!p1 $0x1000  }
0xc6: {  	s9 =	ssub.s32 s9, s10  }
0xc7: {  	s10 =	simm.s32 $0x1;
	p1 =	sgt.s32 s9, $0x0;
	p2 =	slt.s32 s9, $0x1  }
0xc8: {  	s9 =	sadd.s32 @!p1 s0, s5;
	s12 =	simm.s32 @!p1 $0x0;
	s20 =	simm.s32 @!p1 $0x280  }
0xc9: {  	s10 =	simm.s32 @!p2 $0x0;
	s9 =	sadd.s32 @!p1 $0x10000, s9  }
0xca: {  	[hbm4b:s9+s12] =	stream.linear.scatter @!p1 [tilespmem:s20], [sflag:$0x9], $0x4000, $0x38;
	[tilespmem:$0x14280] =	vst v63  }
0xcb: {  	v1 =	vld [tilespmem:s8+$0xFFFFFFFF]  }
0xcc: {  	v2 =	vld [tilespmem:s8+$0x0];
	_ =	sdelay $0x3  }
0xcd: {  	(v2sf) =	vpush v1, $0x0  }
0xce: {  	(v2sf) =	vpush v2, $0x0;
	_ =	sdelay $0xd  }
0xcf: {  	s9 =	spop (v2sf)  }
0xd0: {  	s12 =	spop (v2sf)  }
0xd1: {  	s9 =	ssub.s32 s12, s9;
	s12 =	sor.u32 $0x800, s24  }
0xd2: {  	p1 =	slt.s32 s9, $0x1000  }
0xd3: {  	s9 =	simm.s32 @!p1 $0x1000  }
0xd4: {  	s9 =	ssub.s32 s9, s12  }
0xd5: {  	s26 =	simm.s32 $0x1;
	p1 =	sgt.s32 s9, $0x0;
	p2 =	slt.s32 s9, $0x1  }
0xd6: {  	s9 =	sadd.s32 @!p1 s0, s5;
	s12 =	simm.s32 @!p1 $0x0;
	s20 =	simm.s32 @!p1 $0x280  }
0xd7: {  	s26 =	simm.s32 @!p2 $0x0;
	s9 =	sadd.s32 @!p1 $0x20000, s9  }
0xd8: {  	[hbm4b:s9+s12] =	stream.linear.scatter @!p1 [tilespmem:s20], [sflag:$0x9], $0x4000, $0x38;
	[tilespmem:$0x14280] =	vst v63  }
0xd9: {  	v1 =	vld [tilespmem:s8+$0xFFFFFFFF]  }
0xda: {  	v2 =	vld [tilespmem:s8+$0x0];
	_ =	sdelay $0x3  }
0xdb: {  	(v2sf) =	vpush v1, $0x0  }
0xdc: {  	(v2sf) =	vpush v2, $0x0;
	_ =	sdelay $0xd  }
0xdd: {  	s9 =	spop (v2sf)  }
.Ltmp3:
0xde: {  	s12 =	sor.u32 $0xC00, s24;
	s20 =	spop (v2sf);
	(pc) =	sbr.rel @p0 .LBB2_4-.Ltmp3, $4  }
0xdf: {  	s20 =	ssub.s32 s20, s9  }
0xe0: {  	s8 =	sadd.s32 $0x1, s8;
	s9 =	sadd.s32 s25, s23;
	p1 =	slt.s32 s20, $0x1000  }
0xe1: {  	s21 =	sadd.s32 $0x2, s21;
	s9 =	sadd.s32 s10, s9;
	s20 =	simm.s32 @!p1 $0x1000  }
0xe2: {  	s22 =	sadd.s32 $0x40, s22;
	s9 =	sadd.s32 s26, s9;
	s10 =	ssub.s32 s20, s12  }
0xe3: {  	p0 =	sgt.s32 s10, $0x0  }
0xe4: {  	p1 =	slt.s32 s10, $0x1;
	s22 =	simm.s32 $0x0;
	s23 =	smov.u32 s14  }
.Ltmp4:
0xe5: {  	p5 =	por $0x0, $0x0;
	p2 =	por $0x0, $0x0;
	(pc) =	sbr.rel .LBB2_6-.Ltmp4, $4  }
0xe6: {  	s0 =	sadd.s32 @!p0 s0, s5;
	s2 =	simm.s32 @!p0 $0x0;
	s5 =	simm.s32 $0x1  }
0xe7: {  	s8 =	simm.s32 @!p0 $0x280;
	s5 =	simm.s32 @!p1 $0x0;
	s0 =	sadd.s32 @!p0 $0x30000, s0  }
0xe8: {  	[hbm4b:s0+s2] =	stream.linear.scatter @!p0 [tilespmem:s8], [sflag:$0x9], $0x4000, $0x38;
	[tilespmem:$0x14280] =	vst v63  }
0xe9: {  	p3 =	por $0x0, $0x0;
	p1 =	por $0x0, $0x0;
	s21 =	sadd.s32 s5, s9  }
.LBB2_28:
0xea: {  	[tilespmem:s0+$0xC60] =	vst v0  }
0xeb: {  	[tilespmem:s0+$0xC70] =	vst v0  }
.LBB2_29:
0xec: {  	s0 =	sor.u32 s31, s30  }
0xed: {  	s0 =	sshll.u32 s0, $0x6  }
0xee: {  	s0 =	sadd.s32 s3, s0  }
0xef: {  	[hbm4b:s0+s4] =	stream.linear.scatter [tilespmem:s18], [sflag:$0x8], $0x4000, $0x38;
	[tilespmem:$0x14280] =	vst v63  }
.LBB2_30:
0xf0: {  	s22 =	sadd.s32 $0x1, s22  }
0xf1: {  	p4 =	sne.s32 s22, $0x10  }
.Ltmp5:
0xf2: {  	s0 =	sld [smem:$0x7FD];
	(pc) =	sbr.rel @!p4 .LBB2_31-.Ltmp5, $4  }
0xf3: {  	p1 =	sgt.s32 s25, $0x0  }
0xf4: {  	p0 =	sgt.s32 s24, $0x0;
	p6 =	sgt.s32 s26, $0x0;
	p2 =	por p2, p1  }
0xf5: {  	p1 =	sgt.s32 s29, $0x0;
	p5 =	por p5, p6;
	p6 =	seq.s32 s0, $0x1  }
0xf6: {  	s23 =	sadd.s32 $0x2, s23;
	p3 =	por p3, p0;
	p1 =	por p6, p1  }
.LBB2_6:
0xf7: {  	v1 =	vld [tilespmem:s22+$0x0]  }
0xf8: {  	v2 =	vld [tilespmem:s22+$0x1];
	_ =	sdelay $0x3  }
0xf9: {  	(v2sf) =	vpush v1, $0x0  }
0xfa: {  	(v2sf) =	vpush v2, $0x0;
	_ =	sdelay $0xd  }
0xfb: {  	s2 =	spop (v2sf)  }
0xfc: {  	s0 =	spop (v2sf)  }
0xfd: {  	s16 =	sshll.u32 s22, $0x6;
	s28 =	ssub.s32 s0, s2  }
0xfe: {  	s0 =	sadd.s32 s6, s16;
	p0 =	slt.s32 s28, $0x1000  }
0xff: {  	s8 =	sand.u32 $0x3E0, s0;
	s28 =	simm.s32 @!p0 $0x1000  }
0x100: {  	s24 =	ssub.s32 s28, s8  }
0x101: {  	p0 =	slt.s32 s24, $0x1  }
0x102: {  	s0 =	sadd.s32 s8, s2;
	v1 =	vlaneseq.u32 @!p0  }
0x103: {  	v2 =	vadd.s32 @!p0 s0, v1  }
0x104: {  	vm0 =	vlt.s32 @!p0 v2, $0x7FFF  }
0x105: {  	v2 =	vnsel @!p0 vm0, $0x7FFF, v2  }
0x106: {  	v3 =	vshll.u32 @!p0 v2, $0x2  }
0x107: {  	v4 =	vand.u32 @!p0 $0x7, v2;
	v3 =	vand.u32 @!p0 $0xFFFFFFE0, v3  }
0x108: {  	v5 =	vshrl.u32 @!p0 v1, $0x3;
	v3 =	vor.u32 @!p0 v4, v3;
	v4 =	vand.u32 @!p0 $0x7, v1  }
0x109: {  	p4 =	por !p3, p0;
	v5 =	vmul.u32 @!p0 $0x8, v5;
	v6 =	vperm.xlane @!p0 v3, v4  }
0x10a: {  	s5 =	simm.s32 @!p4 $0x5  }
0x10b: {  	s0 =	sadd.s32 @!p0 $0x10, s0;
	_ =	swait.ge @!p4 [sflag:s5], $0x4000;
	v6 =	vadd.s32 @!p0 v5, v6  }
0x10c: {  	v7 =	vadd.s32 @!p0 s0, v1;
	[sflag:s5] =	ssyncset.done @!p4 $0x0;
	v1 =	vor.u32 @!p0 $0x8, v1  }
0x10d: {  	vm0 =	vlt.s32 @!p0 v7, $0x7FFF;
	[sflag:s5] =	ssyncadd.s32 @!p4 $0xFFFFC000;
	v3 =	vperm.xlane @!p0 v3, v1  }
0x10e: {  	[tilespmem:$0x80] =	vst @!p0 v2;
	v2 =	vnsel @!p0 vm0, $0x7FFF, v7  }
0x10f: {  	s0 =	simm.s32 @!p0 $0x0;
	s5 =	simm.s32 @!p0 $0x4280;
	vm0 =	vmmov @!p0 $0xffff;
	[tilespmem:$0x90] =	vst @!p0 v2;
	v2 =	vadd.s32 @!p0 v5, v3  }
0x110: {  	[tilespmem:s5], [sflag:$0x1] =	stream.indirect_vreg.gather @!p0 [hbm4b:s1+s0], $0x80, v6, vm0, $0xb8;
	[tilespmem:$0x14280] =	vst v63  }
0x111: {  	s5 =	simm.s32 @!p0 $0x4A80  }
0x112: {  	[tilespmem:s5], [sflag:$0x1] =	stream.indirect_vreg.gather @!p0 [hbm4b:s7+s0], $0x80, v6, vm0, $0xb8;
	[tilespmem:$0x14280] =	vst v63  }
0x113: {  	s5 =	simm.s32 @!p0 $0x5280  }
0x114: {  	[tilespmem:s5], [sflag:$0x1] =	stream.indirect_vreg.gather @!p0 [hbm4b:s1+s0], $0x80, v2, vm0, $0xb8;
	[tilespmem:$0x14280] =	vst v63  }
0x115: {  	s5 =	simm.s32 @!p0 $0x5A80  }
0x116: {  	[tilespmem:s5], [sflag:$0x1] =	stream.indirect_vreg.gather @!p0 [hbm4b:s7+s0], $0x80, v2, vm0, $0xb8;
	[tilespmem:$0x14280] =	vst v63  }
0x117: {  	v2 =	vld @!p0 [tilespmem:$0x90];
	_ =	sdelay $0x4  }
0x118: {  	v3 =	vshll.u32 @!p0 v2, $0x2  }
0x119: {  	v2 =	vand.u32 @!p0 $0x7, v2;
	v3 =	vand.u32 @!p0 $0xFFFFFFE0, v3  }
0x11a: {  	v2 =	vor.u32 @!p0 v2, v3  }
0x11b: {  	v3 =	vperm.xlane @!p0 v2, v4;
	_ =	sdelay $0x1  }
0x11c: {  	v3 =	vadd.s32 @!p0 v5, v3;
	_ =	sdelay $0x1  }
0x11d: {  	s5 =	sor.u32 $0x400, s8;
	v1 =	vperm.xlane @!p0 v2, v1  }
0x11e: {  	s25 =	ssub.s32 s28, s5  }
0x11f: {  	s10 =	simm.s32 @!p0 $0x6280;
	s9 =	sadd.s32 s5, s2;
	p6 =	slt.s32 s25, $0x1;
	v1 =	vadd.s32 @!p0 v5, v1  }
0x120: {  	v2 =	vlaneseq.u32 @!p6;
	[tilespmem:s10], [sflag:$0x1] =	stream.indirect_vreg.gather @!p0 [hbm4b:s1+s0], $0x80, v3, vm0, $0xb8;
	[tilespmem:$0x14280] =	vst v63  }
0x121: {  	v4 =	vadd.s32 @!p6 s9, v2;
	s10 =	simm.s32 @!p0 $0x6A80  }
0x122: {  	vm1 =	vlt.s32 @!p6 v4, $0x7FFF;
	[tilespmem:s10], [sflag:$0x1] =	stream.indirect_vreg.gather @!p0 [hbm4b:s7+s0], $0x80, v3, vm0, $0xb8;
	[tilespmem:$0x14280] =	vst v63  }
0x123: {  	s10 =	simm.s32 @!p0 $0x7280;
	v3 =	vnsel @!p6 vm1, $0x7FFF, v4  }
0x124: {  	v4 =	vshll.u32 @!p6 v3, $0x2;
	[tilespmem:s10], [sflag:$0x1] =	stream.indirect_vreg.gather @!p0 [hbm4b:s1+s0], $0x80, v1, vm0, $0xb8;
	[tilespmem:$0x14280] =	vst v63  }
0x125: {  	v5 =	vand.u32 @!p6 $0x7, v3;
	s10 =	simm.s32 @!p0 $0x7A80;
	v4 =	vand.u32 @!p6 $0xFFFFFFE0, v4  }
0x126: {  	[tilespmem:s10], [sflag:$0x1] =	stream.indirect_vreg.gather @!p0 [hbm4b:s7+s0], $0x80, v1, vm0, $0xb8;
	v1 =	vor.u32 @!p6 v5, v4;
	v4 =	vand.u32 @!p6 $0x7, v2;
	v5 =	vshrl.u32 @!p6 v2, $0x3;
	[tilespmem:$0x14280] =	vst v63  }
0x127: {  	p4 =	por !p2, p6;
	v6 =	vperm.xlane @!p6 v1, v4;
	v5 =	vmul.u32 @!p6 $0x8, v5  }
0x128: {  	s0 =	simm.s32 @!p4 $0x6  }
0x129: {  	s9 =	sadd.s32 @!p6 $0x10, s9;
	_ =	swait.ge @!p4 [sflag:s0], $0x4000;
	v6 =	vadd.s32 @!p6 v5, v6  }
0x12a: {  	v7 =	vadd.s32 @!p6 s9, v2;
	v2 =	vor.u32 @!p6 $0x8, v2;
	[sflag:s0] =	ssyncset.done @!p4 $0x0  }
0x12b: {  	vm0 =	vlt.s32 @!p6 v7, $0x7FFF;
	v1 =	vperm.xlane @!p6 v1, v2;
	[sflag:s0] =	ssyncadd.s32 @!p4 $0xFFFFC000  }
0x12c: {  	[tilespmem:$0x100] =	vst @!p6 v3;
	v3 =	vnsel @!p6 vm0, $0x7FFF, v7  }
0x12d: {  	s9 =	simm.s32 @!p6 $0x0;
	s0 =	simm.s32 @!p6 $0x8280;
	v1 =	vadd.s32 @!p6 v5, v1;
	vm0 =	vmmov @!p6 $0xffff;
	[tilespmem:$0x110] =	vst @!p6 v3  }
0x12e: {  	[tilespmem:s0], [sflag:$0x2] =	stream.indirect_vreg.gather @!p6 [hbm4b:s1+s9], $0x80, v6, vm0, $0xb8;
	[tilespmem:$0x14280] =	vst v63  }
0x12f: {  	s0 =	simm.s32 @!p6 $0x8A80  }
0x130: {  	[tilespmem:s0], [sflag:$0x2] =	stream.indirect_vreg.gather @!p6 [hbm4b:s7+s9], $0x80, v6, vm0, $0xb8;
	[tilespmem:$0x14280] =	vst v63  }
0x131: {  	s0 =	simm.s32 @!p6 $0x9280  }
0x132: {  	[tilespmem:s0], [sflag:$0x2] =	stream.indirect_vreg.gather @!p6 [hbm4b:s1+s9], $0x80, v1, vm0, $0xb8;
	[tilespmem:$0x14280] =	vst v63  }
0x133: {  	s0 =	simm.s32 @!p6 $0x9A80  }
0x134: {  	[tilespmem:s0], [sflag:$0x2] =	stream.indirect_vreg.gather @!p6 [hbm4b:s7+s9], $0x80, v1, vm0, $0xb8;
	[tilespmem:$0x14280] =	vst v63  }
0x135: {  	v1 =	vld @!p6 [tilespmem:$0x110];
	_ =	sdelay $0x4  }
0x136: {  	v3 =	vshll.u32 @!p6 v1, $0x2  }
0x137: {  	v1 =	vand.u32 @!p6 $0x7, v1;
	v3 =	vand.u32 @!p6 $0xFFFFFFE0, v3  }
0x138: {  	v1 =	vor.u32 @!p6 v1, v3  }
0x139: {  	v3 =	vperm.xlane @!p6 v1, v4;
	_ =	sdelay $0x1  }
0x13a: {  	v3 =	vadd.s32 @!p6 v5, v3;
	_ =	sdelay $0x1  }
0x13b: {  	s0 =	sor.u32 $0x800, s8;
	v1 =	vperm.xlane @!p6 v1, v2  }
0x13c: {  	s26 =	ssub.s32 s28, s0  }
0x13d: {  	s12 =	simm.s32 @!p6 $0xA280;
	p4 =	por p5, p5;
	p5 =	slt.s32 s26, $0x1;
	v1 =	vadd.s32 @!p6 v5, v1  }
0x13e: {  	[tilespmem:s12], [sflag:$0x2] =	stream.indirect_vreg.gather @!p6 [hbm4b:s1+s9], $0x80, v3, vm0, $0xb8;
	[tilespmem:$0x14280] =	vst v63  }
0x13f: {  	s10 =	sadd.s32 s0, s2;
	v2 =	vlaneseq.u32 @!p5;
	s12 =	simm.s32 @!p6 $0xAA80  }
0x140: {  	v4 =	vadd.s32 @!p5 s10, v2;
	[tilespmem:s12], [sflag:$0x2] =	stream.indirect_vreg.gather @!p6 [hbm4b:s7+s9], $0x80, v3, vm0, $0xb8;
	[tilespmem:$0x14280] =	vst v63  }
0x141: {  	vm1 =	vlt.s32 @!p5 v4, $0x7FFF;
	s12 =	simm.s32 @!p6 $0xB280  }
0x142: {  	v3 =	vnsel @!p5 vm1, $0x7FFF, v4;
	[tilespmem:s12], [sflag:$0x2] =	stream.indirect_vreg.gather @!p6 [hbm4b:s1+s9], $0x80, v1, vm0, $0xb8;
	[tilespmem:$0x14280] =	vst v63  }
0x143: {  	v4 =	vshll.u32 @!p5 v3, $0x2;
	s12 =	simm.s32 @!p6 $0xBA80  }
0x144: {  	v5 =	vand.u32 @!p5 $0x7, v3;
	v4 =	vand.u32 @!p5 $0xFFFFFFE0, v4;
	[tilespmem:s12], [sflag:$0x2] =	stream.indirect_vreg.gather @!p6 [hbm4b:s7+s9], $0x80, v1, vm0, $0xb8;
	[tilespmem:$0x14280] =	vst v63  }
0x145: {  	v1 =	vor.u32 @!p5 v5, v4;
	v4 =	vand.u32 @!p5 $0x7, v2;
	v5 =	vshrl.u32 @!p5 v2, $0x3;
	s9 =	simm.s32 @!p4 $0x0  }
0x146: {  	s9 =	simm.s32 @p4 $0x1;
	p4 =	por !p4, p5;
	v6 =	vperm.xlane @!p5 v1, v4;
	v5 =	vmul.u32 @!p5 $0x8, v5  }
0x147: {  	[smem:$0x7FC] =	sst s9;
	s9 =	simm.s32 @!p4 $0x7  }
0x148: {  	s10 =	sadd.s32 @!p5 $0x10, s10;
	_ =	swait.ge @!p4 [sflag:s9], $0x4000;
	v6 =	vadd.s32 @!p5 v5, v6  }
0x149: {  	v7 =	vadd.s32 @!p5 s10, v2;
	v2 =	vor.u32 @!p5 $0x8, v2;
	[sflag:s9] =	ssyncset.done @!p4 $0x0  }
0x14a: {  	vm0 =	vlt.s32 @!p5 v7, $0x7FFF;
	v1 =	vperm.xlane @!p5 v1, v2;
	[sflag:s9] =	ssyncadd.s32 @!p4 $0xFFFFC000  }
0x14b: {  	[tilespmem:$0x180] =	vst @!p5 v3;
	v3 =	vnsel @!p5 vm0, $0x7FFF, v7  }
0x14c: {  	s10 =	simm.s32 @!p5 $0xC280;
	v1 =	vadd.s32 @!p5 v5, v1;
	s9 =	simm.s32 @!p5 $0x0;
	vm0 =	vmmov @!p5 $0xffff;
	[tilespmem:$0x190] =	vst @!p5 v3  }
0x14d: {  	[tilespmem:s10], [sflag:$0x3] =	stream.indirect_vreg.gather @!p5 [hbm4b:s1+s9], $0x80, v6, vm0, $0xb8;
	[tilespmem:$0x14280] =	vst v63  }
0x14e: {  	s10 =	simm.s32 @!p5 $0xCA80  }
0x14f: {  	[tilespmem:s10], [sflag:$0x3] =	stream.indirect_vreg.gather @!p5 [hbm4b:s7+s9], $0x80, v6, vm0, $0xb8;
	[tilespmem:$0x14280] =	vst v63  }
0x150: {  	s10 =	simm.s32 @!p5 $0xD280  }
0x151: {  	[tilespmem:s10], [sflag:$0x3] =	stream.indirect_vreg.gather @!p5 [hbm4b:s1+s9], $0x80, v1, vm0, $0xb8;
	[tilespmem:$0x14280] =	vst v63  }
0x152: {  	s10 =	simm.s32 @!p5 $0xDA80  }
0x153: {  	[tilespmem:s10], [sflag:$0x3] =	stream.indirect_vreg.gather @!p5 [hbm4b:s7+s9], $0x80, v1, vm0, $0xb8;
	[tilespmem:$0x14280] =	vst v63  }
0x154: {  	v1 =	vld @!p5 [tilespmem:$0x190];
	_ =	sdelay $0x4  }
0x155: {  	v3 =	vshll.u32 @!p5 v1, $0x2  }
0x156: {  	v1 =	vand.u32 @!p5 $0x7, v1;
	v3 =	vand.u32 @!p5 $0xFFFFFFE0, v3  }
0x157: {  	v1 =	vor.u32 @!p5 v1, v3  }
0x158: {  	v3 =	vperm.xlane @!p5 v1, v4;
	_ =	sdelay $0x1  }
0x159: {  	v3 =	vadd.s32 @!p5 v5, v3;
	_ =	sdelay $0x1  }
0x15a: {  	s30 =	sor.u32 $0xC00, s8;
	v1 =	vperm.xlane @!p5 v1, v2  }
0x15b: {  	s29 =	ssub.s32 s28, s30  }
0x15c: {  	p4 =	slt.s32 s29, $0x1;
	s10 =	simm.s32 @!p5 $0xE280;
	v1 =	vadd.s32 @!p5 v5, v1  }
0x15d: {  	[tilespmem:s10], [sflag:$0x3] =	stream.indirect_vreg.gather @!p5 [hbm4b:s1+s9], $0x80, v3, vm0, $0xb8;
	[tilespmem:$0x14280] =	vst v63  }
0x15e: {  	s2 =	sadd.s32 s30, s2;
	v2 =	vlaneseq.u32 @!p4;
	s10 =	simm.s32 @!p5 $0xEA80  }
0x15f: {  	v4 =	vadd.s32 @!p4 s2, v2;
	[tilespmem:s10], [sflag:$0x3] =	stream.indirect_vreg.gather @!p5 [hbm4b:s7+s9], $0x80, v3, vm0, $0xb8;
	[tilespmem:$0x14280] =	vst v63  }
0x160: {  	vm1 =	vlt.s32 @!p4 v4, $0x7FFF;
	s10 =	simm.s32 @!p5 $0xF280  }
0x161: {  	v3 =	vnsel @!p4 vm1, $0x7FFF, v4;
	[tilespmem:s10], [sflag:$0x3] =	stream.indirect_vreg.gather @!p5 [hbm4b:s1+s9], $0x80, v1, vm0, $0xb8;
	[tilespmem:$0x14280] =	vst v63  }
0x162: {  	v4 =	vshll.u32 @!p4 v3, $0x2;
	s10 =	simm.s32 @!p5 $0xFA80  }
0x163: {  	v5 =	vand.u32 @!p4 $0x7, v3;
	v4 =	vand.u32 @!p4 $0xFFFFFFE0, v4;
	[tilespmem:s10], [sflag:$0x3] =	stream.indirect_vreg.gather @!p5 [hbm4b:s7+s9], $0x80, v1, vm0, $0xb8;
	[tilespmem:$0x14280] =	vst v63  }
0x164: {  	v1 =	vor.u32 @!p4 v5, v4;
	v4 =	vand.u32 @!p4 $0x7, v2;
	v5 =	vshrl.u32 @!p4 v2, $0x3;
	s9 =	simm.s32 @!p1 $0x0  }
0x165: {  	s9 =	simm.s32 @p1 $0x1;
	p1 =	por !p1, p4;
	v6 =	vperm.xlane @!p4 v1, v4;
	v5 =	vmul.u32 @!p4 $0x8, v5  }
0x166: {  	[smem:$0x7FD] =	sst s9;
	s9 =	simm.s32 @!p1 $0x8  }
0x167: {  	s2 =	sadd.s32 @!p4 $0x10, s2;
	_ =	swait.ge @!p1 [sflag:s9], $0x4000;
	v6 =	vadd.s32 @!p4 v5, v6  }
0x168: {  	v7 =	vadd.s32 @!p4 s2, v2;
	v2 =	vor.u32 @!p4 $0x8, v2;
	[sflag:s9] =	ssyncset.done @!p1 $0x0  }
0x169: {  	vm0 =	vlt.s32 @!p4 v7, $0x7FFF;
	v1 =	vperm.xlane @!p4 v1, v2;
	[sflag:s9] =	ssyncadd.s32 @!p1 $0xFFFFC000  }
0x16a: {  	[tilespmem:$0x200] =	vst @!p4 v3;
	v3 =	vnsel @!p4 vm0, $0x7FFF, v7  }
0x16b: {  	s2 =	simm.s32 @!p4 $0x0;
	v1 =	vadd.s32 @!p4 v5, v1;
	s9 =	simm.s32 @!p4 $0x10280;
	vm0 =	vmmov @!p4 $0xffff;
	[tilespmem:$0x210] =	vst @!p4 v3  }
0x16c: {  	[tilespmem:s9], [sflag:$0x4] =	stream.indirect_vreg.gather @!p4 [hbm4b:s1+s2], $0x80, v6, vm0, $0xb8;
	[tilespmem:$0x14280] =	vst v63  }
0x16d: {  	s9 =	simm.s32 @!p4 $0x10A80  }
0x16e: {  	[tilespmem:s9], [sflag:$0x4] =	stream.indirect_vreg.gather @!p4 [hbm4b:s7+s2], $0x80, v6, vm0, $0xb8;
	[tilespmem:$0x14280] =	vst v63  }
0x16f: {  	s9 =	simm.s32 @!p4 $0x11280  }
0x170: {  	[tilespmem:s9], [sflag:$0x4] =	stream.indirect_vreg.gather @!p4 [hbm4b:s1+s2], $0x80, v1, vm0, $0xb8;
	[tilespmem:$0x14280] =	vst v63  }
0x171: {  	s9 =	simm.s32 @!p4 $0x11A80  }
0x172: {  	[tilespmem:s9], [sflag:$0x4] =	stream.indirect_vreg.gather @!p4 [hbm4b:s7+s2], $0x80, v1, vm0, $0xb8;
	[tilespmem:$0x14280] =	vst v63  }
0x173: {  	v1 =	vld @!p4 [tilespmem:$0x210];
	_ =	sdelay $0x4  }
0x174: {  	v3 =	vshll.u32 @!p4 v1, $0x2  }
0x175: {  	v1 =	vand.u32 @!p4 $0x7, v1;
	v3 =	vand.u32 @!p4 $0xFFFFFFE0, v3  }
0x176: {  	v1 =	vor.u32 @!p4 v1, v3  }
0x177: {  	v3 =	vperm.xlane @!p4 v1, v4;
	_ =	sdelay $0x1  }
0x178: {  	v3 =	vadd.s32 @!p4 v5, v3;
	_ =	sdelay $0x1  }
0x179: {  	v1 =	vperm.xlane @!p4 v1, v2;
	_ =	sdelay $0x1  }
0x17a: {  	s9 =	simm.s32 @!p4 $0x12280;
	v1 =	vadd.s32 @!p4 v5, v1  }
0x17b: {  	[tilespmem:s9], [sflag:$0x4] =	stream.indirect_vreg.gather @!p4 [hbm4b:s1+s2], $0x80, v3, vm0, $0xb8;
	[tilespmem:$0x14280] =	vst v63  }
0x17c: {  	s9 =	simm.s32 @!p4 $0x12A80  }
0x17d: {  	[tilespmem:s9], [sflag:$0x4] =	stream.indirect_vreg.gather @!p4 [hbm4b:s7+s2], $0x80, v3, vm0, $0xb8;
	[tilespmem:$0x14280] =	vst v63  }
.Ltmp6:
0x17e: {  	s9 =	simm.s32 @!p4 $0x13280;
	(pc) =	sbr.rel @p0 .LBB2_12-.Ltmp6, $4  }
0x17f: {  	[tilespmem:s9], [sflag:$0x4] =	stream.indirect_vreg.gather @!p4 [hbm4b:s1+s2], $0x80, v1, vm0, $0xb8;
	[tilespmem:$0x14280] =	vst v63  }
0x180: {  	s20 =	sshll.u32 s23, $0x5;
	s9 =	simm.s32 @!p4 $0x13A80  }
0x181: {  	[tilespmem:s9], [sflag:$0x4] =	stream.indirect_vreg.gather @!p4 [hbm4b:s7+s2], $0x80, v1, vm0, $0xb8;
	[tilespmem:$0x14280] =	vst v63  }
0x182: {  	s31 =	sshll.u32 s22, $0xC;
	s2 =	sand.u32 $0x3E0, s20  }
0x183: {  	p0 =	sgt.u32 s24, $0x1F  }
.Ltmp7:
0x184: {  	_ = 	snop;
	(pc) =	sbr.rel @p0 .LBB2_11-.Ltmp7, $4  }
0x185: {  	_ = 	snop  }
0x186: {  	_ =	swait.ge [sflag:s11], $0x4000  }
0x187: {  	[sflag:s11] =	ssyncset.done $0x0  }
0x188: {  	[sflag:s11] =	ssyncadd.s32 $0xFFFFC000  }
0x189: {  	s9 =	ssub.s32 s28, s2  }
0x18a: {  	p0 =	sgt.s32 s9, $0x0  }
0x18b: {  	s9 =	simm.s32 @!p0 $0x0  }
0x18c: {  	s9 =	smin.u32 s9, $0x20  }
0x18d: {  	s12 =	sshll.u32 s9, $0x7;
	s14 =	sshll.u32 s9, $0x9  }
0x18e: {  	s10 =	sand.u32 $0x3000, s14;
	s20 =	sand.u32 $0x380, s12  }
0x18f: {  	s10 =	sor.u32 s20, s10  }
0x190: {  	[tilespmem:s10+$0x4EF0] =	vst v0  }
0x191: {  	[tilespmem:s10+$0x4280] =	vst v0  }
0x192: {  	[tilespmem:s10+$0x4290] =	vst v0  }
0x193: {  	[tilespmem:s10+$0x42A0] =	vst v0  }
0x194: {  	[tilespmem:s10+$0x42B0] =	vst v0  }
0x195: {  	[tilespmem:s10+$0x42C0] =	vst v0  }
0x196: {  	[tilespmem:s10+$0x42D0] =	vst v0  }
0x197: {  	[tilespmem:s10+$0x42E0] =	vst v0  }
0x198: {  	[tilespmem:s10+$0x42F0] =	vst v0  }
0x199: {  	[tilespmem:s10+$0x4680] =	vst v0  }
0x19a: {  	[tilespmem:s10+$0x4690] =	vst v0  }
0x19b: {  	[tilespmem:s10+$0x46A0] =	vst v0  }
0x19c: {  	[tilespmem:s10+$0x46B0] =	vst v0  }
0x19d: {  	[tilespmem:s10+$0x46C0] =	vst v0  }
0x19e: {  	[tilespmem:s10+$0x46D0] =	vst v0  }
0x19f: {  	[tilespmem:s10+$0x46E0] =	vst v0  }
0x1a0: {  	[tilespmem:s10+$0x46F0] =	vst v0  }
0x1a1: {  	[tilespmem:s10+$0x4A80] =	vst v0  }
0x1a2: {  	[tilespmem:s10+$0x4A90] =	vst v0  }
0x1a3: {  	[tilespmem:s10+$0x4AA0] =	vst v0  }
0x1a4: {  	[tilespmem:s10+$0x4AB0] =	vst v0  }
0x1a5: {  	[tilespmem:s10+$0x4AC0] =	vst v0  }
0x1a6: {  	s9 =	sadd.s32 $0xFFFFFFFF, s9;
	[tilespmem:s10+$0x4AD0] =	vst v0  }
0x1a7: {  	s9 =	sadd.s32 $0x1, s9;
	[tilespmem:s10+$0x4AE0] =	vst v0  }
0x1a8: {  	p0 =	slt.u32 s9, $0x1F;
	[tilespmem:s10+$0x4AF0] =	vst v0  }
.Ltmp8:
0x1a9: {  	[tilespmem:s10+$0x4E80] =	vst v0;
	(pc) =	sbr.rel @!p0 .LBB2_10-.Ltmp8, $4  }
0x1aa: {  	[tilespmem:s10+$0x4E90] =	vst v0  }
0x1ab: {  	[tilespmem:s10+$0x4EA0] =	vst v0  }
0x1ac: {  	[tilespmem:s10+$0x4EB0] =	vst v0  }
0x1ad: {  	s20 =	sadd.s32 $0x80, s12;
	s12 =	sadd.s32 $0x200, s14;
	[tilespmem:s10+$0x4EC0] =	vst v0  }
.LBB2_9:
0x1ae: {  	s14 =	sand.u32 $0x3000, s12;
	s16 =	sand.u32 $0x380, s20;
	s9 =	sadd.s32 $0x1, s9;
	[tilespmem:s10+$0x4ED0] =	vst v0  }
0x1af: {  	p0 =	slt.u32 s9, $0x1F;
	[tilespmem:s10+$0x4EE0] =	vst v0;
	s10 =	sor.u32 s16, s14  }
0x1b0: {  	[tilespmem:s10+$0x4EF0] =	vst v0  }
0x1b1: {  	[tilespmem:s10+$0x4280] =	vst v0  }
0x1b2: {  	[tilespmem:s10+$0x4290] =	vst v0  }
0x1b3: {  	[tilespmem:s10+$0x42A0] =	vst v0  }
0x1b4: {  	[tilespmem:s10+$0x42B0] =	vst v0  }
0x1b5: {  	[tilespmem:s10+$0x42C0] =	vst v0  }
0x1b6: {  	[tilespmem:s10+$0x42D0] =	vst v0  }
0x1b7: {  	[tilespmem:s10+$0x42E0] =	vst v0  }
0x1b8: {  	[tilespmem:s10+$0x42F0] =	vst v0  }
0x1b9: {  	[tilespmem:s10+$0x4680] =	vst v0  }
0x1ba: {  	[tilespmem:s10+$0x4690] =	vst v0  }
0x1bb: {  	[tilespmem:s10+$0x46A0] =	vst v0  }
0x1bc: {  	[tilespmem:s10+$0x46B0] =	vst v0  }
0x1bd: {  	[tilespmem:s10+$0x46C0] =	vst v0  }
0x1be: {  	[tilespmem:s10+$0x46D0] =	vst v0  }
0x1bf: {  	[tilespmem:s10+$0x46E0] =	vst v0  }
0x1c0: {  	[tilespmem:s10+$0x46F0] =	vst v0  }
0x1c1: {  	[tilespmem:s10+$0x4A80] =	vst v0  }
0x1c2: {  	[tilespmem:s10+$0x4A90] =	vst v0  }
0x1c3: {  	[tilespmem:s10+$0x4AA0] =	vst v0  }
0x1c4: {  	[tilespmem:s10+$0x4AB0] =	vst v0  }
0x1c5: {  	[tilespmem:s10+$0x4AC0] =	vst v0  }
0x1c6: {  	[tilespmem:s10+$0x4AD0] =	vst v0  }
0x1c7: {  	[tilespmem:s10+$0x4AE0] =	vst v0  }
0x1c8: {  	[tilespmem:s10+$0x4AF0] =	vst v0  }
.Ltmp9:
0x1c9: {  	[tilespmem:s10+$0x4E80] =	vst v0;
	(pc) =	sbr.rel @p0 .LBB2_9-.Ltmp9, $4  }
0x1ca: {  	[tilespmem:s10+$0x4E90] =	vst v0  }
0x1cb: {  	[tilespmem:s10+$0x4EA0] =	vst v0  }
0x1cc: {  	[tilespmem:s10+$0x4EB0] =	vst v0  }
0x1cd: {  	s20 =	sadd.s32 $0x80, s20;
	s12 =	sadd.s32 $0x200, s12;
	[tilespmem:s10+$0x4EC0] =	vst v0  }
.LBB2_10:
0x1ce: {  	[tilespmem:s10+$0x4ED0] =	vst v0  }
0x1cf: {  	[tilespmem:s10+$0x4EE0] =	vst v0  }
.LBB2_11:
0x1d0: {  	s8 =	sor.u32 s31, s8  }
0x1d1: {  	s8 =	sshll.u32 s8, $0x6  }
0x1d2: {  	s9 =	simm.s32 $0x4280;
	s8 =	sadd.s32 s3, s8  }
0x1d3: {  	[hbm4b:s8+s4] =	stream.linear.scatter [tilespmem:s9], [sflag:$0x5], $0x4000, $0x38;
	[tilespmem:$0x14280] =	vst v63  }
.LBB2_12:
.Ltmp10:
0x1d4: {  	(pc) =	sbr.rel @p6 .LBB2_18-.Ltmp10, $1  }
0x1d5: {  	_ =	sdelay $0x3  }
0x1d6: {  	p0 =	sgt.u32 s25, $0x1F  }
.Ltmp11:
0x1d7: {  	_ = 	snop;
	(pc) =	sbr.rel @p0 .LBB2_17-.Ltmp11, $4  }
0x1d8: {  	_ = 	snop  }
0x1d9: {  	_ =	swait.ge [sflag:s13], $0x4000  }
0x1da: {  	[sflag:s13] =	ssyncset.done $0x0  }
0x1db: {  	[sflag:s13] =	ssyncadd.s32 $0xFFFFC000  }
0x1dc: {  	s8 =	ssub.s32 s28, s2  }
0x1dd: {  	s8 =	sadd.s32 $0xFFFFFC00, s8  }
0x1de: {  	p0 =	sgt.s32 s8, $0x0  }
0x1df: {  	s8 =	simm.s32 @!p0 $0x0  }
0x1e0: {  	s9 =	smin.u32 s8, $0x20  }
0x1e1: {  	s10 =	sshll.u32 s9, $0x7;
	s12 =	sshll.u32 s9, $0x9  }
0x1e2: {  	s20 =	sand.u32 $0x3000, s12;
	s14 =	sand.u32 $0x380, s10  }
0x1e3: {  	s8 =	sor.u32 s14, s20  }
0x1e4: {  	[tilespmem:s8+$0x8EF0] =	vst v0  }
0x1e5: {  	[tilespmem:s8+$0x8280] =	vst v0  }
0x1e6: {  	[tilespmem:s8+$0x8290] =	vst v0  }
0x1e7: {  	[tilespmem:s8+$0x82A0] =	vst v0  }
0x1e8: {  	[tilespmem:s8+$0x82B0] =	vst v0  }
0x1e9: {  	[tilespmem:s8+$0x82C0] =	vst v0  }
0x1ea: {  	[tilespmem:s8+$0x82D0] =	vst v0  }
0x1eb: {  	[tilespmem:s8+$0x82E0] =	vst v0  }
0x1ec: {  	[tilespmem:s8+$0x82F0] =	vst v0  }
0x1ed: {  	[tilespmem:s8+$0x8680] =	vst v0  }
0x1ee: {  	[tilespmem:s8+$0x8690] =	vst v0  }
0x1ef: {  	[tilespmem:s8+$0x86A0] =	vst v0  }
0x1f0: {  	[tilespmem:s8+$0x86B0] =	vst v0  }
0x1f1: {  	[tilespmem:s8+$0x86C0] =	vst v0  }
0x1f2: {  	[tilespmem:s8+$0x86D0] =	vst v0  }
0x1f3: {  	[tilespmem:s8+$0x86E0] =	vst v0  }
0x1f4: {  	[tilespmem:s8+$0x86F0] =	vst v0  }
0x1f5: {  	[tilespmem:s8+$0x8A80] =	vst v0  }
0x1f6: {  	[tilespmem:s8+$0x8A90] =	vst v0  }
0x1f7: {  	[tilespmem:s8+$0x8AA0] =	vst v0  }
0x1f8: {  	[tilespmem:s8+$0x8AB0] =	vst v0  }
0x1f9: {  	[tilespmem:s8+$0x8AC0] =	vst v0  }
0x1fa: {  	s9 =	sadd.s32 $0xFFFFFFFF, s9;
	[tilespmem:s8+$0x8AD0] =	vst v0  }
0x1fb: {  	s9 =	sadd.s32 $0x1, s9;
	[tilespmem:s8+$0x8AE0] =	vst v0  }
0x1fc: {  	p0 =	slt.u32 s9, $0x1F;
	[tilespmem:s8+$0x8AF0] =	vst v0  }
.Ltmp12:
0x1fd: {  	[tilespmem:s8+$0x8E80] =	vst v0;
	(pc) =	sbr.rel @!p0 .LBB2_16-.Ltmp12, $4  }
0x1fe: {  	[tilespmem:s8+$0x8E90] =	vst v0  }
0x1ff: {  	[tilespmem:s8+$0x8EA0] =	vst v0  }
0x200: {  	[tilespmem:s8+$0x8EB0] =	vst v0  }
0x201: {  	s10 =	sadd.s32 $0x80, s10;
	s12 =	sadd.s32 $0x200, s12;
	[tilespmem:s8+$0x8EC0] =	vst v0  }
.LBB2_15:
0x202: {  	s14 =	sand.u32 $0x3000, s12;
	s16 =	sand.u32 $0x380, s10;
	s9 =	sadd.s32 $0x1, s9;
	[tilespmem:s8+$0x8ED0] =	vst v0  }
0x203: {  	p0 =	slt.u32 s9, $0x1F;
	[tilespmem:s8+$0x8EE0] =	vst v0;
	s8 =	sor.u32 s16, s14  }
0x204: {  	[tilespmem:s8+$0x8EF0] =	vst v0  }
0x205: {  	[tilespmem:s8+$0x8280] =	vst v0  }
0x206: {  	[tilespmem:s8+$0x8290] =	vst v0  }
0x207: {  	[tilespmem:s8+$0x82A0] =	vst v0  }
0x208: {  	[tilespmem:s8+$0x82B0] =	vst v0  }
0x209: {  	[tilespmem:s8+$0x82C0] =	vst v0  }
0x20a: {  	[tilespmem:s8+$0x82D0] =	vst v0  }
0x20b: {  	[tilespmem:s8+$0x82E0] =	vst v0  }
0x20c: {  	[tilespmem:s8+$0x82F0] =	vst v0  }
0x20d: {  	[tilespmem:s8+$0x8680] =	vst v0  }
0x20e: {  	[tilespmem:s8+$0x8690] =	vst v0  }
0x20f: {  	[tilespmem:s8+$0x86A0] =	vst v0  }
0x210: {  	[tilespmem:s8+$0x86B0] =	vst v0  }
0x211: {  	[tilespmem:s8+$0x86C0] =	vst v0  }
0x212: {  	[tilespmem:s8+$0x86D0] =	vst v0  }
0x213: {  	[tilespmem:s8+$0x86E0] =	vst v0  }
0x214: {  	[tilespmem:s8+$0x86F0] =	vst v0  }
0x215: {  	[tilespmem:s8+$0x8A80] =	vst v0  }
0x216: {  	[tilespmem:s8+$0x8A90] =	vst v0  }
0x217: {  	[tilespmem:s8+$0x8AA0] =	vst v0  }
0x218: {  	[tilespmem:s8+$0x8AB0] =	vst v0  }
0x219: {  	[tilespmem:s8+$0x8AC0] =	vst v0  }
0x21a: {  	[tilespmem:s8+$0x8AD0] =	vst v0  }
0x21b: {  	[tilespmem:s8+$0x8AE0] =	vst v0  }
0x21c: {  	[tilespmem:s8+$0x8AF0] =	vst v0  }
.Ltmp13:
0x21d: {  	[tilespmem:s8+$0x8E80] =	vst v0;
	(pc) =	sbr.rel @p0 .LBB2_15-.Ltmp13, $4  }
0x21e: {  	[tilespmem:s8+$0x8E90] =	vst v0  }
0x21f: {  	[tilespmem:s8+$0x8EA0] =	vst v0  }
0x220: {  	[tilespmem:s8+$0x8EB0] =	vst v0  }
0x221: {  	s10 =	sadd.s32 $0x80, s10;
	s12 =	sadd.s32 $0x200, s12;
	[tilespmem:s8+$0x8EC0] =	vst v0  }
.LBB2_16:
0x222: {  	[tilespmem:s8+$0x8ED0] =	vst v0  }
0x223: {  	[tilespmem:s8+$0x8EE0] =	vst v0  }
.LBB2_17:
0x224: {  	s5 =	sor.u32 s31, s5  }
0x225: {  	s5 =	sshll.u32 s5, $0x6  }
0x226: {  	s8 =	simm.s32 $0x8280;
	s5 =	sadd.s32 s3, s5  }
0x227: {  	[hbm4b:s5+s4] =	stream.linear.scatter [tilespmem:s8], [sflag:$0x6], $0x4000, $0x38;
	[tilespmem:$0x14280] =	vst v63  }
.LBB2_18:
.Ltmp14:
0x228: {  	(pc) =	sbr.rel @p5 .LBB2_24-.Ltmp14, $1  }
0x229: {  	_ =	sdelay $0x3  }
0x22a: {  	p0 =	sgt.u32 s26, $0x1F  }
.Ltmp15:
0x22b: {  	_ = 	snop;
	(pc) =	sbr.rel @p0 .LBB2_23-.Ltmp15, $4  }
0x22c: {  	_ = 	snop  }
0x22d: {  	_ =	swait.ge [sflag:s15], $0x4000  }
0x22e: {  	[sflag:s15] =	ssyncset.done $0x0  }
0x22f: {  	[sflag:s15] =	ssyncadd.s32 $0xFFFFC000  }
0x230: {  	s5 =	ssub.s32 s28, s2  }
0x231: {  	s5 =	sadd.s32 $0xFFFFF800, s5  }
0x232: {  	p0 =	sgt.s32 s5, $0x0  }
0x233: {  	s5 =	simm.s32 @!p0 $0x0  }
0x234: {  	s8 =	smin.u32 s5, $0x20  }
0x235: {  	s9 =	sshll.u32 s8, $0x7;
	s10 =	sshll.u32 s8, $0x9  }
0x236: {  	s20 =	sand.u32 $0x3000, s10;
	s12 =	sand.u32 $0x380, s9  }
0x237: {  	s5 =	sor.u32 s12, s20  }
0x238: {  	[tilespmem:s5+$0xCEF0] =	vst v0  }
0x239: {  	[tilespmem:s5+$0xC280] =	vst v0  }
0x23a: {  	[tilespmem:s5+$0xC290] =	vst v0  }
0x23b: {  	[tilespmem:s5+$0xC2A0] =	vst v0  }
0x23c: {  	[tilespmem:s5+$0xC2B0] =	vst v0  }
0x23d: {  	[tilespmem:s5+$0xC2C0] =	vst v0  }
0x23e: {  	[tilespmem:s5+$0xC2D0] =	vst v0  }
0x23f: {  	[tilespmem:s5+$0xC2E0] =	vst v0  }
0x240: {  	[tilespmem:s5+$0xC2F0] =	vst v0  }
0x241: {  	[tilespmem:s5+$0xC680] =	vst v0  }
0x242: {  	[tilespmem:s5+$0xC690] =	vst v0  }
0x243: {  	[tilespmem:s5+$0xC6A0] =	vst v0  }
0x244: {  	[tilespmem:s5+$0xC6B0] =	vst v0  }
0x245: {  	[tilespmem:s5+$0xC6C0] =	vst v0  }
0x246: {  	[tilespmem:s5+$0xC6D0] =	vst v0  }
0x247: {  	[tilespmem:s5+$0xC6E0] =	vst v0  }
0x248: {  	[tilespmem:s5+$0xC6F0] =	vst v0  }
0x249: {  	[tilespmem:s5+$0xCA80] =	vst v0  }
0x24a: {  	[tilespmem:s5+$0xCA90] =	vst v0  }
0x24b: {  	[tilespmem:s5+$0xCAA0] =	vst v0  }
0x24c: {  	[tilespmem:s5+$0xCAB0] =	vst v0  }
0x24d: {  	[tilespmem:s5+$0xCAC0] =	vst v0  }
0x24e: {  	s8 =	sadd.s32 $0xFFFFFFFF, s8;
	[tilespmem:s5+$0xCAD0] =	vst v0  }
0x24f: {  	s8 =	sadd.s32 $0x1, s8;
	[tilespmem:s5+$0xCAE0] =	vst v0  }
0x250: {  	p0 =	slt.u32 s8, $0x1F;
	[tilespmem:s5+$0xCAF0] =	vst v0  }
.Ltmp16:
0x251: {  	[tilespmem:s5+$0xCE80] =	vst v0;
	(pc) =	sbr.rel @!p0 .LBB2_22-.Ltmp16, $4  }
0x252: {  	[tilespmem:s5+$0xCE90] =	vst v0  }
0x253: {  	[tilespmem:s5+$0xCEA0] =	vst v0  }
0x254: {  	[tilespmem:s5+$0xCEB0] =	vst v0  }
0x255: {  	s9 =	sadd.s32 $0x80, s9;
	s10 =	sadd.s32 $0x200, s10;
	[tilespmem:s5+$0xCEC0] =	vst v0  }
.LBB2_21:
0x256: {  	s12 =	sand.u32 $0x3000, s10;
	s14 =	sand.u32 $0x380, s9;
	s8 =	sadd.s32 $0x1, s8;
	[tilespmem:s5+$0xCED0] =	vst v0  }
0x257: {  	p0 =	slt.u32 s8, $0x1F;
	[tilespmem:s5+$0xCEE0] =	vst v0;
	s5 =	sor.u32 s14, s12  }
0x258: {  	[tilespmem:s5+$0xCEF0] =	vst v0  }
0x259: {  	[tilespmem:s5+$0xC280] =	vst v0  }
0x25a: {  	[tilespmem:s5+$0xC290] =	vst v0  }
0x25b: {  	[tilespmem:s5+$0xC2A0] =	vst v0  }
0x25c: {  	[tilespmem:s5+$0xC2B0] =	vst v0  }
0x25d: {  	[tilespmem:s5+$0xC2C0] =	vst v0  }
0x25e: {  	[tilespmem:s5+$0xC2D0] =	vst v0  }
0x25f: {  	[tilespmem:s5+$0xC2E0] =	vst v0  }
0x260: {  	[tilespmem:s5+$0xC2F0] =	vst v0  }
0x261: {  	[tilespmem:s5+$0xC680] =	vst v0  }
0x262: {  	[tilespmem:s5+$0xC690] =	vst v0  }
0x263: {  	[tilespmem:s5+$0xC6A0] =	vst v0  }
0x264: {  	[tilespmem:s5+$0xC6B0] =	vst v0  }
0x265: {  	[tilespmem:s5+$0xC6C0] =	vst v0  }
0x266: {  	[tilespmem:s5+$0xC6D0] =	vst v0  }
0x267: {  	[tilespmem:s5+$0xC6E0] =	vst v0  }
0x268: {  	[tilespmem:s5+$0xC6F0] =	vst v0  }
0x269: {  	[tilespmem:s5+$0xCA80] =	vst v0  }
0x26a: {  	[tilespmem:s5+$0xCA90] =	vst v0  }
0x26b: {  	[tilespmem:s5+$0xCAA0] =	vst v0  }
0x26c: {  	[tilespmem:s5+$0xCAB0] =	vst v0  }
0x26d: {  	[tilespmem:s5+$0xCAC0] =	vst v0  }
0x26e: {  	[tilespmem:s5+$0xCAD0] =	vst v0  }
0x26f: {  	[tilespmem:s5+$0xCAE0] =	vst v0  }
0x270: {  	[tilespmem:s5+$0xCAF0] =	vst v0  }
.Ltmp17:
0x271: {  	[tilespmem:s5+$0xCE80] =	vst v0;
	(pc) =	sbr.rel @p0 .LBB2_21-.Ltmp17, $4  }
0x272: {  	[tilespmem:s5+$0xCE90] =	vst v0  }
0x273: {  	[tilespmem:s5+$0xCEA0] =	vst v0  }
0x274: {  	[tilespmem:s5+$0xCEB0] =	vst v0  }
0x275: {  	s9 =	sadd.s32 $0x80, s9;
	s10 =	sadd.s32 $0x200, s10;
	[tilespmem:s5+$0xCEC0] =	vst v0  }
.LBB2_22:
0x276: {  	[tilespmem:s5+$0xCED0] =	vst v0  }
0x277: {  	[tilespmem:s5+$0xCEE0] =	vst v0  }
.LBB2_23:
0x278: {  	s0 =	sor.u32 s31, s0  }
0x279: {  	s0 =	sshll.u32 s0, $0x6  }
0x27a: {  	s5 =	simm.s32 $0xC280;
	s0 =	sadd.s32 s3, s0  }
0x27b: {  	[hbm4b:s0+s4] =	stream.linear.scatter [tilespmem:s5], [sflag:$0x7], $0x4000, $0x38;
	[tilespmem:$0x14280] =	vst v63  }
.LBB2_24:
.Ltmp18:
0x27c: {  	(pc) =	sbr.rel @p4 .LBB2_30-.Ltmp18, $2  }
0x27d: {  	s0 =	sld [smem:$0x7FC];
	_ =	sdelay $0x2  }
0x27e: {  	p5 =	seq.s32 s0, $0x1  }
0x27f: {  	p0 =	sgt.u32 s29, $0x1F  }
.Ltmp19:
0x280: {  	_ = 	snop;
	(pc) =	sbr.rel @p0 .LBB2_29-.Ltmp19, $4  }
0x281: {  	_ = 	snop  }
0x282: {  	_ =	swait.ge [sflag:s17], $0x4000  }
0x283: {  	[sflag:s17] =	ssyncset.done $0x0  }
0x284: {  	[sflag:s17] =	ssyncadd.s32 $0xFFFFC000  }
0x285: {  	s0 =	ssub.s32 s28, s2  }
0x286: {  	s0 =	sadd.s32 $0xFFFFF400, s0  }
0x287: {  	p0 =	sgt.s32 s0, $0x0  }
0x288: {  	s0 =	simm.s32 @!p0 $0x0  }
0x289: {  	s20 =	smin.u32 s0, $0x20  }
0x28a: {  	s5 =	sshll.u32 s20, $0x7;
	s8 =	sshll.u32 s20, $0x9  }
0x28b: {  	s28 =	sand.u32 $0x3000, s8;
	s9 =	sand.u32 $0x380, s5  }
0x28c: {  	s9 =	sor.u32 s9, s28  }
0x28d: {  	s0 =	sadd.s32 $0x10280, s9;
	[tilespmem:s9+$0x10280] =	vst v0  }
0x28e: {  	[tilespmem:s0+$0x10] =	vst v0  }
0x28f: {  	[tilespmem:s0+$0x20] =	vst v0  }
0x290: {  	[tilespmem:s0+$0x30] =	vst v0  }
0x291: {  	[tilespmem:s0+$0x40] =	vst v0  }
0x292: {  	[tilespmem:s0+$0x50] =	vst v0  }
0x293: {  	[tilespmem:s0+$0x60] =	vst v0  }
0x294: {  	[tilespmem:s0+$0x70] =	vst v0  }
0x295: {  	[tilespmem:s0+$0x400] =	vst v0  }
0x296: {  	[tilespmem:s0+$0x410] =	vst v0  }
0x297: {  	[tilespmem:s0+$0x420] =	vst v0  }
0x298: {  	[tilespmem:s0+$0x430] =	vst v0  }
0x299: {  	[tilespmem:s0+$0x440] =	vst v0  }
0x29a: {  	[tilespmem:s0+$0x450] =	vst v0  }
0x29b: {  	[tilespmem:s0+$0x460] =	vst v0  }
0x29c: {  	[tilespmem:s0+$0x470] =	vst v0  }
0x29d: {  	[tilespmem:s0+$0x800] =	vst v0  }
0x29e: {  	[tilespmem:s0+$0x810] =	vst v0  }
0x29f: {  	[tilespmem:s0+$0x820] =	vst v0  }
0x2a0: {  	[tilespmem:s0+$0x830] =	vst v0  }
0x2a1: {  	[tilespmem:s0+$0x840] =	vst v0  }
0x2a2: {  	[tilespmem:s0+$0x850] =	vst v0  }
0x2a3: {  	s2 =	sadd.s32 $0xFFFFFFFF, s20;
	[tilespmem:s0+$0x860] =	vst v0  }
0x2a4: {  	s2 =	sadd.s32 $0x1, s2;
	[tilespmem:s0+$0x870] =	vst v0  }
0x2a5: {  	p0 =	slt.u32 s2, $0x1F;
	[tilespmem:s0+$0xC00] =	vst v0  }
.Ltmp20:
0x2a6: {  	[tilespmem:s0+$0xC10] =	vst v0;
	(pc) =	sbr.rel @!p0 .LBB2_28-.Ltmp20, $4  }
0x2a7: {  	[tilespmem:s0+$0xC20] =	vst v0  }
0x2a8: {  	[tilespmem:s0+$0xC30] =	vst v0  }
0x2a9: {  	[tilespmem:s0+$0xC40] =	vst v0  }
0x2aa: {  	s5 =	sadd.s32 $0x80, s5;
	s8 =	sadd.s32 $0x200, s8;
	[tilespmem:s0+$0xC50] =	vst v0  }
.LBB2_27:
0x2ab: {  	s9 =	sand.u32 $0x3000, s8;
	s10 =	sand.u32 $0x380, s5;
	s2 =	sadd.s32 $0x1, s2;
	[tilespmem:s0+$0xC60] =	vst v0  }
0x2ac: {  	s9 =	sor.u32 s10, s9;
	p0 =	slt.u32 s2, $0x1F;
	[tilespmem:s0+$0xC70] =	vst v0  }
0x2ad: {  	s0 =	sadd.s32 $0x10280, s9;
	[tilespmem:s9+$0x10280] =	vst v0  }
0x2ae: {  	[tilespmem:s0+$0x10] =	vst v0  }
0x2af: {  	[tilespmem:s0+$0x20] =	vst v0  }
0x2b0: {  	[tilespmem:s0+$0x30] =	vst v0  }
0x2b1: {  	[tilespmem:s0+$0x40] =	vst v0  }
0x2b2: {  	[tilespmem:s0+$0x50] =	vst v0  }
0x2b3: {  	[tilespmem:s0+$0x60] =	vst v0  }
0x2b4: {  	[tilespmem:s0+$0x70] =	vst v0  }
0x2b5: {  	[tilespmem:s0+$0x400] =	vst v0  }
0x2b6: {  	[tilespmem:s0+$0x410] =	vst v0  }
0x2b7: {  	[tilespmem:s0+$0x420] =	vst v0  }
0x2b8: {  	[tilespmem:s0+$0x430] =	vst v0  }
0x2b9: {  	[tilespmem:s0+$0x440] =	vst v0  }
0x2ba: {  	[tilespmem:s0+$0x450] =	vst v0  }
0x2bb: {  	[tilespmem:s0+$0x460] =	vst v0  }
0x2bc: {  	[tilespmem:s0+$0x470] =	vst v0  }
0x2bd: {  	[tilespmem:s0+$0x800] =	vst v0  }
0x2be: {  	[tilespmem:s0+$0x810] =	vst v0  }
0x2bf: {  	[tilespmem:s0+$0x820] =	vst v0  }
0x2c0: {  	[tilespmem:s0+$0x830] =	vst v0  }
0x2c1: {  	[tilespmem:s0+$0x840] =	vst v0  }
0x2c2: {  	[tilespmem:s0+$0x850] =	vst v0  }
0x2c3: {  	[tilespmem:s0+$0x860] =	vst v0  }
0x2c4: {  	[tilespmem:s0+$0x870] =	vst v0  }
0x2c5: {  	[tilespmem:s0+$0xC00] =	vst v0  }
.Ltmp21:
0x2c6: {  	[tilespmem:s0+$0xC10] =	vst v0;
	(pc) =	sbr.rel @p0 .LBB2_27-.Ltmp21, $4  }
0x2c7: {  	[tilespmem:s0+$0xC20] =	vst v0  }
0x2c8: {  	[tilespmem:s0+$0xC30] =	vst v0  }
0x2c9: {  	[tilespmem:s0+$0xC40] =	vst v0  }
0x2ca: {  	s5 =	sadd.s32 $0x80, s5;
	s8 =	sadd.s32 $0x200, s8;
	[tilespmem:s0+$0xC50] =	vst v0  }
.Ltmp22:
0x2cb: {  	_ = 	snop;
	(pc) =	sbr.rel .LBB2_28-.Ltmp22, $1  }
0x2cc: {  	_ =	sdelay $0x3  }
.LBB2_31:
0x2cd: {  	s0 =	simm.s32 @p3 $0x5  }
0x2ce: {  	_ =	swait.ge @p3 [sflag:s0], $0x4000  }
0x2cf: {  	[sflag:s0] =	ssyncset.done @p3 $0x0  }
0x2d0: {  	[sflag:s0] =	ssyncadd.s32 @p3 $0xFFFFC000;
	s0 =	simm.s32 @p2 $0x6  }
0x2d1: {  	_ =	swait.ge @p2 [sflag:s0], $0x4000  }
0x2d2: {  	[sflag:s0] =	ssyncset.done @p2 $0x0  }
0x2d3: {  	[sflag:s0] =	ssyncadd.s32 @p2 $0xFFFFC000;
	s0 =	simm.s32 @p5 $0x7  }
0x2d4: {  	p0 =	slt.s32 s21, $0x1;
	_ =	swait.ge @p5 [sflag:s0], $0x4000  }
.Ltmp23:
0x2d5: {  	[sflag:s0] =	ssyncset.done @p5 $0x0;
	(pc) =	sbr.rel @p0 .LBB2_35-.Ltmp23, $4  }
0x2d6: {  	[sflag:s0] =	ssyncadd.s32 @p5 $0xFFFFC000;
	s0 =	simm.s32 @p1 $0x8  }
0x2d7: {  	_ =	swait.ge @p1 [sflag:s0], $0x4000  }
0x2d8: {  	[sflag:s0] =	ssyncset.done @p1 $0x0;
	s14 =	rddreg [dreg:$0x5]  }
0x2d9: {  	s2 =	rddreg [dreg:$0x6];
	[sflag:s0] =	ssyncadd.s32 @p1 $0xFFFFC000;
	s0 =	simm.s32 $0x0  }
0x2da: {  	s0 =	sadd.s32 $0x1, s0  }
0x2db: {  	p0 =	slt.s32 s0, s21  }
.Ltmp24:
0x2dc: {  	_ = 	snop;
	(pc) =	sbr.rel @!p0 .LBB2_34-.Ltmp24, $3  }
0x2dd: {  	_ =	sdelay $0x1  }
0x2de: {  	_ =	swait.ge [sflag:s19], $0x4000  }
0x2df: {  	[sflag:s19] =	ssyncset.done $0x0  }
.LBB2_33:
0x2e0: {  	s0 =	sadd.s32 $0x1, s0  }
0x2e1: {  	[sflag:s19] =	ssyncadd.s32 $0xFFFFC000;
	p0 =	slt.s32 s0, s21  }
.Ltmp25:
0x2e2: {  	(pc) =	sbr.rel @p0 .LBB2_33-.Ltmp25, $3  }
0x2e3: {  	_ =	sdelay $0x1  }
0x2e4: {  	_ =	swait.ge [sflag:s19], $0x4000  }
0x2e5: {  	[sflag:s19] =	ssyncset.done $0x0  }
.Ltmp26:
0x2e6: {  	_ = 	snop;
	(pc) =	sbr.rel .LBB2_34-.Ltmp26, $1  }
0x2e7: {  	_ =	sdelay $0x3  }
.LBB2_36:
0x2e8: {  	_ =	sfence.sel $0x180000  }
0x2e9: {  	[bflag:$0x0] =	sbarrier.arrive $0xFFFF  }
0x2ea: {  	_ =	strace $0x90000047  }
0x2eb: {  	s0 =	stileid.u32;
	[bflag:$0x2] =	sbarrier.arrive $0xFFFF  }
0x2ec: {  	p0 =	sne.s32 s0, $0x0;
	s0 =	rddreg [dreg:$0x3]  }
0x2ed: {  	s0 =	sadd.s32 @!p0 $0x100000, s0  }
0x2ee: {  	[sflag:s0] =	ssyncadd.tile.s32 @!p0 $0x1;
	_ =	shalt  }
.Lfunc_end2:
_tile_overlayer_lowered:
.L_overlay_start_2:
0x2ef: {  	(tag) =	ssettag $0x2  }
0x2f0: {  	s0 =	rddreg [dreg:$0x0];
	s2 =	stileid.u32  }
0x2f1: {  	s1 =	rddreg [dreg:$0x1];
	p0 =	sne.s32 s2, $0x0  }
0x2f2: {  	s3 =	rddreg [dreg:$0x2];
	[bflag:$0x3] =	sbarrier.arrive $0xFFFF;
	s2 =	simm.s32 @!p0 $0x1C0A  }
0x2f3: {  	[timem:s3], [sflag:s2] =	dma.local @!p0 [hbm:s0], s1  }
0x2f4: {  	s0 =	simm.s32 @!p0 $0xA  }
0x2f5: {  	_ =	swait.ge @!p0 [sflag:s0], s1  }
0x2f6: {  	s1 =	ssub.s32 @!p0 $0x0, s1;
	[sflag:s0] =	ssyncset.done @!p0 $0x0  }
0x2f7: {  	[sflag:s0] =	ssyncadd.s32 @!p0 s1  }
0x2f8: {  	[bflag:$0x3] =	sbarrier.arrive $0xFFFF  }
0x2f9: {  	_ =	shalt  }

</sc_bundles>
